<compile_context>
chip_gen: v7x
topology: tpu7x:2x2x1
jax: 0.10.2.dev20260603
libtpu: 0.0.44.dev20260713+nightly
codegen_flags: <defaults>
</compile_context>

<pallas_src>
import functools
import jax
import jax.numpy as jnp
from jax import lax
from jax.experimental import pallas as pl
from jax.experimental.pallas import tpu as pltpu
from jax.experimental.pallas import tpu_sc as plsc

N = 10000
E = 320000
EMB = 128
LD = 8
HID = 64
ED = 16

NC = 2
NS = 16
NW = NC * NS

BE = 2000



def _sc_gather(table, idx, chunk):
    V, D = table.shape
    B = idx.shape[0]
    per_w = B // NW
    n_chunks = per_w // chunk
    mesh = plsc.VectorSubcoreMesh(core_axis_name="c", subcore_axis_name="s")

    @functools.partial(
        pl.kernel, mesh=mesh,
        out_type=jax.ShapeDtypeStruct((B, D), jnp.float32),
        scratch_types=[
            pltpu.VMEM((chunk,), jnp.int32),
            pltpu.VMEM((chunk, D), jnp.float32),
            pltpu.SemaphoreType.DMA,
        ],
    )
    def k(table_hbm, idx_hbm, out_hbm, idx_v, rows_v, sem):
        wid = lax.axis_index("s") * NC + lax.axis_index("c")

        def body(j, carry):
            base = wid * per_w + j * chunk
            pltpu.sync_copy(idx_hbm.at[pl.ds(base, chunk)], idx_v)
            pltpu.async_copy(table_hbm.at[idx_v], rows_v, sem).wait()
            pltpu.sync_copy(rows_v, out_hbm.at[pl.ds(base, chunk)])
            return carry

        lax.fori_loop(0, n_chunks, body, 0)

    return k(table, idx)


def _sc_gather2(table, src, dst, chunk):
    V, D = table.shape
    B = src.shape[0]
    per_w = B // NW
    n_chunks = per_w // chunk
    mesh = plsc.VectorSubcoreMesh(core_axis_name="c", subcore_axis_name="s")

    @functools.partial(
        pl.kernel, mesh=mesh,
        out_type=[jax.ShapeDtypeStruct((B, D), jnp.float32),
                  jax.ShapeDtypeStruct((B, D), jnp.float32)],
        scratch_types=[
            pltpu.VMEM((chunk,), jnp.int32),
            pltpu.VMEM((chunk,), jnp.int32),
            pltpu.VMEM((chunk, D), jnp.float32),
            pltpu.VMEM((chunk, D), jnp.float32),
            pltpu.SemaphoreType.DMA,
            pltpu.SemaphoreType.DMA,
        ],
    )
    def k(table_hbm, src_hbm, dst_hbm, cs_hbm, cd_hbm,
          si_v, di_v, sr_v, dr_v, sem1, sem2):
        wid = lax.axis_index("s") * NC + lax.axis_index("c")

        def body(j, carry):
            base = wid * per_w + j * chunk
            pltpu.sync_copy(src_hbm.at[pl.ds(base, chunk)], si_v)
            pltpu.sync_copy(dst_hbm.at[pl.ds(base, chunk)], di_v)
            a = pltpu.async_copy(table_hbm.at[si_v], sr_v, sem1)
            b = pltpu.async_copy(table_hbm.at[di_v], dr_v, sem2)
            a.wait()
            pltpu.sync_copy(sr_v, cs_hbm.at[pl.ds(base, chunk)])
            b.wait()
            pltpu.sync_copy(dr_v, cd_hbm.at[pl.ds(base, chunk)])
            return carry

        lax.fori_loop(0, n_chunks, body, 0)

    return k(table, src, dst)


NP = 10240


def _sc_scatter_sum(rows, dst, chunk):
    Dm = rows.shape[1]
    per_w = rows.shape[0] // NW
    n_chunks = per_w // chunk
    rows_per_sub = NP // NS
    pieces = rows_per_sub // 160
    mesh = plsc.VectorSubcoreMesh(core_axis_name="c", subcore_axis_name="s")
    zeros = jnp.zeros((NP, Dm), jnp.float32)

    @functools.partial(
        pl.kernel, mesh=mesh,
        out_type=jax.ShapeDtypeStruct((2 * NP, Dm), jnp.float32),
        scratch_types=[
            pltpu.VMEM((chunk,), jnp.int32),
            pltpu.VMEM((chunk, Dm), jnp.float32),
            pltpu.VMEM_SHARED((NP, Dm), jnp.float32),
        ],
    )
    def k(rows_hbm, idx_hbm, zeros_hbm, out_hbm, idx_v, rows_v, acc):
        cid = lax.axis_index("c")
        sid = lax.axis_index("s")
        for t in range(pieces):
            off = sid * rows_per_sub + t * 160
            pltpu.sync_copy(zeros_hbm.at[pl.ds(off, 160)],
                            rows_v.at[pl.ds(0, 160)])
            pltpu.sync_copy(rows_v.at[pl.ds(0, 160)], acc.at[pl.ds(off, 160)])
        plsc.subcore_barrier()

        def body(j, carry):
            base = (cid * NS + sid) * per_w + j * chunk
            pltpu.sync_copy(idx_hbm.at[pl.ds(base, chunk)], idx_v)
            pltpu.sync_copy(rows_hbm.at[pl.ds(base, chunk)], rows_v)
            pltpu.sync_copy(rows_v, acc.at[idx_v], add=True)
            return carry

        lax.fori_loop(0, n_chunks, body, 0)
        plsc.subcore_barrier()
        for t in range(pieces):
            off = sid * rows_per_sub + t * 160
            pltpu.sync_copy(acc.at[pl.ds(off, 160)],
                            rows_v.at[pl.ds(0, 160)])
            pltpu.sync_copy(rows_v.at[pl.ds(0, 160)],
                            out_hbm.at[pl.ds(cid * NP + off, 160)])

    return k(rows, dst, zeros)



def _edge_body(ea_ref, x_ref, W1_ref, b1_ref, W2p_ref, R_ref, S16_ref,
               b2r16_ref, cr_ref, out_ref):
    ea = ea_ref[...]
    x = x_ref[...]
    h = jnp.maximum(
        jnp.dot(ea, W1_ref[...], preferred_element_type=jnp.float32)
        + b1_ref[...], 0.0)
    T = jnp.dot(x, W2p_ref[...], preferred_element_type=jnp.float32)
    ht = jnp.dot(h, R_ref[...], preferred_element_type=jnp.float32)
    U = T * ht
    out_ref[:, 0:ED] = (
        jnp.dot(U, S16_ref[...], preferred_element_type=jnp.float32)
        + jnp.dot(x, b2r16_ref[...], preferred_element_type=jnp.float32)
        + cr_ref[...])


def _latent_body(pa_ref, pb_ref, static_ref, rootW_ref, rootb_ref,
                 P1a_ref, P1b_ref, pb1_ref, out_ref):
    p = (pa_ref[0:N, :] + pa_ref[NP:NP + N, :]
         + pb_ref[0:N, :] + pb_ref[NP:NP + N, :])
    s = p[:, 0:LD]
    cnt = p[:, LD:LD + 1]
    aggr = s / jnp.maximum(cnt, 1.0)
    latent = aggr + jnp.dot(
        static_ref[...], rootW_ref[...],
        preferred_element_type=jnp.float32) + rootb_ref[...]
    left = jnp.dot(latent, P1a_ref[...],
                   preferred_element_type=jnp.float32) + pb1_ref[...]
    right = jnp.dot(latent, P1b_ref[...], preferred_element_type=jnp.float32)
    out_ref[...] = jnp.concatenate([left, right], axis=1)


def _decoder_body(cs_ref, cd_ref, P2_ref, pb2_ref, out_ref):
    g = jnp.maximum(cs_ref[:, 0:HID] + cd_ref[:, HID:EMB], 0.0)
    out_ref[...] = jnp.dot(
        g, P2_ref[...], preferred_element_type=jnp.float32) + pb2_ref[...]



def _edge_msgs(edge_attr, x_src, W1, b1, W2p, R, S16, b2r16, cr):
    grid = (edge_attr.shape[0] // BE,)
    full = lambda shape: pl.BlockSpec(shape, lambda i: (0, 0))
    return pl.pallas_call(
        _edge_body,
        grid=grid,
        in_specs=[
            pl.BlockSpec((BE, ED), lambda i: (i, 0)),
            pl.BlockSpec((BE, EMB), lambda i: (i, 0)),
            full((ED, HID)),
            full((1, HID)),
            full((EMB, HID * LD)),
            full((HID, HID * LD)),
            full((HID * LD, ED)),
            full((EMB, ED)),
            full((1, ED)),
        ],
        out_specs=pl.BlockSpec((BE, EMB), lambda i: (i, 0)),
        out_shape=jax.ShapeDtypeStruct((edge_attr.shape[0], EMB), jnp.float32),
    )(edge_attr, x_src, W1, b1, W2p, R, S16, b2r16, cr)


def _latent(pa, pb, static, rootW, rootb, P1a, P1b, pb1):
    return pl.pallas_call(
        _latent_body,
        out_shape=jax.ShapeDtypeStruct((N, EMB), jnp.float32),
    )(pa, pb, static, rootW, rootb, P1a, P1b, pb1)


def _decoder(cs, cd, P2, pb2):
    grid = (cs.shape[0] // BE,)
    full = lambda shape: pl.BlockSpec(shape, lambda i: (0, 0))
    return pl.pallas_call(
        _decoder_body,
        grid=grid,
        in_specs=[
            pl.BlockSpec((BE, EMB), lambda i: (i, 0)),
            pl.BlockSpec((BE, EMB), lambda i: (i, 0)),
            full((HID, ED)),
            full((1, ED)),
        ],
        out_specs=pl.BlockSpec((BE, ED), lambda i: (i, 0)),
        out_shape=jax.ShapeDtypeStruct((cs.shape[0], ED), jnp.float32),
    )(cs, cd, P2, pb2)



def kernel(static_embeddings, edge_index, edge_attr, W1, b1, W2, b2,
           rootW, rootb, P1, pb1, P2, pb2):
    src = edge_index[0]
    dst = edge_index[1]
    W2p = W2.reshape(HID, EMB, LD).transpose(1, 2, 0).reshape(EMB, HID * LD)
    R = jnp.tile(jnp.eye(HID, dtype=jnp.float32), (1, LD))
    S16 = jnp.zeros((HID * LD, ED), jnp.float32).at[
        jnp.arange(HID * LD), jnp.repeat(jnp.arange(LD), HID)].set(1.0)
    b2r16 = jnp.concatenate(
        [b2.reshape(EMB, LD), jnp.zeros((EMB, ED - LD), jnp.float32)], axis=1)
    cr = jnp.zeros((1, ED), jnp.float32).at[0, LD].set(1.0)

    hE = E // 2
    b1r = b1.reshape(1, HID)
    halves = []
    for s0 in (0, hE):
        srch = lax.dynamic_slice_in_dim(src, s0, hE)
        dsth = lax.dynamic_slice_in_dim(dst, s0, hE)
        eah = lax.dynamic_slice_in_dim(edge_attr, s0, hE)
        xh = _sc_gather(static_embeddings, srch, 200)
        mh = _edge_msgs(eah, xh, W1, b1r, W2p, R, S16, b2r16, cr)
        halves.append((srch, dsth, _sc_scatter_sum(mh, dsth, 200)))
    C = _latent(halves[0][2], halves[1][2], static_embeddings, rootW,
                rootb.reshape(1, LD), P1[0:LD], P1[LD:2 * LD],
                pb1.reshape(1, HID))
    outs = []
    for srch, dsth, _ in halves:
        cs, cd = _sc_gather2(C, srch, dsth, 200)
        outs.append(_decoder(cs, cd, P2, pb2.reshape(1, ED)))
    return jnp.concatenate(outs, axis=0)

# --- scband reference (transcript-rebuilt; emitter-appended) ---
"""Pipeline reference for scband-graph-autoencoder-33981781246136 (READ-ONLY COPY).

The authoritative reference and input builder live on the scoring server;
editing this copy changes nothing except your own understanding.
"""

import jax, jax.numpy as jnp
import numpy as np

N_NODES = 10000
N_EDGES = 320000
EMB_DIM = 128
LATENT_DIM = 8
EDGE_DIM = 16


def setup_inputs(seed: int = 0) -> dict:
    key = jax.random.key(seed)
    ks = jax.random.split(key, 10)
    static_embeddings = jax.random.normal(ks[0], (N_NODES, EMB_DIM), dtype=jnp.float32)
    edge_index = jax.random.randint(ks[1], (2, N_EDGES), 0, N_NODES, dtype=jnp.int32)
    edge_attr = jax.random.normal(ks[2], (N_EDGES, EDGE_DIM), dtype=jnp.float32)
    def lin(k, fan_in, fan_out):
        return jax.random.normal(k, (fan_in, fan_out), dtype=jnp.float32) / np.sqrt(fan_in)
    W1 = lin(ks[3], EDGE_DIM, 64)
    b1 = jnp.zeros((64,), dtype=jnp.float32)
    W2 = lin(ks[4], 64, EMB_DIM * LATENT_DIM)
    b2 = jnp.zeros((EMB_DIM * LATENT_DIM,), dtype=jnp.float32)
    rootW = lin(ks[5], EMB_DIM, LATENT_DIM)
    rootb = jnp.zeros((LATENT_DIM,), dtype=jnp.float32)
    P1 = lin(ks[6], 2 * LATENT_DIM, 64)
    pb1 = jnp.zeros((64,), dtype=jnp.float32)
    P2 = lin(ks[7], 64, EDGE_DIM)
    pb2 = jnp.zeros((EDGE_DIM,), dtype=jnp.float32)
    return {"static_embeddings": static_embeddings, "edge_index": edge_index, "edge_attr": edge_attr,
            "W1": W1, "b1": b1, "W2": W2, "b2": b2, "rootW": rootW, "rootb": rootb,
            "P1": P1, "pb1": pb1, "P2": P2, "pb2": pb2}


def reference(static_embeddings, edge_index, edge_attr, W1, b1, W2, b2, rootW, rootb, P1, pb1, P2, pb2):
    N = static_embeddings.shape[0]
    src = edge_index[0]
    dst = edge_index[1]
    # edge_weight_encoder MLP: edge_attr -> per-edge weight matrix [E, EMB_DIM, LATENT_DIM]
    h = jnp.maximum(edge_attr @ W1 + b1, 0.0) @ W2 + b2
    Wedge = h.reshape(-1, EMB_DIM, LATENT_DIM)
    # NNConv message: x_j (source) transformed by per-edge matrix, mean-aggregated at target
    x_src = jnp.take(static_embeddings, src, axis=0)
    msgs = jnp.einsum('ei,eio->eo', x_src, Wedge)
    summed = jax.ops.segment_sum(msgs, dst, num_segments=N)
    counts = jax.ops.segment_sum(jnp.ones((msgs.shape[0],), dtype=jnp.float32), dst, num_segments=N)
    aggr = summed / jnp.maximum(counts, 1.0)[:, None]
    # root weight + bias (NNConv defaults root_weight=True, bias=True)
    latent = aggr + static_embeddings @ rootW + rootb
    # edge decoder
    lat_src = jnp.take(latent, src, axis=0)
    lat_dst = jnp.take(latent, dst, axis=0)
    edge_input = jnp.concatenate([lat_src, lat_dst], axis=1)
    recon = jnp.maximum(edge_input @ P1 + pb1, 0.0) @ P2 + pb2
    return recon

if __name__ == "__main__":
    import jax
    _d = setup_inputs()
    print(jax.jit(kernel)(*tuple(_d.values())))

</pallas_src>

<mosaic_0001>
#map = affine_map<(d0, d1) -> (0, 0)>
#map1 = affine_map<(d0, d1) -> (0)>
module attributes {stable_mosaic.version = 14 : i64} {
  func.func @k(%arg0: i32, %arg1: i32, %arg2: memref<10000x128xf32, #tpu.memory_space<hbm>>, %arg3: memref<160000xi32, #tpu.memory_space<hbm>>, %arg4: memref<160000x128xf32, #tpu.memory_space<hbm>>, %arg5: memref<200xi32, #tpu.memory_space<vmem>>, %arg6: memref<200x128xf32, #tpu.memory_space<vmem>>, %arg7: memref<!tpu.dma_semaphore, #tpu.memory_space<semaphore_mem>>) attributes {dimension_semantics = [#tpu.dimension_semantics<core_parallel>, #tpu.dimension_semantics<subcore_parallel>], iteration_bounds = array<i64: 2, 16>, scalar_prefetch = 0 : i64, scratch_operands = 3 : i64, tpu.core_type = #tpu.core_type<sc_vector_subcore>, window_params = [{transform_indices = #map}, {transform_indices = #map1}, {transform_indices = #map}]} {
    %mul3A = arith.constant 2 : i32
    %mul3A_0 = arith.muli %arg1, %mul3A : i32
    %add3A = arith.addi %mul3A_0, %arg0 : i32
    %scan3A = arith.constant 0 : i32
    %scan3A_1 = arith.constant 0 : i32
    %scan3A_2 = arith.constant 25 : i32
    %scan3A_3 = arith.addi %scan3A_1, %scan3A_2 : i32
    %scan3A_4 = arith.constant 1 : i32
    scf.for %scan3A_6 = %scan3A_1 to %scan3A_3 step %scan3A_4  : i32 {
      %mul3A_7 = arith.constant 5000 : i32
      %mul3A_8 = arith.muli %add3A, %mul3A_7 : i32
      %mul3A_9 = arith.constant 200 : i32
      %mul3A_10 = arith.muli %scan3A_6, %mul3A_9 : i32
      %add3A_11 = arith.addi %mul3A_8, %mul3A_10 : i32
      "tpu.region"() ({
        %run_scoped3A = tpu.sem_alloc : memref<!tpu.dma_semaphore, #tpu.memory_space<semaphore_mem>>
        %dma_start3A_16 = tpu.memref_slice %arg3[%add3A_11] : memref<160000xi32, #tpu.memory_space<hbm>> -> memref<200xi32, #tpu.memory_space<hbm>>
        %dma_start3A_17 = tpu.memref_slice %arg3[%add3A_11] : memref<160000xi32, #tpu.memory_space<hbm>> -> memref<200xi32, #tpu.memory_space<hbm>>
        tpu.enqueue_dma source(%dma_start3A_17 : memref<200xi32, #tpu.memory_space<hbm>>) target(%arg5 : memref<200xi32, #tpu.memory_space<vmem>>) target_semaphore(%run_scoped3A : memref<!tpu.dma_semaphore, #tpu.memory_space<semaphore_mem>>)
        %dma_wait3A_18 = tpu.memref_slice %arg3[%add3A_11] : memref<160000xi32, #tpu.memory_space<hbm>> -> memref<200xi32, #tpu.memory_space<hbm>>
        %dma_wait3A_19 = tpu.memref_slice %arg3[%add3A_11] : memref<160000xi32, #tpu.memory_space<hbm>> -> memref<200xi32, #tpu.memory_space<hbm>>
        tpu.wait_dma2 semaphore(%run_scoped3A : memref<!tpu.dma_semaphore, #tpu.memory_space<semaphore_mem>>) src(%dma_wait3A_19 : memref<200xi32, #tpu.memory_space<hbm>>) dst(%arg5 : memref<200xi32, #tpu.memory_space<vmem>>)
        tpu.yield
      }) : () -> ()
      %dma_start3A = arith.constant 0 : i32
      %dma_start3A_12 = arith.constant 0 : i32
      %dma_start3A_13 = tpu.memref_slice %arg2[%dma_start3A, %dma_start3A_12] : memref<10000x128xf32, #tpu.memory_space<hbm>> -> memref<10000x128xf32, #tpu.memory_space<hbm>>
      tpu.enqueue_indirect_dma source(%dma_start3A_13 : memref<10000x128xf32, #tpu.memory_space<hbm>>) target(%arg6 : memref<200x128xf32, #tpu.memory_space<vmem>>) offsets(%arg5 : memref<200xi32, #tpu.memory_space<vmem>>) semaphore(%arg7 : memref<!tpu.dma_semaphore, #tpu.memory_space<semaphore_mem>>)
      %dma_wait3A = arith.constant 0 : i32
      %dma_wait3A_14 = arith.constant 0 : i32
      %dma_wait3A_15 = tpu.memref_slice %arg2[%dma_wait3A, %dma_wait3A_14] : memref<10000x128xf32, #tpu.memory_space<hbm>> -> memref<10000x128xf32, #tpu.memory_space<hbm>>
      tpu.wait_indirect_dma semaphore(%arg7 : memref<!tpu.dma_semaphore, #tpu.memory_space<semaphore_mem>>) src(%dma_wait3A_15 : memref<10000x128xf32, #tpu.memory_space<hbm>>) dst(%arg6 : memref<200x128xf32, #tpu.memory_space<vmem>>)
      "tpu.region"() ({
        %run_scoped3A = tpu.sem_alloc : memref<!tpu.dma_semaphore, #tpu.memory_space<semaphore_mem>>
        %dma_start3A_16 = arith.constant 0 : i32
        %dma_start3A_17 = tpu.memref_slice %arg4[%add3A_11, %dma_start3A_16] : memref<160000x128xf32, #tpu.memory_space<hbm>> -> memref<200x128xf32, #tpu.memory_space<hbm>>
        %dma_start3A_18 = arith.constant 0 : i32
        %dma_start3A_19 = tpu.memref_slice %arg4[%add3A_11, %dma_start3A_18] : memref<160000x128xf32, #tpu.memory_space<hbm>> -> memref<200x128xf32, #tpu.memory_space<hbm>>
        tpu.enqueue_dma source(%arg6 : memref<200x128xf32, #tpu.memory_space<vmem>>) target(%dma_start3A_19 : memref<200x128xf32, #tpu.memory_space<hbm>>) target_semaphore(%run_scoped3A : memref<!tpu.dma_semaphore, #tpu.memory_space<semaphore_mem>>)
        %dma_wait3A_20 = arith.constant 0 : i32
        %dma_wait3A_21 = tpu.memref_slice %arg4[%add3A_11, %dma_wait3A_20] : memref<160000x128xf32, #tpu.memory_space<hbm>> -> memref<200x128xf32, #tpu.memory_space<hbm>>
        %dma_wait3A_22 = arith.constant 0 : i32
        %dma_wait3A_23 = tpu.memref_slice %arg4[%add3A_11, %dma_wait3A_22] : memref<160000x128xf32, #tpu.memory_space<hbm>> -> memref<200x128xf32, #tpu.memory_space<hbm>>
        tpu.wait_dma2 semaphore(%run_scoped3A : memref<!tpu.dma_semaphore, #tpu.memory_space<semaphore_mem>>) src(%arg6 : memref<200x128xf32, #tpu.memory_space<vmem>>) dst(%dma_wait3A_23 : memref<200x128xf32, #tpu.memory_space<hbm>>)
        tpu.yield
      }) : () -> ()
    }
    %scan3A_5 = arith.constant 25 : i32
    return
  }
}

#map = affine_map<(d0, d1) -> (0, 0)>
#map1 = affine_map<(d0, d1) -> (0)>
module attributes {stable_mosaic.version = 14 : i64} {
  func.func @k(%arg0: i32, %arg1: i32, %arg2: memref<160000x128xf32, #tpu.memory_space<hbm>>, %arg3: memref<160000xi32, #tpu.memory_space<hbm>>, %arg4: memref<10240x128xf32, #tpu.memory_space<hbm>>, %arg5: memref<20480x128xf32, #tpu.memory_space<hbm>>, %arg6: memref<200xi32, #tpu.memory_space<vmem>>, %arg7: memref<200x128xf32, #tpu.memory_space<vmem>>, %arg8: memref<10240x128xf32, #tpu.memory_space<vmem_shared>>) attributes {dimension_semantics = [#tpu.dimension_semantics<core_parallel>, #tpu.dimension_semantics<subcore_parallel>], iteration_bounds = array<i64: 2, 16>, scalar_prefetch = 0 : i64, scratch_operands = 3 : i64, tpu.core_type = #tpu.core_type<sc_vector_subcore>, window_params = [{transform_indices = #map}, {transform_indices = #map1}, {transform_indices = #map}, {transform_indices = #map}]} {
    %mul3A = arith.constant 640 : i32
    %mul3A_0 = arith.muli %arg1, %mul3A : i32
    %add3A = arith.constant 0 : i32
    %add3A_1 = arith.addi %mul3A_0, %add3A : i32
    "tpu.region"() ({
      %run_scoped3A = tpu.sem_alloc : memref<!tpu.dma_semaphore, #tpu.memory_space<semaphore_mem>>
      %dma_start3A = arith.constant 0 : i32
      %dma_start3A_48 = arith.constant 0 : i32
      %dma_start3A_49 = tpu.memref_slice %arg7[%dma_start3A, %dma_start3A_48] : memref<200x128xf32, #tpu.memory_space<vmem>> -> memref<160x128xf32, #tpu.memory_space<vmem>>
      %dma_start3A_50 = arith.constant 0 : i32
      %dma_start3A_51 = tpu.memref_slice %arg4[%add3A_1, %dma_start3A_50] : memref<10240x128xf32, #tpu.memory_space<hbm>> -> memref<160x128xf32, #tpu.memory_space<hbm>>
      %dma_start3A_52 = arith.constant 0 : i32
      %dma_start3A_53 = arith.constant 0 : i32
      %dma_start3A_54 = tpu.memref_slice %arg7[%dma_start3A_52, %dma_start3A_53] : memref<200x128xf32, #tpu.memory_space<vmem>> -> memref<160x128xf32, #tpu.memory_space<vmem>>
      %dma_start3A_55 = arith.constant 0 : i32
      %dma_start3A_56 = tpu.memref_slice %arg4[%add3A_1, %dma_start3A_55] : memref<10240x128xf32, #tpu.memory_space<hbm>> -> memref<160x128xf32, #tpu.memory_space<hbm>>
      tpu.enqueue_dma source(%dma_start3A_56 : memref<160x128xf32, #tpu.memory_space<hbm>>) target(%dma_start3A_54 : memref<160x128xf32, #tpu.memory_space<vmem>>) target_semaphore(%run_scoped3A : memref<!tpu.dma_semaphore, #tpu.memory_space<semaphore_mem>>)
      %dma_wait3A = arith.constant 0 : i32
      %dma_wait3A_57 = arith.constant 0 : i32
      %dma_wait3A_58 = tpu.memref_slice %arg7[%dma_wait3A, %dma_wait3A_57] : memref<200x128xf32, #tpu.memory_space<vmem>> -> memref<160x128xf32, #tpu.memory_space<vmem>>
      %dma_wait3A_59 = arith.constant 0 : i32
      %dma_wait3A_60 = tpu.memref_slice %arg4[%add3A_1, %dma_wait3A_59] : memref<10240x128xf32, #tpu.memory_space<hbm>> -> memref<160x128xf32, #tpu.memory_space<hbm>>
      %dma_wait3A_61 = arith.constant 0 : i32
      %dma_wait3A_62 = arith.constant 0 : i32
      %dma_wait3A_63 = tpu.memref_slice %arg7[%dma_wait3A_61, %dma_wait3A_62] : memref<200x128xf32, #tpu.memory_space<vmem>> -> memref<160x128xf32, #tpu.memory_space<vmem>>
      %dma_wait3A_64 = arith.constant 0 : i32
      %dma_wait3A_65 = tpu.memref_slice %arg4[%add3A_1, %dma_wait3A_64] : memref<10240x128xf32, #tpu.memory_space<hbm>> -> memref<160x128xf32, #tpu.memory_space<hbm>>
      tpu.wait_dma2 semaphore(%run_scoped3A : memref<!tpu.dma_semaphore, #tpu.memory_space<semaphore_mem>>) src(%dma_wait3A_65 : memref<160x128xf32, #tpu.memory_space<hbm>>) dst(%dma_wait3A_63 : memref<160x128xf32, #tpu.memory_space<vmem>>)
      tpu.yield
    }) : () -> ()
    "tpu.region"() ({
      %run_scoped3A = tpu.sem_alloc : memref<!tpu.dma_semaphore, #tpu.memory_space<semaphore_mem>>
      %dma_start3A = arith.constant 0 : i32
      %dma_start3A_48 = arith.constant 0 : i32
      %dma_start3A_49 = tpu.memref_slice %arg7[%dma_start3A, %dma_start3A_48] : memref<200x128xf32, #tpu.memory_space<vmem>> -> memref<160x128xf32, #tpu.memory_space<vmem>>
      %dma_start3A_50 = arith.constant 0 : i32
      %dma_start3A_51 = tpu.memref_slice %arg8[%add3A_1, %dma_start3A_50] : memref<10240x128xf32, #tpu.memory_space<vmem_shared>> -> memref<160x128xf32, #tpu.memory_space<vmem_shared>>
      %dma_start3A_52 = arith.constant 0 : i32
      %dma_start3A_53 = tpu.memref_slice %arg8[%add3A_1, %dma_start3A_52] : memref<10240x128xf32, #tpu.memory_space<vmem_shared>> -> memref<160x128xf32, #tpu.memory_space<vmem_shared>>
      %dma_start3A_54 = arith.constant 0 : i32
      %dma_start3A_55 = arith.constant 0 : i32
      %dma_start3A_56 = tpu.memref_slice %arg7[%dma_start3A_54, %dma_start3A_55] : memref<200x128xf32, #tpu.memory_space<vmem>> -> memref<160x128xf32, #tpu.memory_space<vmem>>
      tpu.enqueue_dma source(%dma_start3A_56 : memref<160x128xf32, #tpu.memory_space<vmem>>) target(%dma_start3A_53 : memref<160x128xf32, #tpu.memory_space<vmem_shared>>) target_semaphore(%run_scoped3A : memref<!tpu.dma_semaphore, #tpu.memory_space<semaphore_mem>>)
      %dma_wait3A = arith.constant 0 : i32
      %dma_wait3A_57 = arith.constant 0 : i32
      %dma_wait3A_58 = tpu.memref_slice %arg7[%dma_wait3A, %dma_wait3A_57] : memref<200x128xf32, #tpu.memory_space<vmem>> -> memref<160x128xf32, #tpu.memory_space<vmem>>
      %dma_wait3A_59 = arith.constant 0 : i32
      %dma_wait3A_60 = tpu.memref_slice %arg8[%add3A_1, %dma_wait3A_59] : memref<10240x128xf32, #tpu.memory_space<vmem_shared>> -> memref<160x128xf32, #tpu.memory_space<vmem_shared>>
      %dma_wait3A_61 = arith.constant 0 : i32
      %dma_wait3A_62 = tpu.memref_slice %arg8[%add3A_1, %dma_wait3A_61] : memref<10240x128xf32, #tpu.memory_space<vmem_shared>> -> memref<160x128xf32, #tpu.memory_space<vmem_shared>>
      %dma_wait3A_63 = arith.constant 0 : i32
      %dma_wait3A_64 = arith.constant 0 : i32
      %dma_wait3A_65 = tpu.memref_slice %arg7[%dma_wait3A_63, %dma_wait3A_64] : memref<200x128xf32, #tpu.memory_space<vmem>> -> memref<160x128xf32, #tpu.memory_space<vmem>>
      tpu.wait_dma2 semaphore(%run_scoped3A : memref<!tpu.dma_semaphore, #tpu.memory_space<semaphore_mem>>) src(%dma_wait3A_65 : memref<160x128xf32, #tpu.memory_space<vmem>>) dst(%dma_wait3A_62 : memref<160x128xf32, #tpu.memory_space<vmem_shared>>)
      tpu.yield
    }) : () -> ()
    %mul3A_2 = arith.constant 640 : i32
    %mul3A_3 = arith.muli %arg1, %mul3A_2 : i32
    %add3A_4 = arith.constant 160 : i32
    %add3A_5 = arith.addi %mul3A_3, %add3A_4 : i32
    "tpu.region"() ({
      %run_scoped3A = tpu.sem_alloc : memref<!tpu.dma_semaphore, #tpu.memory_space<semaphore_mem>>
      %dma_start3A = arith.constant 0 : i32
      %dma_start3A_48 = arith.constant 0 : i32
      %dma_start3A_49 = tpu.memref_slice %arg7[%dma_start3A, %dma_start3A_48] : memref<200x128xf32, #tpu.memory_space<vmem>> -> memref<160x128xf32, #tpu.memory_space<vmem>>
      %dma_start3A_50 = arith.constant 0 : i32
      %dma_start3A_51 = tpu.memref_slice %arg4[%add3A_5, %dma_start3A_50] : memref<10240x128xf32, #tpu.memory_space<hbm>> -> memref<160x128xf32, #tpu.memory_space<hbm>>
      %dma_start3A_52 = arith.constant 0 : i32
      %dma_start3A_53 = arith.constant 0 : i32
      %dma_start3A_54 = tpu.memref_slice %arg7[%dma_start3A_52, %dma_start3A_53] : memref<200x128xf32, #tpu.memory_space<vmem>> -> memref<160x128xf32, #tpu.memory_space<vmem>>
      %dma_start3A_55 = arith.constant 0 : i32
      %dma_start3A_56 = tpu.memref_slice %arg4[%add3A_5, %dma_start3A_55] : memref<10240x128xf32, #tpu.memory_space<hbm>> -> memref<160x128xf32, #tpu.memory_space<hbm>>
      tpu.enqueue_dma source(%dma_start3A_56 : memref<160x128xf32, #tpu.memory_space<hbm>>) target(%dma_start3A_54 : memref<160x128xf32, #tpu.memory_space<vmem>>) target_semaphore(%run_scoped3A : memref<!tpu.dma_semaphore, #tpu.memory_space<semaphore_mem>>)
      %dma_wait3A = arith.constant 0 : i32
      %dma_wait3A_57 = arith.constant 0 : i32
      %dma_wait3A_58 = tpu.memref_slice %arg7[%dma_wait3A, %dma_wait3A_57] : memref<200x128xf32, #tpu.memory_space<vmem>> -> memref<160x128xf32, #tpu.memory_space<vmem>>
      %dma_wait3A_59 = arith.constant 0 : i32
      %dma_wait3A_60 = tpu.memref_slice %arg4[%add3A_5, %dma_wait3A_59] : memref<10240x128xf32, #tpu.memory_space<hbm>> -> memref<160x128xf32, #tpu.memory_space<hbm>>
      %dma_wait3A_61 = arith.constant 0 : i32
      %dma_wait3A_62 = arith.constant 0 : i32
      %dma_wait3A_63 = tpu.memref_slice %arg7[%dma_wait3A_61, %dma_wait3A_62] : memref<200x128xf32, #tpu.memory_space<vmem>> -> memref<160x128xf32, #tpu.memory_space<vmem>>
      %dma_wait3A_64 = arith.constant 0 : i32
      %dma_wait3A_65 = tpu.memref_slice %arg4[%add3A_5, %dma_wait3A_64] : memref<10240x128xf32, #tpu.memory_space<hbm>> -> memref<160x128xf32, #tpu.memory_space<hbm>>
      tpu.wait_dma2 semaphore(%run_scoped3A : memref<!tpu.dma_semaphore, #tpu.memory_space<semaphore_mem>>) src(%dma_wait3A_65 : memref<160x128xf32, #tpu.memory_space<hbm>>) dst(%dma_wait3A_63 : memref<160x128xf32, #tpu.memory_space<vmem>>)
      tpu.yield
    }) : () -> ()
    "tpu.region"() ({
      %run_scoped3A = tpu.sem_alloc : memref<!tpu.dma_semaphore, #tpu.memory_space<semaphore_mem>>
      %dma_start3A = arith.constant 0 : i32
      %dma_start3A_48 = arith.constant 0 : i32
      %dma_start3A_49 = tpu.memref_slice %arg7[%dma_start3A, %dma_start3A_48] : memref<200x128xf32, #tpu.memory_space<vmem>> -> memref<160x128xf32, #tpu.memory_space<vmem>>
      %dma_start3A_50 = arith.constant 0 : i32
      %dma_start3A_51 = tpu.memref_slice %arg8[%add3A_5, %dma_start3A_50] : memref<10240x128xf32, #tpu.memory_space<vmem_shared>> -> memref<160x128xf32, #tpu.memory_space<vmem_shared>>
      %dma_start3A_52 = arith.constant 0 : i32
      %dma_start3A_53 = tpu.memref_slice %arg8[%add3A_5, %dma_start3A_52] : memref<10240x128xf32, #tpu.memory_space<vmem_shared>> -> memref<160x128xf32, #tpu.memory_space<vmem_shared>>
      %dma_start3A_54 = arith.constant 0 : i32
      %dma_start3A_55 = arith.constant 0 : i32
      %dma_start3A_56 = tpu.memref_slice %arg7[%dma_start3A_54, %dma_start3A_55] : memref<200x128xf32, #tpu.memory_space<vmem>> -> memref<160x128xf32, #tpu.memory_space<vmem>>
      tpu.enqueue_dma source(%dma_start3A_56 : memref<160x128xf32, #tpu.memory_space<vmem>>) target(%dma_start3A_53 : memref<160x128xf32, #tpu.memory_space<vmem_shared>>) target_semaphore(%run_scoped3A : memref<!tpu.dma_semaphore, #tpu.memory_space<semaphore_mem>>)
      %dma_wait3A = arith.constant 0 : i32
      %dma_wait3A_57 = arith.constant 0 : i32
      %dma_wait3A_58 = tpu.memref_slice %arg7[%dma_wait3A, %dma_wait3A_57] : memref<200x128xf32, #tpu.memory_space<vmem>> -> memref<160x128xf32, #tpu.memory_space<vmem>>
      %dma_wait3A_59 = arith.constant 0 : i32
      %dma_wait3A_60 = tpu.memref_slice %arg8[%add3A_5, %dma_wait3A_59] : memref<10240x128xf32, #tpu.memory_space<vmem_shared>> -> memref<160x128xf32, #tpu.memory_space<vmem_shared>>
      %dma_wait3A_61 = arith.constant 0 : i32
      %dma_wait3A_62 = tpu.memref_slice %arg8[%add3A_5, %dma_wait3A_61] : memref<10240x128xf32, #tpu.memory_space<vmem_shared>> -> memref<160x128xf32, #tpu.memory_space<vmem_shared>>
      %dma_wait3A_63 = arith.constant 0 : i32
      %dma_wait3A_64 = arith.constant 0 : i32
      %dma_wait3A_65 = tpu.memref_slice %arg7[%dma_wait3A_63, %dma_wait3A_64] : memref<200x128xf32, #tpu.memory_space<vmem>> -> memref<160x128xf32, #tpu.memory_space<vmem>>
      tpu.wait_dma2 semaphore(%run_scoped3A : memref<!tpu.dma_semaphore, #tpu.memory_space<semaphore_mem>>) src(%dma_wait3A_65 : memref<160x128xf32, #tpu.memory_space<vmem>>) dst(%dma_wait3A_62 : memref<160x128xf32, #tpu.memory_space<vmem_shared>>)
      tpu.yield
    }) : () -> ()
    %mul3A_6 = arith.constant 640 : i32
    %mul3A_7 = arith.muli %arg1, %mul3A_6 : i32
    %add3A_8 = arith.constant 320 : i32
    %add3A_9 = arith.addi %mul3A_7, %add3A_8 : i32
    "tpu.region"() ({
      %run_scoped3A = tpu.sem_alloc : memref<!tpu.dma_semaphore, #tpu.memory_space<semaphore_mem>>
      %dma_start3A = arith.constant 0 : i32
      %dma_start3A_48 = arith.constant 0 : i32
      %dma_start3A_49 = tpu.memref_slice %arg7[%dma_start3A, %dma_start3A_48] : memref<200x128xf32, #tpu.memory_space<vmem>> -> memref<160x128xf32, #tpu.memory_space<vmem>>
      %dma_start3A_50 = arith.constant 0 : i32
      %dma_start3A_51 = tpu.memref_slice %arg4[%add3A_9, %dma_start3A_50] : memref<10240x128xf32, #tpu.memory_space<hbm>> -> memref<160x128xf32, #tpu.memory_space<hbm>>
      %dma_start3A_52 = arith.constant 0 : i32
      %dma_start3A_53 = arith.constant 0 : i32
      %dma_start3A_54 = tpu.memref_slice %arg7[%dma_start3A_52, %dma_start3A_53] : memref<200x128xf32, #tpu.memory_space<vmem>> -> memref<160x128xf32, #tpu.memory_space<vmem>>
      %dma_start3A_55 = arith.constant 0 : i32
      %dma_start3A_56 = tpu.memref_slice %arg4[%add3A_9, %dma_start3A_55] : memref<10240x128xf32, #tpu.memory_space<hbm>> -> memref<160x128xf32, #tpu.memory_space<hbm>>
      tpu.enqueue_dma source(%dma_start3A_56 : memref<160x128xf32, #tpu.memory_space<hbm>>) target(%dma_start3A_54 : memref<160x128xf32, #tpu.memory_space<vmem>>) target_semaphore(%run_scoped3A : memref<!tpu.dma_semaphore, #tpu.memory_space<semaphore_mem>>)
      %dma_wait3A = arith.constant 0 : i32
      %dma_wait3A_57 = arith.constant 0 : i32
      %dma_wait3A_58 = tpu.memref_slice %arg7[%dma_wait3A, %dma_wait3A_57] : memref<200x128xf32, #tpu.memory_space<vmem>> -> memref<160x128xf32, #tpu.memory_space<vmem>>
      %dma_wait3A_59 = arith.constant 0 : i32
      %dma_wait3A_60 = tpu.memref_slice %arg4[%add3A_9, %dma_wait3A_59] : memref<10240x128xf32, #tpu.memory_space<hbm>> -> memref<160x128xf32, #tpu.memory_space<hbm>>
      %dma_wait3A_61 = arith.constant 0 : i32
      %dma_wait3A_62 = arith.constant 0 : i32
      %dma_wait3A_63 = tpu.memref_slice %arg7[%dma_wait3A_61, %dma_wait3A_62] : memref<200x128xf32, #tpu.memory_space<vmem>> -> memref<160x128xf32, #tpu.memory_space<vmem>>
      %dma_wait3A_64 = arith.constant 0 : i32
      %dma_wait3A_65 = tpu.memref_slice %arg4[%add3A_9, %dma_wait3A_64] : memref<10240x128xf32, #tpu.memory_space<hbm>> -> memref<160x128xf32, #tpu.memory_space<hbm>>
      tpu.wait_dma2 semaphore(%run_scoped3A : memref<!tpu.dma_semaphore, #tpu.memory_space<semaphore_mem>>) src(%dma_wait3A_65 : memref<160x128xf32, #tpu.memory_space<hbm>>) dst(%dma_wait3A_63 : memref<160x128xf32, #tpu.memory_space<vmem>>)
      tpu.yield
    }) : () -> ()
    "tpu.region"() ({
      %run_scoped3A = tpu.sem_alloc : memref<!tpu.dma_semaphore, #tpu.memory_space<semaphore_mem>>
      %dma_start3A = arith.constant 0 : i32
      %dma_start3A_48 = arith.constant 0 : i32
      %dma_start3A_49 = tpu.memref_slice %arg7[%dma_start3A, %dma_start3A_48] : memref<200x128xf32, #tpu.memory_space<vmem>> -> memref<160x128xf32, #tpu.memory_space<vmem>>
      %dma_start3A_50 = arith.constant 0 : i32
      %dma_start3A_51 = tpu.memref_slice %arg8[%add3A_9, %dma_start3A_50] : memref<10240x128xf32, #tpu.memory_space<vmem_shared>> -> memref<160x128xf32, #tpu.memory_space<vmem_shared>>
      %dma_start3A_52 = arith.constant 0 : i32
      %dma_start3A_53 = tpu.memref_slice %arg8[%add3A_9, %dma_start3A_52] : memref<10240x128xf32, #tpu.memory_space<vmem_shared>> -> memref<160x128xf32, #tpu.memory_space<vmem_shared>>
      %dma_start3A_54 = arith.constant 0 : i32
      %dma_start3A_55 = arith.constant 0 : i32
      %dma_start3A_56 = tpu.memref_slice %arg7[%dma_start3A_54, %dma_start3A_55] : memref<200x128xf32, #tpu.memory_space<vmem>> -> memref<160x128xf32, #tpu.memory_space<vmem>>
      tpu.enqueue_dma source(%dma_start3A_56 : memref<160x128xf32, #tpu.memory_space<vmem>>) target(%dma_start3A_53 : memref<160x128xf32, #tpu.memory_space<vmem_shared>>) target_semaphore(%run_scoped3A : memref<!tpu.dma_semaphore, #tpu.memory_space<semaphore_mem>>)
      %dma_wait3A = arith.constant 0 : i32
      %dma_wait3A_57 = arith.constant 0 : i32
      %dma_wait3A_58 = tpu.memref_slice %arg7[%dma_wait3A, %dma_wait3A_57] : memref<200x128xf32, #tpu.memory_space<vmem>> -> memref<160x128xf32, #tpu.memory_space<vmem>>
      %dma_wait3A_59 = arith.constant 0 : i32
      %dma_wait3A_60 = tpu.memref_slice %arg8[%add3A_9, %dma_wait3A_59] : memref<10240x128xf32, #tpu.memory_space<vmem_shared>> -> memref<160x128xf32, #tpu.memory_space<vmem_shared>>
      %dma_wait3A_61 = arith.constant 0 : i32
      %dma_wait3A_62 = tpu.memref_slice %arg8[%add3A_9, %dma_wait3A_61] : memref<10240x128xf32, #tpu.memory_space<vmem_shared>> -> memref<160x128xf32, #tpu.memory_space<vmem_shared>>
      %dma_wait3A_63 = arith.constant 0 : i32
      %dma_wait3A_64 = arith.constant 0 : i32
      %dma_wait3A_65 = tpu.memref_slice %arg7[%dma_wait3A_63, %dma_wait3A_64] : memref<200x128xf32, #tpu.memory_space<vmem>> -> memref<160x128xf32, #tpu.memory_space<vmem>>
      tpu.wait_dma2 semaphore(%run_scoped3A : memref<!tpu.dma_semaphore, #tpu.memory_space<semaphore_mem>>) src(%dma_wait3A_65 : memref<160x128xf32, #tpu.memory_space<vmem>>) dst(%dma_wait3A_62 : memref<160x128xf32, #tpu.memory_space<vmem_shared>>)
      tpu.yield
    }) : () -> ()
    %mul3A_10 = arith.constant 640 : i32
    %mul3A_11 = arith.muli %arg1, %mul3A_10 : i32
    %add3A_12 = arith.constant 480 : i32
    %add3A_13 = arith.addi %mul3A_11, %add3A_12 : i32
    "tpu.region"() ({
      %run_scoped3A = tpu.sem_alloc : memref<!tpu.dma_semaphore, #tpu.memory_space<semaphore_mem>>
      %dma_start3A = arith.constant 0 : i32
      %dma_start3A_48 = arith.constant 0 : i32
      %dma_start3A_49 = tpu.memref_slice %arg7[%dma_start3A, %dma_start3A_48] : memref<200x128xf32, #tpu.memory_space<vmem>> -> memref<160x128xf32, #tpu.memory_space<vmem>>
      %dma_start3A_50 = arith.constant 0 : i32
      %dma_start3A_51 = tpu.memref_slice %arg4[%add3A_13, %dma_start3A_50] : memref<10240x128xf32, #tpu.memory_space<hbm>> -> memref<160x128xf32, #tpu.memory_space<hbm>>
      %dma_start3A_52 = arith.constant 0 : i32
      %dma_start3A_53 = arith.constant 0 : i32
      %dma_start3A_54 = tpu.memref_slice %arg7[%dma_start3A_52, %dma_start3A_53] : memref<200x128xf32, #tpu.memory_space<vmem>> -> memref<160x128xf32, #tpu.memory_space<vmem>>
      %dma_start3A_55 = arith.constant 0 : i32
      %dma_start3A_56 = tpu.memref_slice %arg4[%add3A_13, %dma_start3A_55] : memref<10240x128xf32, #tpu.memory_space<hbm>> -> memref<160x128xf32, #tpu.memory_space<hbm>>
      tpu.enqueue_dma source(%dma_start3A_56 : memref<160x128xf32, #tpu.memory_space<hbm>>) target(%dma_start3A_54 : memref<160x128xf32, #tpu.memory_space<vmem>>) target_semaphore(%run_scoped3A : memref<!tpu.dma_semaphore, #tpu.memory_space<semaphore_mem>>)
      %dma_wait3A = arith.constant 0 : i32
      %dma_wait3A_57 = arith.constant 0 : i32
      %dma_wait3A_58 = tpu.memref_slice %arg7[%dma_wait3A, %dma_wait3A_57] : memref<200x128xf32, #tpu.memory_space<vmem>> -> memref<160x128xf32, #tpu.memory_space<vmem>>
      %dma_wait3A_59 = arith.constant 0 : i32
      %dma_wait3A_60 = tpu.memref_slice %arg4[%add3A_13, %dma_wait3A_59] : memref<10240x128xf32, #tpu.memory_space<hbm>> -> memref<160x128xf32, #tpu.memory_space<hbm>>
      %dma_wait3A_61 = arith.constant 0 : i32
      %dma_wait3A_62 = arith.constant 0 : i32
      %dma_wait3A_63 = tpu.memref_slice %arg7[%dma_wait3A_61, %dma_wait3A_62] : memref<200x128xf32, #tpu.memory_space<vmem>> -> memref<160x128xf32, #tpu.memory_space<vmem>>
      %dma_wait3A_64 = arith.constant 0 : i32
      %dma_wait3A_65 = tpu.memref_slice %arg4[%add3A_13, %dma_wait3A_64] : memref<10240x128xf32, #tpu.memory_space<hbm>> -> memref<160x128xf32, #tpu.memory_space<hbm>>
      tpu.wait_dma2 semaphore(%run_scoped3A : memref<!tpu.dma_semaphore, #tpu.memory_space<semaphore_mem>>) src(%dma_wait3A_65 : memref<160x128xf32, #tpu.memory_space<hbm>>) dst(%dma_wait3A_63 : memref<160x128xf32, #tpu.memory_space<vmem>>)
      tpu.yield
    }) : () -> ()
    "tpu.region"() ({
      %run_scoped3A = tpu.sem_alloc : memref<!tpu.dma_semaphore, #tpu.memory_space<semaphore_mem>>
      %dma_start3A = arith.constant 0 : i32
      %dma_start3A_48 = arith.constant 0 : i32
      %dma_start3A_49 = tpu.memref_slice %arg7[%dma_start3A, %dma_start3A_48] : memref<200x128xf32, #tpu.memory_space<vmem>> -> memref<160x128xf32, #tpu.memory_space<vmem>>
      %dma_start3A_50 = arith.constant 0 : i32
      %dma_start3A_51 = tpu.memref_slice %arg8[%add3A_13, %dma_start3A_50] : memref<10240x128xf32, #tpu.memory_space<vmem_shared>> -> memref<160x128xf32, #tpu.memory_space<vmem_shared>>
      %dma_start3A_52 = arith.constant 0 : i32
      %dma_start3A_53 = tpu.memref_slice %arg8[%add3A_13, %dma_start3A_52] : memref<10240x128xf32, #tpu.memory_space<vmem_shared>> -> memref<160x128xf32, #tpu.memory_space<vmem_shared>>
      %dma_start3A_54 = arith.constant 0 : i32
      %dma_start3A_55 = arith.constant 0 : i32
      %dma_start3A_56 = tpu.memref_slice %arg7[%dma_start3A_54, %dma_start3A_55] : memref<200x128xf32, #tpu.memory_space<vmem>> -> memref<160x128xf32, #tpu.memory_space<vmem>>
      tpu.enqueue_dma source(%dma_start3A_56 : memref<160x128xf32, #tpu.memory_space<vmem>>) target(%dma_start3A_53 : memref<160x128xf32, #tpu.memory_space<vmem_shared>>) target_semaphore(%run_scoped3A : memref<!tpu.dma_semaphore, #tpu.memory_space<semaphore_mem>>)
      %dma_wait3A = arith.constant 0 : i32
      %dma_wait3A_57 = arith.constant 0 : i32
      %dma_wait3A_58 = tpu.memref_slice %arg7[%dma_wait3A, %dma_wait3A_57] : memref<200x128xf32, #tpu.memory_space<vmem>> -> memref<160x128xf32, #tpu.memory_space<vmem>>
      %dma_wait3A_59 = arith.constant 0 : i32
      %dma_wait3A_60 = tpu.memref_slice %arg8[%add3A_13, %dma_wait3A_59] : memref<10240x128xf32, #tpu.memory_space<vmem_shared>> -> memref<160x128xf32, #tpu.memory_space<vmem_shared>>
      %dma_wait3A_61 = arith.constant 0 : i32
      %dma_wait3A_62 = tpu.memref_slice %arg8[%add3A_13, %dma_wait3A_61] : memref<10240x128xf32, #tpu.memory_space<vmem_shared>> -> memref<160x128xf32, #tpu.memory_space<vmem_shared>>
      %dma_wait3A_63 = arith.constant 0 : i32
      %dma_wait3A_64 = arith.constant 0 : i32
      %dma_wait3A_65 = tpu.memref_slice %arg7[%dma_wait3A_63, %dma_wait3A_64] : memref<200x128xf32, #tpu.memory_space<vmem>> -> memref<160x128xf32, #tpu.memory_space<vmem>>
      tpu.wait_dma2 semaphore(%run_scoped3A : memref<!tpu.dma_semaphore, #tpu.memory_space<semaphore_mem>>) src(%dma_wait3A_65 : memref<160x128xf32, #tpu.memory_space<vmem>>) dst(%dma_wait3A_62 : memref<160x128xf32, #tpu.memory_space<vmem_shared>>)
      tpu.yield
    }) : () -> ()
    %barrier3A = arith.constant 0 : index
    tpu.barrier barrier_id(%barrier3A)
    %scan3A = arith.constant 0 : i32
    %scan3A_14 = arith.constant 0 : i32
    %scan3A_15 = arith.constant 25 : i32
    %scan3A_16 = arith.addi %scan3A_14, %scan3A_15 : i32
    %scan3A_17 = arith.constant 1 : i32
    scf.for %scan3A_48 = %scan3A_14 to %scan3A_16 step %scan3A_17  : i32 {
      %mul3A_49 = arith.constant 16 : i32
      %mul3A_50 = arith.muli %arg0, %mul3A_49 : i32
      %add3A_51 = arith.addi %mul3A_50, %arg1 : i32
      %mul3A_52 = arith.constant 5000 : i32
      %mul3A_53 = arith.muli %add3A_51, %mul3A_52 : i32
      %mul3A_54 = arith.constant 200 : i32
      %mul3A_55 = arith.muli %scan3A_48, %mul3A_54 : i32
      %add3A_56 = arith.addi %mul3A_53, %mul3A_55 : i32
      "tpu.region"() ({
        %run_scoped3A = tpu.sem_alloc : memref<!tpu.dma_semaphore, #tpu.memory_space<semaphore_mem>>
        %dma_start3A = tpu.memref_slice %arg3[%add3A_56] : memref<160000xi32, #tpu.memory_space<hbm>> -> memref<200xi32, #tpu.memory_space<hbm>>
        %dma_start3A_57 = tpu.memref_slice %arg3[%add3A_56] : memref<160000xi32, #tpu.memory_space<hbm>> -> memref<200xi32, #tpu.memory_space<hbm>>
        tpu.enqueue_dma source(%dma_start3A_57 : memref<200xi32, #tpu.memory_space<hbm>>) target(%arg6 : memref<200xi32, #tpu.memory_space<vmem>>) target_semaphore(%run_scoped3A : memref<!tpu.dma_semaphore, #tpu.memory_space<semaphore_mem>>)
        %dma_wait3A = tpu.memref_slice %arg3[%add3A_56] : memref<160000xi32, #tpu.memory_space<hbm>> -> memref<200xi32, #tpu.memory_space<hbm>>
        %dma_wait3A_58 = tpu.memref_slice %arg3[%add3A_56] : memref<160000xi32, #tpu.memory_space<hbm>> -> memref<200xi32, #tpu.memory_space<hbm>>
        tpu.wait_dma2 semaphore(%run_scoped3A : memref<!tpu.dma_semaphore, #tpu.memory_space<semaphore_mem>>) src(%dma_wait3A_58 : memref<200xi32, #tpu.memory_space<hbm>>) dst(%arg6 : memref<200xi32, #tpu.memory_space<vmem>>)
        tpu.yield
      }) : () -> ()
      "tpu.region"() ({
        %run_scoped3A = tpu.sem_alloc : memref<!tpu.dma_semaphore, #tpu.memory_space<semaphore_mem>>
        %dma_start3A = arith.constant 0 : i32
        %dma_start3A_57 = tpu.memref_slice %arg2[%add3A_56, %dma_start3A] : memref<160000x128xf32, #tpu.memory_space<hbm>> -> memref<200x128xf32, #tpu.memory_space<hbm>>
        %dma_start3A_58 = arith.constant 0 : i32
        %dma_start3A_59 = tpu.memref_slice %arg2[%add3A_56, %dma_start3A_58] : memref<160000x128xf32, #tpu.memory_space<hbm>> -> memref<200x128xf32, #tpu.memory_space<hbm>>
        tpu.enqueue_dma source(%dma_start3A_59 : memref<200x128xf32, #tpu.memory_space<hbm>>) target(%arg7 : memref<200x128xf32, #tpu.memory_space<vmem>>) target_semaphore(%run_scoped3A : memref<!tpu.dma_semaphore, #tpu.memory_space<semaphore_mem>>)
        %dma_wait3A = arith.constant 0 : i32
        %dma_wait3A_60 = tpu.memref_slice %arg2[%add3A_56, %dma_wait3A] : memref<160000x128xf32, #tpu.memory_space<hbm>> -> memref<200x128xf32, #tpu.memory_space<hbm>>
        %dma_wait3A_61 = arith.constant 0 : i32
        %dma_wait3A_62 = tpu.memref_slice %arg2[%add3A_56, %dma_wait3A_61] : memref<160000x128xf32, #tpu.memory_space<hbm>> -> memref<200x128xf32, #tpu.memory_space<hbm>>
        tpu.wait_dma2 semaphore(%run_scoped3A : memref<!tpu.dma_semaphore, #tpu.memory_space<semaphore_mem>>) src(%dma_wait3A_62 : memref<200x128xf32, #tpu.memory_space<hbm>>) dst(%arg7 : memref<200x128xf32, #tpu.memory_space<vmem>>)
        tpu.yield
      }) : () -> ()
      "tpu.region"() ({
        %run_scoped3A = tpu.sem_alloc : memref<!tpu.dma_semaphore, #tpu.memory_space<semaphore_mem>>
        %dma_start3A = arith.constant 0 : i32
        %dma_start3A_57 = arith.constant 0 : i32
        %dma_start3A_58 = tpu.memref_slice %arg8[%dma_start3A, %dma_start3A_57] : memref<10240x128xf32, #tpu.memory_space<vmem_shared>> -> memref<10240x128xf32, #tpu.memory_space<vmem_shared>>
        tpu.enqueue_indirect_dma source(%arg7 : memref<200x128xf32, #tpu.memory_space<vmem>>) target(%dma_start3A_58 : memref<10240x128xf32, #tpu.memory_space<vmem_shared>>) offsets(%arg6 : memref<200xi32, #tpu.memory_space<vmem>>) semaphore(%run_scoped3A : memref<!tpu.dma_semaphore, #tpu.memory_space<semaphore_mem>>) {add = true}
        %dma_wait3A = arith.constant 0 : i32
        %dma_wait3A_59 = arith.constant 0 : i32
        %dma_wait3A_60 = tpu.memref_slice %arg8[%dma_wait3A, %dma_wait3A_59] : memref<10240x128xf32, #tpu.memory_space<vmem_shared>> -> memref<10240x128xf32, #tpu.memory_space<vmem_shared>>
        tpu.wait_indirect_dma semaphore(%run_scoped3A : memref<!tpu.dma_semaphore, #tpu.memory_space<semaphore_mem>>) src(%arg7 : memref<200x128xf32, #tpu.memory_space<vmem>>) dst(%dma_wait3A_60 : memref<10240x128xf32, #tpu.memory_space<vmem_shared>>)
        tpu.yield
      }) : () -> ()
    }
    %scan3A_18 = arith.constant 25 : i32
    %barrier3A_19 = arith.constant 0 : index
    tpu.barrier barrier_id(%barrier3A_19)
    %mul3A_20 = arith.constant 640 : i32
    %mul3A_21 = arith.muli %arg1, %mul3A_20 : i32
    %add3A_22 = arith.constant 0 : i32
    %add3A_23 = arith.addi %mul3A_21, %add3A_22 : i32
    "tpu.region"() ({
      %run_scoped3A = tpu.sem_alloc : memref<!tpu.dma_semaphore, #tpu.memory_space<semaphore_mem>>
      %dma_start3A = arith.constant 0 : i32
      %dma_start3A_48 = arith.constant 0 : i32
      %dma_start3A_49 = tpu.memref_slice %arg7[%dma_start3A, %dma_start3A_48] : memref<200x128xf32, #tpu.memory_space<vmem>> -> memref<160x128xf32, #tpu.memory_space<vmem>>
      %dma_start3A_50 = arith.constant 0 : i32
      %dma_start3A_51 = tpu.memref_slice %arg8[%add3A_23, %dma_start3A_50] : memref<10240x128xf32, #tpu.memory_space<vmem_shared>> -> memref<160x128xf32, #tpu.memory_space<vmem_shared>>
      %dma_start3A_52 = arith.constant 0 : i32
      %dma_start3A_53 = arith.constant 0 : i32
      %dma_start3A_54 = tpu.memref_slice %arg7[%dma_start3A_52, %dma_start3A_53] : memref<200x128xf32, #tpu.memory_space<vmem>> -> memref<160x128xf32, #tpu.memory_space<vmem>>
      %dma_start3A_55 = arith.constant 0 : i32
      %dma_start3A_56 = tpu.memref_slice %arg8[%add3A_23, %dma_start3A_55] : memref<10240x128xf32, #tpu.memory_space<vmem_shared>> -> memref<160x128xf32, #tpu.memory_space<vmem_shared>>
      tpu.enqueue_dma source(%dma_start3A_56 : memref<160x128xf32, #tpu.memory_space<vmem_shared>>) target(%dma_start3A_54 : memref<160x128xf32, #tpu.memory_space<vmem>>) target_semaphore(%run_scoped3A : memref<!tpu.dma_semaphore, #tpu.memory_space<semaphore_mem>>)
      %dma_wait3A = arith.constant 0 : i32
      %dma_wait3A_57 = arith.constant 0 : i32
      %dma_wait3A_58 = tpu.memref_slice %arg7[%dma_wait3A, %dma_wait3A_57] : memref<200x128xf32, #tpu.memory_space<vmem>> -> memref<160x128xf32, #tpu.memory_space<vmem>>
      %dma_wait3A_59 = arith.constant 0 : i32
      %dma_wait3A_60 = tpu.memref_slice %arg8[%add3A_23, %dma_wait3A_59] : memref<10240x128xf32, #tpu.memory_space<vmem_shared>> -> memref<160x128xf32, #tpu.memory_space<vmem_shared>>
      %dma_wait3A_61 = arith.constant 0 : i32
      %dma_wait3A_62 = arith.constant 0 : i32
      %dma_wait3A_63 = tpu.memref_slice %arg7[%dma_wait3A_61, %dma_wait3A_62] : memref<200x128xf32, #tpu.memory_space<vmem>> -> memref<160x128xf32, #tpu.memory_space<vmem>>
      %dma_wait3A_64 = arith.constant 0 : i32
      %dma_wait3A_65 = tpu.memref_slice %arg8[%add3A_23, %dma_wait3A_64] : memref<10240x128xf32, #tpu.memory_space<vmem_shared>> -> memref<160x128xf32, #tpu.memory_space<vmem_shared>>
      tpu.wait_dma2 semaphore(%run_scoped3A : memref<!tpu.dma_semaphore, #tpu.memory_space<semaphore_mem>>) src(%dma_wait3A_65 : memref<160x128xf32, #tpu.memory_space<vmem_shared>>) dst(%dma_wait3A_63 : memref<160x128xf32, #tpu.memory_space<vmem>>)
      tpu.yield
    }) : () -> ()
    %mul3A_24 = arith.constant 10240 : i32
    %mul3A_25 = arith.muli %arg0, %mul3A_24 : i32
    %add3A_26 = arith.addi %mul3A_25, %add3A_23 : i32
    "tpu.region"() ({
      %run_scoped3A = tpu.sem_alloc : memref<!tpu.dma_semaphore, #tpu.memory_space<semaphore_mem>>
      %dma_start3A = arith.constant 0 : i32
      %dma_start3A_48 = arith.constant 0 : i32
      %dma_start3A_49 = tpu.memref_slice %arg7[%dma_start3A, %dma_start3A_48] : memref<200x128xf32, #tpu.memory_space<vmem>> -> memref<160x128xf32, #tpu.memory_space<vmem>>
      %dma_start3A_50 = arith.constant 0 : i32
      %dma_start3A_51 = tpu.memref_slice %arg5[%add3A_26, %dma_start3A_50] : memref<20480x128xf32, #tpu.memory_space<hbm>> -> memref<160x128xf32, #tpu.memory_space<hbm>>
      %dma_start3A_52 = arith.constant 0 : i32
      %dma_start3A_53 = tpu.memref_slice %arg5[%add3A_26, %dma_start3A_52] : memref<20480x128xf32, #tpu.memory_space<hbm>> -> memref<160x128xf32, #tpu.memory_space<hbm>>
      %dma_start3A_54 = arith.constant 0 : i32
      %dma_start3A_55 = arith.constant 0 : i32
      %dma_start3A_56 = tpu.memref_slice %arg7[%dma_start3A_54, %dma_start3A_55] : memref<200x128xf32, #tpu.memory_space<vmem>> -> memref<160x128xf32, #tpu.memory_space<vmem>>
      tpu.enqueue_dma source(%dma_start3A_56 : memref<160x128xf32, #tpu.memory_space<vmem>>) target(%dma_start3A_53 : memref<160x128xf32, #tpu.memory_space<hbm>>) target_semaphore(%run_scoped3A : memref<!tpu.dma_semaphore, #tpu.memory_space<semaphore_mem>>)
      %dma_wait3A = arith.constant 0 : i32
      %dma_wait3A_57 = arith.constant 0 : i32
      %dma_wait3A_58 = tpu.memref_slice %arg7[%dma_wait3A, %dma_wait3A_57] : memref<200x128xf32, #tpu.memory_space<vmem>> -> memref<160x128xf32, #tpu.memory_space<vmem>>
      %dma_wait3A_59 = arith.constant 0 : i32
      %dma_wait3A_60 = tpu.memref_slice %arg5[%add3A_26, %dma_wait3A_59] : memref<20480x128xf32, #tpu.memory_space<hbm>> -> memref<160x128xf32, #tpu.memory_space<hbm>>
      %dma_wait3A_61 = arith.constant 0 : i32
      %dma_wait3A_62 = tpu.memref_slice %arg5[%add3A_26, %dma_wait3A_61] : memref<20480x128xf32, #tpu.memory_space<hbm>> -> memref<160x128xf32, #tpu.memory_space<hbm>>
      %dma_wait3A_63 = arith.constant 0 : i32
      %dma_wait3A_64 = arith.constant 0 : i32
      %dma_wait3A_65 = tpu.memref_slice %arg7[%dma_wait3A_63, %dma_wait3A_64] : memref<200x128xf32, #tpu.memory_space<vmem>> -> memref<160x128xf32, #tpu.memory_space<vmem>>
      tpu.wait_dma2 semaphore(%run_scoped3A : memref<!tpu.dma_semaphore, #tpu.memory_space<semaphore_mem>>) src(%dma_wait3A_65 : memref<160x128xf32, #tpu.memory_space<vmem>>) dst(%dma_wait3A_62 : memref<160x128xf32, #tpu.memory_space<hbm>>)
      tpu.yield
    }) : () -> ()
    %mul3A_27 = arith.constant 640 : i32
    %mul3A_28 = arith.muli %arg1, %mul3A_27 : i32
    %add3A_29 = arith.constant 160 : i32
    %add3A_30 = arith.addi %mul3A_28, %add3A_29 : i32
    "tpu.region"() ({
      %run_scoped3A = tpu.sem_alloc : memref<!tpu.dma_semaphore, #tpu.memory_space<semaphore_mem>>
      %dma_start3A = arith.constant 0 : i32
      %dma_start3A_48 = arith.constant 0 : i32
      %dma_start3A_49 = tpu.memref_slice %arg7[%dma_start3A, %dma_start3A_48] : memref<200x128xf32, #tpu.memory_space<vmem>> -> memref<160x128xf32, #tpu.memory_space<vmem>>
      %dma_start3A_50 = arith.constant 0 : i32
      %dma_start3A_51 = tpu.memref_slice %arg8[%add3A_30, %dma_start3A_50] : memref<10240x128xf32, #tpu.memory_space<vmem_shared>> -> memref<160x128xf32, #tpu.memory_space<vmem_shared>>
      %dma_start3A_52 = arith.constant 0 : i32
      %dma_start3A_53 = arith.constant 0 : i32
      %dma_start3A_54 = tpu.memref_slice %arg7[%dma_start3A_52, %dma_start3A_53] : memref<200x128xf32, #tpu.memory_space<vmem>> -> memref<160x128xf32, #tpu.memory_space<vmem>>
      %dma_start3A_55 = arith.constant 0 : i32
      %dma_start3A_56 = tpu.memref_slice %arg8[%add3A_30, %dma_start3A_55] : memref<10240x128xf32, #tpu.memory_space<vmem_shared>> -> memref<160x128xf32, #tpu.memory_space<vmem_shared>>
      tpu.enqueue_dma source(%dma_start3A_56 : memref<160x128xf32, #tpu.memory_space<vmem_shared>>) target(%dma_start3A_54 : memref<160x128xf32, #tpu.memory_space<vmem>>) target_semaphore(%run_scoped3A : memref<!tpu.dma_semaphore, #tpu.memory_space<semaphore_mem>>)
      %dma_wait3A = arith.constant 0 : i32
      %dma_wait3A_57 = arith.constant 0 : i32
      %dma_wait3A_58 = tpu.memref_slice %arg7[%dma_wait3A, %dma_wait3A_57] : memref<200x128xf32, #tpu.memory_space<vmem>> -> memref<160x128xf32, #tpu.memory_space<vmem>>
      %dma_wait3A_59 = arith.constant 0 : i32
      %dma_wait3A_60 = tpu.memref_slice %arg8[%add3A_30, %dma_wait3A_59] : memref<10240x128xf32, #tpu.memory_space<vmem_shared>> -> memref<160x128xf32, #tpu.memory_space<vmem_shared>>
      %dma_wait3A_61 = arith.constant 0 : i32
      %dma_wait3A_62 = arith.constant 0 : i32
      %dma_wait3A_63 = tpu.memref_slice %arg7[%dma_wait3A_61, %dma_wait3A_62] : memref<200x128xf32, #tpu.memory_space<vmem>> -> memref<160x128xf32, #tpu.memory_space<vmem>>
      %dma_wait3A_64 = arith.constant 0 : i32
      %dma_wait3A_65 = tpu.memref_slice %arg8[%add3A_30, %dma_wait3A_64] : memref<10240x128xf32, #tpu.memory_space<vmem_shared>> -> memref<160x128xf32, #tpu.memory_space<vmem_shared>>
      tpu.wait_dma2 semaphore(%run_scoped3A : memref<!tpu.dma_semaphore, #tpu.memory_space<semaphore_mem>>) src(%dma_wait3A_65 : memref<160x128xf32, #tpu.memory_space<vmem_shared>>) dst(%dma_wait3A_63 : memref<160x128xf32, #tpu.memory_space<vmem>>)
      tpu.yield
    }) : () -> ()
    %mul3A_31 = arith.constant 10240 : i32
    %mul3A_32 = arith.muli %arg0, %mul3A_31 : i32
    %add3A_33 = arith.addi %mul3A_32, %add3A_30 : i32
    "tpu.region"() ({
      %run_scoped3A = tpu.sem_alloc : memref<!tpu.dma_semaphore, #tpu.memory_space<semaphore_mem>>
      %dma_start3A = arith.constant 0 : i32
      %dma_start3A_48 = arith.constant 0 : i32
      %dma_start3A_49 = tpu.memref_slice %arg7[%dma_start3A, %dma_start3A_48] : memref<200x128xf32, #tpu.memory_space<vmem>> -> memref<160x128xf32, #tpu.memory_space<vmem>>
      %dma_start3A_50 = arith.constant 0 : i32
      %dma_start3A_51 = tpu.memref_slice %arg5[%add3A_33, %dma_start3A_50] : memref<20480x128xf32, #tpu.memory_space<hbm>> -> memref<160x128xf32, #tpu.memory_space<hbm>>
      %dma_start3A_52 = arith.constant 0 : i32
      %dma_start3A_53 = tpu.memref_slice %arg5[%add3A_33, %dma_start3A_52] : memref<20480x128xf32, #tpu.memory_space<hbm>> -> memref<160x128xf32, #tpu.memory_space<hbm>>
      %dma_start3A_54 = arith.constant 0 : i32
      %dma_start3A_55 = arith.constant 0 : i32
      %dma_start3A_56 = tpu.memref_slice %arg7[%dma_start3A_54, %dma_start3A_55] : memref<200x128xf32, #tpu.memory_space<vmem>> -> memref<160x128xf32, #tpu.memory_space<vmem>>
      tpu.enqueue_dma source(%dma_start3A_56 : memref<160x128xf32, #tpu.memory_space<vmem>>) target(%dma_start3A_53 : memref<160x128xf32, #tpu.memory_space<hbm>>) target_semaphore(%run_scoped3A : memref<!tpu.dma_semaphore, #tpu.memory_space<semaphore_mem>>)
      %dma_wait3A = arith.constant 0 : i32
      %dma_wait3A_57 = arith.constant 0 : i32
      %dma_wait3A_58 = tpu.memref_slice %arg7[%dma_wait3A, %dma_wait3A_57] : memref<200x128xf32, #tpu.memory_space<vmem>> -> memref<160x128xf32, #tpu.memory_space<vmem>>
      %dma_wait3A_59 = arith.constant 0 : i32
      %dma_wait3A_60 = tpu.memref_slice %arg5[%add3A_33, %dma_wait3A_59] : memref<20480x128xf32, #tpu.memory_space<hbm>> -> memref<160x128xf32, #tpu.memory_space<hbm>>
      %dma_wait3A_61 = arith.constant 0 : i32
      %dma_wait3A_62 = tpu.memref_slice %arg5[%add3A_33, %dma_wait3A_61] : memref<20480x128xf32, #tpu.memory_space<hbm>> -> memref<160x128xf32, #tpu.memory_space<hbm>>
      %dma_wait3A_63 = arith.constant 0 : i32
      %dma_wait3A_64 = arith.constant 0 : i32
      %dma_wait3A_65 = tpu.memref_slice %arg7[%dma_wait3A_63, %dma_wait3A_64] : memref<200x128xf32, #tpu.memory_space<vmem>> -> memref<160x128xf32, #tpu.memory_space<vmem>>
      tpu.wait_dma2 semaphore(%run_scoped3A : memref<!tpu.dma_semaphore, #tpu.memory_space<semaphore_mem>>) src(%dma_wait3A_65 : memref<160x128xf32, #tpu.memory_space<vmem>>) dst(%dma_wait3A_62 : memref<160x128xf32, #tpu.memory_space<hbm>>)
      tpu.yield
    }) : () -> ()
    %mul3A_34 = arith.constant 640 : i32
    %mul3A_35 = arith.muli %arg1, %mul3A_34 : i32
    %add3A_36 = arith.constant 320 : i32
    %add3A_37 = arith.addi %mul3A_35, %add3A_36 : i32
    "tpu.region"() ({
      %run_scoped3A = tpu.sem_alloc : memref<!tpu.dma_semaphore, #tpu.memory_space<semaphore_mem>>
      %dma_start3A = arith.constant 0 : i32
      %dma_start3A_48 = arith.constant 0 : i32
      %dma_start3A_49 = tpu.memref_slice %arg7[%dma_start3A, %dma_start3A_48] : memref<200x128xf32, #tpu.memory_space<vmem>> -> memref<160x128xf32, #tpu.memory_space<vmem>>
      %dma_start3A_50 = arith.constant 0 : i32
      %dma_start3A_51 = tpu.memref_slice %arg8[%add3A_37, %dma_start3A_50] : memref<10240x128xf32, #tpu.memory_space<vmem_shared>> -> memref<160x128xf32, #tpu.memory_space<vmem_shared>>
      %dma_start3A_52 = arith.constant 0 : i32
      %dma_start3A_53 = arith.constant 0 : i32
      %dma_start3A_54 = tpu.memref_slice %arg7[%dma_start3A_52, %dma_start3A_53] : memref<200x128xf32, #tpu.memory_space<vmem>> -> memref<160x128xf32, #tpu.memory_space<vmem>>
      %dma_start3A_55 = arith.constant 0 : i32
      %dma_start3A_56 = tpu.memref_slice %arg8[%add3A_37, %dma_start3A_55] : memref<10240x128xf32, #tpu.memory_space<vmem_shared>> -> memref<160x128xf32, #tpu.memory_space<vmem_shared>>
      tpu.enqueue_dma source(%dma_start3A_56 : memref<160x128xf32, #tpu.memory_space<vmem_shared>>) target(%dma_start3A_54 : memref<160x128xf32, #tpu.memory_space<vmem>>) target_semaphore(%run_scoped3A : memref<!tpu.dma_semaphore, #tpu.memory_space<semaphore_mem>>)
      %dma_wait3A = arith.constant 0 : i32
      %dma_wait3A_57 = arith.constant 0 : i32
      %dma_wait3A_58 = tpu.memref_slice %arg7[%dma_wait3A, %dma_wait3A_57] : memref<200x128xf32, #tpu.memory_space<vmem>> -> memref<160x128xf32, #tpu.memory_space<vmem>>
      %dma_wait3A_59 = arith.constant 0 : i32
      %dma_wait3A_60 = tpu.memref_slice %arg8[%add3A_37, %dma_wait3A_59] : memref<10240x128xf32, #tpu.memory_space<vmem_shared>> -> memref<160x128xf32, #tpu.memory_space<vmem_shared>>
      %dma_wait3A_61 = arith.constant 0 : i32
      %dma_wait3A_62 = arith.constant 0 : i32
      %dma_wait3A_63 = tpu.memref_slice %arg7[%dma_wait3A_61, %dma_wait3A_62] : memref<200x128xf32, #tpu.memory_space<vmem>> -> memref<160x128xf32, #tpu.memory_space<vmem>>
      %dma_wait3A_64 = arith.constant 0 : i32
      %dma_wait3A_65 = tpu.memref_slice %arg8[%add3A_37, %dma_wait3A_64] : memref<10240x128xf32, #tpu.memory_space<vmem_shared>> -> memref<160x128xf32, #tpu.memory_space<vmem_shared>>
      tpu.wait_dma2 semaphore(%run_scoped3A : memref<!tpu.dma_semaphore, #tpu.memory_space<semaphore_mem>>) src(%dma_wait3A_65 : memref<160x128xf32, #tpu.memory_space<vmem_shared>>) dst(%dma_wait3A_63 : memref<160x128xf32, #tpu.memory_space<vmem>>)
      tpu.yield
    }) : () -> ()
    %mul3A_38 = arith.constant 10240 : i32
    %mul3A_39 = arith.muli %arg0, %mul3A_38 : i32
    %add3A_40 = arith.addi %mul3A_39, %add3A_37 : i32
    "tpu.region"() ({
      %run_scoped3A = tpu.sem_alloc : memref<!tpu.dma_semaphore, #tpu.memory_space<semaphore_mem>>
      %dma_start3A = arith.constant 0 : i32
      %dma_start3A_48 = arith.constant 0 : i32
      %dma_start3A_49 = tpu.memref_slice %arg7[%dma_start3A, %dma_start3A_48] : memref<200x128xf32, #tpu.memory_space<vmem>> -> memref<160x128xf32, #tpu.memory_space<vmem>>
      %dma_start3A_50 = arith.constant 0 : i32
      %dma_start3A_51 = tpu.memref_slice %arg5[%add3A_40, %dma_start3A_50] : memref<20480x128xf32, #tpu.memory_space<hbm>> -> memref<160x128xf32, #tpu.memory_space<hbm>>
      %dma_start3A_52 = arith.constant 0 : i32
      %dma_start3A_53 = tpu.memref_slice %arg5[%add3A_40, %dma_start3A_52] : memref<20480x128xf32, #tpu.memory_space<hbm>> -> memref<160x128xf32, #tpu.memory_space<hbm>>
      %dma_start3A_54 = arith.constant 0 : i32
      %dma_start3A_55 = arith.constant 0 : i32
      %dma_start3A_56 = tpu.memref_slice %arg7[%dma_start3A_54, %dma_start3A_55] : memref<200x128xf32, #tpu.memory_space<vmem>> -> memref<160x128xf32, #tpu.memory_space<vmem>>
      tpu.enqueue_dma source(%dma_start3A_56 : memref<160x128xf32, #tpu.memory_space<vmem>>) target(%dma_start3A_53 : memref<160x128xf32, #tpu.memory_space<hbm>>) target_semaphore(%run_scoped3A : memref<!tpu.dma_semaphore, #tpu.memory_space<semaphore_mem>>)
      %dma_wait3A = arith.constant 0 : i32
      %dma_wait3A_57 = arith.constant 0 : i32
      %dma_wait3A_58 = tpu.memref_slice %arg7[%dma_wait3A, %dma_wait3A_57] : memref<200x128xf32, #tpu.memory_space<vmem>> -> memref<160x128xf32, #tpu.memory_space<vmem>>
      %dma_wait3A_59 = arith.constant 0 : i32
      %dma_wait3A_60 = tpu.memref_slice %arg5[%add3A_40, %dma_wait3A_59] : memref<20480x128xf32, #tpu.memory_space<hbm>> -> memref<160x128xf32, #tpu.memory_space<hbm>>
      %dma_wait3A_61 = arith.constant 0 : i32
      %dma_wait3A_62 = tpu.memref_slice %arg5[%add3A_40, %dma_wait3A_61] : memref<20480x128xf32, #tpu.memory_space<hbm>> -> memref<160x128xf32, #tpu.memory_space<hbm>>
      %dma_wait3A_63 = arith.constant 0 : i32
      %dma_wait3A_64 = arith.constant 0 : i32
      %dma_wait3A_65 = tpu.memref_slice %arg7[%dma_wait3A_63, %dma_wait3A_64] : memref<200x128xf32, #tpu.memory_space<vmem>> -> memref<160x128xf32, #tpu.memory_space<vmem>>
      tpu.wait_dma2 semaphore(%run_scoped3A : memref<!tpu.dma_semaphore, #tpu.memory_space<semaphore_mem>>) src(%dma_wait3A_65 : memref<160x128xf32, #tpu.memory_space<vmem>>) dst(%dma_wait3A_62 : memref<160x128xf32, #tpu.memory_space<hbm>>)
      tpu.yield
    }) : () -> ()
    %mul3A_41 = arith.constant 640 : i32
    %mul3A_42 = arith.muli %arg1, %mul3A_41 : i32
    %add3A_43 = arith.constant 480 : i32
    %add3A_44 = arith.addi %mul3A_42, %add3A_43 : i32
    "tpu.region"() ({
      %run_scoped3A = tpu.sem_alloc : memref<!tpu.dma_semaphore, #tpu.memory_space<semaphore_mem>>
      %dma_start3A = arith.constant 0 : i32
      %dma_start3A_48 = arith.constant 0 : i32
      %dma_start3A_49 = tpu.memref_slice %arg7[%dma_start3A, %dma_start3A_48] : memref<200x128xf32, #tpu.memory_space<vmem>> -> memref<160x128xf32, #tpu.memory_space<vmem>>
      %dma_start3A_50 = arith.constant 0 : i32
      %dma_start3A_51 = tpu.memref_slice %arg8[%add3A_44, %dma_start3A_50] : memref<10240x128xf32, #tpu.memory_space<vmem_shared>> -> memref<160x128xf32, #tpu.memory_space<vmem_shared>>
      %dma_start3A_52 = arith.constant 0 : i32
      %dma_start3A_53 = arith.constant 0 : i32
      %dma_start3A_54 = tpu.memref_slice %arg7[%dma_start3A_52, %dma_start3A_53] : memref<200x128xf32, #tpu.memory_space<vmem>> -> memref<160x128xf32, #tpu.memory_space<vmem>>
      %dma_start3A_55 = arith.constant 0 : i32
      %dma_start3A_56 = tpu.memref_slice %arg8[%add3A_44, %dma_start3A_55] : memref<10240x128xf32, #tpu.memory_space<vmem_shared>> -> memref<160x128xf32, #tpu.memory_space<vmem_shared>>
      tpu.enqueue_dma source(%dma_start3A_56 : memref<160x128xf32, #tpu.memory_space<vmem_shared>>) target(%dma_start3A_54 : memref<160x128xf32, #tpu.memory_space<vmem>>) target_semaphore(%run_scoped3A : memref<!tpu.dma_semaphore, #tpu.memory_space<semaphore_mem>>)
      %dma_wait3A = arith.constant 0 : i32
      %dma_wait3A_57 = arith.constant 0 : i32
      %dma_wait3A_58 = tpu.memref_slice %arg7[%dma_wait3A, %dma_wait3A_57] : memref<200x128xf32, #tpu.memory_space<vmem>> -> memref<160x128xf32, #tpu.memory_space<vmem>>
      %dma_wait3A_59 = arith.constant 0 : i32
      %dma_wait3A_60 = tpu.memref_slice %arg8[%add3A_44, %dma_wait3A_59] : memref<10240x128xf32, #tpu.memory_space<vmem_shared>> -> memref<160x128xf32, #tpu.memory_space<vmem_shared>>
      %dma_wait3A_61 = arith.constant 0 : i32
      %dma_wait3A_62 = arith.constant 0 : i32
      %dma_wait3A_63 = tpu.memref_slice %arg7[%dma_wait3A_61, %dma_wait3A_62] : memref<200x128xf32, #tpu.memory_space<vmem>> -> memref<160x128xf32, #tpu.memory_space<vmem>>
      %dma_wait3A_64 = arith.constant 0 : i32
      %dma_wait3A_65 = tpu.memref_slice %arg8[%add3A_44, %dma_wait3A_64] : memref<10240x128xf32, #tpu.memory_space<vmem_shared>> -> memref<160x128xf32, #tpu.memory_space<vmem_shared>>
      tpu.wait_dma2 semaphore(%run_scoped3A : memref<!tpu.dma_semaphore, #tpu.memory_space<semaphore_mem>>) src(%dma_wait3A_65 : memref<160x128xf32, #tpu.memory_space<vmem_shared>>) dst(%dma_wait3A_63 : memref<160x128xf32, #tpu.memory_space<vmem>>)
      tpu.yield
    }) : () -> ()
    %mul3A_45 = arith.constant 10240 : i32
    %mul3A_46 = arith.muli %arg0, %mul3A_45 : i32
    %add3A_47 = arith.addi %mul3A_46, %add3A_44 : i32
    "tpu.region"() ({
      %run_scoped3A = tpu.sem_alloc : memref<!tpu.dma_semaphore, #tpu.memory_space<semaphore_mem>>
      %dma_start3A = arith.constant 0 : i32
      %dma_start3A_48 = arith.constant 0 : i32
      %dma_start3A_49 = tpu.memref_slice %arg7[%dma_start3A, %dma_start3A_48] : memref<200x128xf32, #tpu.memory_space<vmem>> -> memref<160x128xf32, #tpu.memory_space<vmem>>
      %dma_start3A_50 = arith.constant 0 : i32
      %dma_start3A_51 = tpu.memref_slice %arg5[%add3A_47, %dma_start3A_50] : memref<20480x128xf32, #tpu.memory_space<hbm>> -> memref<160x128xf32, #tpu.memory_space<hbm>>
      %dma_start3A_52 = arith.constant 0 : i32
      %dma_start3A_53 = tpu.memref_slice %arg5[%add3A_47, %dma_start3A_52] : memref<20480x128xf32, #tpu.memory_space<hbm>> -> memref<160x128xf32, #tpu.memory_space<hbm>>
      %dma_start3A_54 = arith.constant 0 : i32
      %dma_start3A_55 = arith.constant 0 : i32
      %dma_start3A_56 = tpu.memref_slice %arg7[%dma_start3A_54, %dma_start3A_55] : memref<200x128xf32, #tpu.memory_space<vmem>> -> memref<160x128xf32, #tpu.memory_space<vmem>>
      tpu.enqueue_dma source(%dma_start3A_56 : memref<160x128xf32, #tpu.memory_space<vmem>>) target(%dma_start3A_53 : memref<160x128xf32, #tpu.memory_space<hbm>>) target_semaphore(%run_scoped3A : memref<!tpu.dma_semaphore, #tpu.memory_space<semaphore_mem>>)
      %dma_wait3A = arith.constant 0 : i32
      %dma_wait3A_57 = arith.constant 0 : i32
      %dma_wait3A_58 = tpu.memref_slice %arg7[%dma_wait3A, %dma_wait3A_57] : memref<200x128xf32, #tpu.memory_space<vmem>> -> memref<160x128xf32, #tpu.memory_space<vmem>>
      %dma_wait3A_59 = arith.constant 0 : i32
      %dma_wait3A_60 = tpu.memref_slice %arg5[%add3A_47, %dma_wait3A_59] : memref<20480x128xf32, #tpu.memory_space<hbm>> -> memref<160x128xf32, #tpu.memory_space<hbm>>
      %dma_wait3A_61 = arith.constant 0 : i32
      %dma_wait3A_62 = tpu.memref_slice %arg5[%add3A_47, %dma_wait3A_61] : memref<20480x128xf32, #tpu.memory_space<hbm>> -> memref<160x128xf32, #tpu.memory_space<hbm>>
      %dma_wait3A_63 = arith.constant 0 : i32
      %dma_wait3A_64 = arith.constant 0 : i32
      %dma_wait3A_65 = tpu.memref_slice %arg7[%dma_wait3A_63, %dma_wait3A_64] : memref<200x128xf32, #tpu.memory_space<vmem>> -> memref<160x128xf32, #tpu.memory_space<vmem>>
      tpu.wait_dma2 semaphore(%run_scoped3A : memref<!tpu.dma_semaphore, #tpu.memory_space<semaphore_mem>>) src(%dma_wait3A_65 : memref<160x128xf32, #tpu.memory_space<vmem>>) dst(%dma_wait3A_62 : memref<160x128xf32, #tpu.memory_space<hbm>>)
      tpu.yield
    }) : () -> ()
    return
  }
}

#map = affine_map<(d0, d1) -> (0, 0)>
#map1 = affine_map<(d0, d1) -> (0)>
module attributes {stable_mosaic.version = 14 : i64} {
  func.func @k(%arg0: i32, %arg1: i32, %arg2: memref<160000x128xf32, #tpu.memory_space<hbm>>, %arg3: memref<160000xi32, #tpu.memory_space<hbm>>, %arg4: memref<10240x128xf32, #tpu.memory_space<hbm>>, %arg5: memref<20480x128xf32, #tpu.memory_space<hbm>>, %arg6: memref<200xi32, #tpu.memory_space<vmem>>, %arg7: memref<200x128xf32, #tpu.memory_space<vmem>>, %arg8: memref<10240x128xf32, #tpu.memory_space<vmem_shared>>) attributes {dimension_semantics = [#tpu.dimension_semantics<core_parallel>, #tpu.dimension_semantics<subcore_parallel>], iteration_bounds = array<i64: 2, 16>, scalar_prefetch = 0 : i64, scratch_operands = 3 : i64, tpu.core_type = #tpu.core_type<sc_vector_subcore>, window_params = [{transform_indices = #map}, {transform_indices = #map1}, {transform_indices = #map}, {transform_indices = #map}]} {
    %mul3A = arith.constant 640 : i32
    %mul3A_0 = arith.muli %arg1, %mul3A : i32
    %add3A = arith.constant 0 : i32
    %add3A_1 = arith.addi %mul3A_0, %add3A : i32
    "tpu.region"() ({
      %run_scoped3A = tpu.sem_alloc : memref<!tpu.dma_semaphore, #tpu.memory_space<semaphore_mem>>
      %dma_start3A = arith.constant 0 : i32
      %dma_start3A_48 = arith.constant 0 : i32
      %dma_start3A_49 = tpu.memref_slice %arg7[%dma_start3A, %dma_start3A_48] : memref<200x128xf32, #tpu.memory_space<vmem>> -> memref<160x128xf32, #tpu.memory_space<vmem>>
      %dma_start3A_50 = arith.constant 0 : i32
      %dma_start3A_51 = tpu.memref_slice %arg4[%add3A_1, %dma_start3A_50] : memref<10240x128xf32, #tpu.memory_space<hbm>> -> memref<160x128xf32, #tpu.memory_space<hbm>>
      %dma_start3A_52 = arith.constant 0 : i32
      %dma_start3A_53 = arith.constant 0 : i32
      %dma_start3A_54 = tpu.memref_slice %arg7[%dma_start3A_52, %dma_start3A_53] : memref<200x128xf32, #tpu.memory_space<vmem>> -> memref<160x128xf32, #tpu.memory_space<vmem>>
      %dma_start3A_55 = arith.constant 0 : i32
      %dma_start3A_56 = tpu.memref_slice %arg4[%add3A_1, %dma_start3A_55] : memref<10240x128xf32, #tpu.memory_space<hbm>> -> memref<160x128xf32, #tpu.memory_space<hbm>>
      tpu.enqueue_dma source(%dma_start3A_56 : memref<160x128xf32, #tpu.memory_space<hbm>>) target(%dma_start3A_54 : memref<160x128xf32, #tpu.memory_space<vmem>>) target_semaphore(%run_scoped3A : memref<!tpu.dma_semaphore, #tpu.memory_space<semaphore_mem>>)
      %dma_wait3A = arith.constant 0 : i32
      %dma_wait3A_57 = arith.constant 0 : i32
      %dma_wait3A_58 = tpu.memref_slice %arg7[%dma_wait3A, %dma_wait3A_57] : memref<200x128xf32, #tpu.memory_space<vmem>> -> memref<160x128xf32, #tpu.memory_space<vmem>>
      %dma_wait3A_59 = arith.constant 0 : i32
      %dma_wait3A_60 = tpu.memref_slice %arg4[%add3A_1, %dma_wait3A_59] : memref<10240x128xf32, #tpu.memory_space<hbm>> -> memref<160x128xf32, #tpu.memory_space<hbm>>
      %dma_wait3A_61 = arith.constant 0 : i32
      %dma_wait3A_62 = arith.constant 0 : i32
      %dma_wait3A_63 = tpu.memref_slice %arg7[%dma_wait3A_61, %dma_wait3A_62] : memref<200x128xf32, #tpu.memory_space<vmem>> -> memref<160x128xf32, #tpu.memory_space<vmem>>
      %dma_wait3A_64 = arith.constant 0 : i32
      %dma_wait3A_65 = tpu.memref_slice %arg4[%add3A_1, %dma_wait3A_64] : memref<10240x128xf32, #tpu.memory_space<hbm>> -> memref<160x128xf32, #tpu.memory_space<hbm>>
      tpu.wait_dma2 semaphore(%run_scoped3A : memref<!tpu.dma_semaphore, #tpu.memory_space<semaphore_mem>>) src(%dma_wait3A_65 : memref<160x128xf32, #tpu.memory_space<hbm>>) dst(%dma_wait3A_63 : memref<160x128xf32, #tpu.memory_space<vmem>>)
      tpu.yield
    }) : () -> ()
    "tpu.region"() ({
      %run_scoped3A = tpu.sem_alloc : memref<!tpu.dma_semaphore, #tpu.memory_space<semaphore_mem>>
      %dma_start3A = arith.constant 0 : i32
      %dma_start3A_48 = arith.constant 0 : i32
      %dma_start3A_49 = tpu.memref_slice %arg7[%dma_start3A, %dma_start3A_48] : memref<200x128xf32, #tpu.memory_space<vmem>> -> memref<160x128xf32, #tpu.memory_space<vmem>>
      %dma_start3A_50 = arith.constant 0 : i32
      %dma_start3A_51 = tpu.memref_slice %arg8[%add3A_1, %dma_start3A_50] : memref<10240x128xf32, #tpu.memory_space<vmem_shared>> -> memref<160x128xf32, #tpu.memory_space<vmem_shared>>
      %dma_start3A_52 = arith.constant 0 : i32
      %dma_start3A_53 = tpu.memref_slice %arg8[%add3A_1, %dma_start3A_52] : memref<10240x128xf32, #tpu.memory_space<vmem_shared>> -> memref<160x128xf32, #tpu.memory_space<vmem_shared>>
      %dma_start3A_54 = arith.constant 0 : i32
      %dma_start3A_55 = arith.constant 0 : i32
      %dma_start3A_56 = tpu.memref_slice %arg7[%dma_start3A_54, %dma_start3A_55] : memref<200x128xf32, #tpu.memory_space<vmem>> -> memref<160x128xf32, #tpu.memory_space<vmem>>
      tpu.enqueue_dma source(%dma_start3A_56 : memref<160x128xf32, #tpu.memory_space<vmem>>) target(%dma_start3A_53 : memref<160x128xf32, #tpu.memory_space<vmem_shared>>) target_semaphore(%run_scoped3A : memref<!tpu.dma_semaphore, #tpu.memory_space<semaphore_mem>>)
      %dma_wait3A = arith.constant 0 : i32
      %dma_wait3A_57 = arith.constant 0 : i32
      %dma_wait3A_58 = tpu.memref_slice %arg7[%dma_wait3A, %dma_wait3A_57] : memref<200x128xf32, #tpu.memory_space<vmem>> -> memref<160x128xf32, #tpu.memory_space<vmem>>
      %dma_wait3A_59 = arith.constant 0 : i32
      %dma_wait3A_60 = tpu.memref_slice %arg8[%add3A_1, %dma_wait3A_59] : memref<10240x128xf32, #tpu.memory_space<vmem_shared>> -> memref<160x128xf32, #tpu.memory_space<vmem_shared>>
      %dma_wait3A_61 = arith.constant 0 : i32
      %dma_wait3A_62 = tpu.memref_slice %arg8[%add3A_1, %dma_wait3A_61] : memref<10240x128xf32, #tpu.memory_space<vmem_shared>> -> memref<160x128xf32, #tpu.memory_space<vmem_shared>>
      %dma_wait3A_63 = arith.constant 0 : i32
      %dma_wait3A_64 = arith.constant 0 : i32
      %dma_wait3A_65 = tpu.memref_slice %arg7[%dma_wait3A_63, %dma_wait3A_64] : memref<200x128xf32, #tpu.memory_space<vmem>> -> memref<160x128xf32, #tpu.memory_space<vmem>>
      tpu.wait_dma2 semaphore(%run_scoped3A : memref<!tpu.dma_semaphore, #tpu.memory_space<semaphore_mem>>) src(%dma_wait3A_65 : memref<160x128xf32, #tpu.memory_space<vmem>>) dst(%dma_wait3A_62 : memref<160x128xf32, #tpu.memory_space<vmem_shared>>)
      tpu.yield
    }) : () -> ()
    %mul3A_2 = arith.constant 640 : i32
    %mul3A_3 = arith.muli %arg1, %mul3A_2 : i32
    %add3A_4 = arith.constant 160 : i32
    %add3A_5 = arith.addi %mul3A_3, %add3A_4 : i32
    "tpu.region"() ({
      %run_scoped3A = tpu.sem_alloc : memref<!tpu.dma_semaphore, #tpu.memory_space<semaphore_mem>>
      %dma_start3A = arith.constant 0 : i32
      %dma_start3A_48 = arith.constant 0 : i32
      %dma_start3A_49 = tpu.memref_slice %arg7[%dma_start3A, %dma_start3A_48] : memref<200x128xf32, #tpu.memory_space<vmem>> -> memref<160x128xf32, #tpu.memory_space<vmem>>
      %dma_start3A_50 = arith.constant 0 : i32
      %dma_start3A_51 = tpu.memref_slice %arg4[%add3A_5, %dma_start3A_50] : memref<10240x128xf32, #tpu.memory_space<hbm>> -> memref<160x128xf32, #tpu.memory_space<hbm>>
      %dma_start3A_52 = arith.constant 0 : i32
      %dma_start3A_53 = arith.constant 0 : i32
      %dma_start3A_54 = tpu.memref_slice %arg7[%dma_start3A_52, %dma_start3A_53] : memref<200x128xf32, #tpu.memory_space<vmem>> -> memref<160x128xf32, #tpu.memory_space<vmem>>
      %dma_start3A_55 = arith.constant 0 : i32
      %dma_start3A_56 = tpu.memref_slice %arg4[%add3A_5, %dma_start3A_55] : memref<10240x128xf32, #tpu.memory_space<hbm>> -> memref<160x128xf32, #tpu.memory_space<hbm>>
      tpu.enqueue_dma source(%dma_start3A_56 : memref<160x128xf32, #tpu.memory_space<hbm>>) target(%dma_start3A_54 : memref<160x128xf32, #tpu.memory_space<vmem>>) target_semaphore(%run_scoped3A : memref<!tpu.dma_semaphore, #tpu.memory_space<semaphore_mem>>)
      %dma_wait3A = arith.constant 0 : i32
      %dma_wait3A_57 = arith.constant 0 : i32
      %dma_wait3A_58 = tpu.memref_slice %arg7[%dma_wait3A, %dma_wait3A_57] : memref<200x128xf32, #tpu.memory_space<vmem>> -> memref<160x128xf32, #tpu.memory_space<vmem>>
      %dma_wait3A_59 = arith.constant 0 : i32
      %dma_wait3A_60 = tpu.memref_slice %arg4[%add3A_5, %dma_wait3A_59] : memref<10240x128xf32, #tpu.memory_space<hbm>> -> memref<160x128xf32, #tpu.memory_space<hbm>>
      %dma_wait3A_61 = arith.constant 0 : i32
      %dma_wait3A_62 = arith.constant 0 : i32
      %dma_wait3A_63 = tpu.memref_slice %arg7[%dma_wait3A_61, %dma_wait3A_62] : memref<200x128xf32, #tpu.memory_space<vmem>> -> memref<160x128xf32, #tpu.memory_space<vmem>>
      %dma_wait3A_64 = arith.constant 0 : i32
      %dma_wait3A_65 = tpu.memref_slice %arg4[%add3A_5, %dma_wait3A_64] : memref<10240x128xf32, #tpu.memory_space<hbm>> -> memref<160x128xf32, #tpu.memory_space<hbm>>
      tpu.wait_dma2 semaphore(%run_scoped3A : memref<!tpu.dma_semaphore, #tpu.memory_space<semaphore_mem>>) src(%dma_wait3A_65 : memref<160x128xf32, #tpu.memory_space<hbm>>) dst(%dma_wait3A_63 : memref<160x128xf32, #tpu.memory_space<vmem>>)
      tpu.yield
    }) : () -> ()
    "tpu.region"() ({
      %run_scoped3A = tpu.sem_alloc : memref<!tpu.dma_semaphore, #tpu.memory_space<semaphore_mem>>
      %dma_start3A = arith.constant 0 : i32
      %dma_start3A_48 = arith.constant 0 : i32
      %dma_start3A_49 = tpu.memref_slice %arg7[%dma_start3A, %dma_start3A_48] : memref<200x128xf32, #tpu.memory_space<vmem>> -> memref<160x128xf32, #tpu.memory_space<vmem>>
      %dma_start3A_50 = arith.constant 0 : i32
      %dma_start3A_51 = tpu.memref_slice %arg8[%add3A_5, %dma_start3A_50] : memref<10240x128xf32, #tpu.memory_space<vmem_shared>> -> memref<160x128xf32, #tpu.memory_space<vmem_shared>>
      %dma_start3A_52 = arith.constant 0 : i32
      %dma_start3A_53 = tpu.memref_slice %arg8[%add3A_5, %dma_start3A_52] : memref<10240x128xf32, #tpu.memory_space<vmem_shared>> -> memref<160x128xf32, #tpu.memory_space<vmem_shared>>
      %dma_start3A_54 = arith.constant 0 : i32
      %dma_start3A_55 = arith.constant 0 : i32
      %dma_start3A_56 = tpu.memref_slice %arg7[%dma_start3A_54, %dma_start3A_55] : memref<200x128xf32, #tpu.memory_space<vmem>> -> memref<160x128xf32, #tpu.memory_space<vmem>>
      tpu.enqueue_dma source(%dma_start3A_56 : memref<160x128xf32, #tpu.memory_space<vmem>>) target(%dma_start3A_53 : memref<160x128xf32, #tpu.memory_space<vmem_shared>>) target_semaphore(%run_scoped3A : memref<!tpu.dma_semaphore, #tpu.memory_space<semaphore_mem>>)
      %dma_wait3A = arith.constant 0 : i32
      %dma_wait3A_57 = arith.constant 0 : i32
      %dma_wait3A_58 = tpu.memref_slice %arg7[%dma_wait3A, %dma_wait3A_57] : memref<200x128xf32, #tpu.memory_space<vmem>> -> memref<160x128xf32, #tpu.memory_space<vmem>>
      %dma_wait3A_59 = arith.constant 0 : i32
      %dma_wait3A_60 = tpu.memref_slice %arg8[%add3A_5, %dma_wait3A_59] : memref<10240x128xf32, #tpu.memory_space<vmem_shared>> -> memref<160x128xf32, #tpu.memory_space<vmem_shared>>
      %dma_wait3A_61 = arith.constant 0 : i32
      %dma_wait3A_62 = tpu.memref_slice %arg8[%add3A_5, %dma_wait3A_61] : memref<10240x128xf32, #tpu.memory_space<vmem_shared>> -> memref<160x128xf32, #tpu.memory_space<vmem_shared>>
      %dma_wait3A_63 = arith.constant 0 : i32
      %dma_wait3A_64 = arith.constant 0 : i32
      %dma_wait3A_65 = tpu.memref_slice %arg7[%dma_wait3A_63, %dma_wait3A_64] : memref<200x128xf32, #tpu.memory_space<vmem>> -> memref<160x128xf32, #tpu.memory_space<vmem>>
      tpu.wait_dma2 semaphore(%run_scoped3A : memref<!tpu.dma_semaphore, #tpu.memory_space<semaphore_mem>>) src(%dma_wait3A_65 : memref<160x128xf32, #tpu.memory_space<vmem>>) dst(%dma_wait3A_62 : memref<160x128xf32, #tpu.memory_space<vmem_shared>>)
      tpu.yield
    }) : () -> ()
    %mul3A_6 = arith.constant 640 : i32
    %mul3A_7 = arith.muli %arg1, %mul3A_6 : i32
    %add3A_8 = arith.constant 320 : i32
    %add3A_9 = arith.addi %mul3A_7, %add3A_8 : i32
    "tpu.region"() ({
      %run_scoped3A = tpu.sem_alloc : memref<!tpu.dma_semaphore, #tpu.memory_space<semaphore_mem>>
      %dma_start3A = arith.constant 0 : i32
      %dma_start3A_48 = arith.constant 0 : i32
      %dma_start3A_49 = tpu.memref_slice %arg7[%dma_start3A, %dma_start3A_48] : memref<200x128xf32, #tpu.memory_space<vmem>> -> memref<160x128xf32, #tpu.memory_space<vmem>>
      %dma_start3A_50 = arith.constant 0 : i32
      %dma_start3A_51 = tpu.memref_slice %arg4[%add3A_9, %dma_start3A_50] : memref<10240x128xf32, #tpu.memory_space<hbm>> -> memref<160x128xf32, #tpu.memory_space<hbm>>
      %dma_start3A_52 = arith.constant 0 : i32
      %dma_start3A_53 = arith.constant 0 : i32
      %dma_start3A_54 = tpu.memref_slice %arg7[%dma_start3A_52, %dma_start3A_53] : memref<200x128xf32, #tpu.memory_space<vmem>> -> memref<160x128xf32, #tpu.memory_space<vmem>>
      %dma_start3A_55 = arith.constant 0 : i32
      %dma_start3A_56 = tpu.memref_slice %arg4[%add3A_9, %dma_start3A_55] : memref<10240x128xf32, #tpu.memory_space<hbm>> -> memref<160x128xf32, #tpu.memory_space<hbm>>
      tpu.enqueue_dma source(%dma_start3A_56 : memref<160x128xf32, #tpu.memory_space<hbm>>) target(%dma_start3A_54 : memref<160x128xf32, #tpu.memory_space<vmem>>) target_semaphore(%run_scoped3A : memref<!tpu.dma_semaphore, #tpu.memory_space<semaphore_mem>>)
      %dma_wait3A = arith.constant 0 : i32
      %dma_wait3A_57 = arith.constant 0 : i32
      %dma_wait3A_58 = tpu.memref_slice %arg7[%dma_wait3A, %dma_wait3A_57] : memref<200x128xf32, #tpu.memory_space<vmem>> -> memref<160x128xf32, #tpu.memory_space<vmem>>
      %dma_wait3A_59 = arith.constant 0 : i32
      %dma_wait3A_60 = tpu.memref_slice %arg4[%add3A_9, %dma_wait3A_59] : memref<10240x128xf32, #tpu.memory_space<hbm>> -> memref<160x128xf32, #tpu.memory_space<hbm>>
      %dma_wait3A_61 = arith.constant 0 : i32
      %dma_wait3A_62 = arith.constant 0 : i32
      %dma_wait3A_63 = tpu.memref_slice %arg7[%dma_wait3A_61, %dma_wait3A_62] : memref<200x128xf32, #tpu.memory_space<vmem>> -> memref<160x128xf32, #tpu.memory_space<vmem>>
      %dma_wait3A_64 = arith.constant 0 : i32
      %dma_wait3A_65 = tpu.memref_slice %arg4[%add3A_9, %dma_wait3A_64] : memref<10240x128xf32, #tpu.memory_space<hbm>> -> memref<160x128xf32, #tpu.memory_space<hbm>>
      tpu.wait_dma2 semaphore(%run_scoped3A : memref<!tpu.dma_semaphore, #tpu.memory_space<semaphore_mem>>) src(%dma_wait3A_65 : memref<160x128xf32, #tpu.memory_space<hbm>>) dst(%dma_wait3A_63 : memref<160x128xf32, #tpu.memory_space<vmem>>)
      tpu.yield
    }) : () -> ()
    "tpu.region"() ({
      %run_scoped3A = tpu.sem_alloc : memref<!tpu.dma_semaphore, #tpu.memory_space<semaphore_mem>>
      %dma_start3A = arith.constant 0 : i32
      %dma_start3A_48 = arith.constant 0 : i32
      %dma_start3A_49 = tpu.memref_slice %arg7[%dma_start3A, %dma_start3A_48] : memref<200x128xf32, #tpu.memory_space<vmem>> -> memref<160x128xf32, #tpu.memory_space<vmem>>
      %dma_start3A_50 = arith.constant 0 : i32
      %dma_start3A_51 = tpu.memref_slice %arg8[%add3A_9, %dma_start3A_50] : memref<10240x128xf32, #tpu.memory_space<vmem_shared>> -> memref<160x128xf32, #tpu.memory_space<vmem_shared>>
      %dma_start3A_52 = arith.constant 0 : i32
      %dma_start3A_53 = tpu.memref_slice %arg8[%add3A_9, %dma_start3A_52] : memref<10240x128xf32, #tpu.memory_space<vmem_shared>> -> memref<160x128xf32, #tpu.memory_space<vmem_shared>>
      %dma_start3A_54 = arith.constant 0 : i32
      %dma_start3A_55 = arith.constant 0 : i32
      %dma_start3A_56 = tpu.memref_slice %arg7[%dma_start3A_54, %dma_start3A_55] : memref<200x128xf32, #tpu.memory_space<vmem>> -> memref<160x128xf32, #tpu.memory_space<vmem>>
      tpu.enqueue_dma source(%dma_start3A_56 : memref<160x128xf32, #tpu.memory_space<vmem>>) target(%dma_start3A_53 : memref<160x128xf32, #tpu.memory_space<vmem_shared>>) target_semaphore(%run_scoped3A : memref<!tpu.dma_semaphore, #tpu.memory_space<semaphore_mem>>)
      %dma_wait3A = arith.constant 0 : i32
      %dma_wait3A_57 = arith.constant 0 : i32
      %dma_wait3A_58 = tpu.memref_slice %arg7[%dma_wait3A, %dma_wait3A_57] : memref<200x128xf32, #tpu.memory_space<vmem>> -> memref<160x128xf32, #tpu.memory_space<vmem>>
      %dma_wait3A_59 = arith.constant 0 : i32
      %dma_wait3A_60 = tpu.memref_slice %arg8[%add3A_9, %dma_wait3A_59] : memref<10240x128xf32, #tpu.memory_space<vmem_shared>> -> memref<160x128xf32, #tpu.memory_space<vmem_shared>>
      %dma_wait3A_61 = arith.constant 0 : i32
      %dma_wait3A_62 = tpu.memref_slice %arg8[%add3A_9, %dma_wait3A_61] : memref<10240x128xf32, #tpu.memory_space<vmem_shared>> -> memref<160x128xf32, #tpu.memory_space<vmem_shared>>
      %dma_wait3A_63 = arith.constant 0 : i32
      %dma_wait3A_64 = arith.constant 0 : i32
      %dma_wait3A_65 = tpu.memref_slice %arg7[%dma_wait3A_63, %dma_wait3A_64] : memref<200x128xf32, #tpu.memory_space<vmem>> -> memref<160x128xf32, #tpu.memory_space<vmem>>
      tpu.wait_dma2 semaphore(%run_scoped3A : memref<!tpu.dma_semaphore, #tpu.memory_space<semaphore_mem>>) src(%dma_wait3A_65 : memref<160x128xf32, #tpu.memory_space<vmem>>) dst(%dma_wait3A_62 : memref<160x128xf32, #tpu.memory_space<vmem_shared>>)
      tpu.yield
    }) : () -> ()
    %mul3A_10 = arith.constant 640 : i32
    %mul3A_11 = arith.muli %arg1, %mul3A_10 : i32
    %add3A_12 = arith.constant 480 : i32
    %add3A_13 = arith.addi %mul3A_11, %add3A_12 : i32
    "tpu.region"() ({
      %run_scoped3A = tpu.sem_alloc : memref<!tpu.dma_semaphore, #tpu.memory_space<semaphore_mem>>
      %dma_start3A = arith.constant 0 : i32
      %dma_start3A_48 = arith.constant 0 : i32
      %dma_start3A_49 = tpu.memref_slice %arg7[%dma_start3A, %dma_start3A_48] : memref<200x128xf32, #tpu.memory_space<vmem>> -> memref<160x128xf32, #tpu.memory_space<vmem>>
      %dma_start3A_50 = arith.constant 0 : i32
      %dma_start3A_51 = tpu.memref_slice %arg4[%add3A_13, %dma_start3A_50] : memref<10240x128xf32, #tpu.memory_space<hbm>> -> memref<160x128xf32, #tpu.memory_space<hbm>>
      %dma_start3A_52 = arith.constant 0 : i32
      %dma_start3A_53 = arith.constant 0 : i32
      %dma_start3A_54 = tpu.memref_slice %arg7[%dma_start3A_52, %dma_start3A_53] : memref<200x128xf32, #tpu.memory_space<vmem>> -> memref<160x128xf32, #tpu.memory_space<vmem>>
      %dma_start3A_55 = arith.constant 0 : i32
      %dma_start3A_56 = tpu.memref_slice %arg4[%add3A_13, %dma_start3A_55] : memref<10240x128xf32, #tpu.memory_space<hbm>> -> memref<160x128xf32, #tpu.memory_space<hbm>>
      tpu.enqueue_dma source(%dma_start3A_56 : memref<160x128xf32, #tpu.memory_space<hbm>>) target(%dma_start3A_54 : memref<160x128xf32, #tpu.memory_space<vmem>>) target_semaphore(%run_scoped3A : memref<!tpu.dma_semaphore, #tpu.memory_space<semaphore_mem>>)
      %dma_wait3A = arith.constant 0 : i32
      %dma_wait3A_57 = arith.constant 0 : i32
      %dma_wait3A_58 = tpu.memref_slice %arg7[%dma_wait3A, %dma_wait3A_57] : memref<200x128xf32, #tpu.memory_space<vmem>> -> memref<160x128xf32, #tpu.memory_space<vmem>>
      %dma_wait3A_59 = arith.constant 0 : i32
      %dma_wait3A_60 = tpu.memref_slice %arg4[%add3A_13, %dma_wait3A_59] : memref<10240x128xf32, #tpu.memory_space<hbm>> -> memref<160x128xf32, #tpu.memory_space<hbm>>
      %dma_wait3A_61 = arith.constant 0 : i32
      %dma_wait3A_62 = arith.constant 0 : i32
      %dma_wait3A_63 = tpu.memref_slice %arg7[%dma_wait3A_61, %dma_wait3A_62] : memref<200x128xf32, #tpu.memory_space<vmem>> -> memref<160x128xf32, #tpu.memory_space<vmem>>
      %dma_wait3A_64 = arith.constant 0 : i32
      %dma_wait3A_65 = tpu.memref_slice %arg4[%add3A_13, %dma_wait3A_64] : memref<10240x128xf32, #tpu.memory_space<hbm>> -> memref<160x128xf32, #tpu.memory_space<hbm>>
      tpu.wait_dma2 semaphore(%run_scoped3A : memref<!tpu.dma_semaphore, #tpu.memory_space<semaphore_mem>>) src(%dma_wait3A_65 : memref<160x128xf32, #tpu.memory_space<hbm>>) dst(%dma_wait3A_63 : memref<160x128xf32, #tpu.memory_space<vmem>>)
      tpu.yield
    }) : () -> ()
    "tpu.region"() ({
      %run_scoped3A = tpu.sem_alloc : memref<!tpu.dma_semaphore, #tpu.memory_space<semaphore_mem>>
      %dma_start3A = arith.constant 0 : i32
      %dma_start3A_48 = arith.constant 0 : i32
      %dma_start3A_49 = tpu.memref_slice %arg7[%dma_start3A, %dma_start3A_48] : memref<200x128xf32, #tpu.memory_space<vmem>> -> memref<160x128xf32, #tpu.memory_space<vmem>>
      %dma_start3A_50 = arith.constant 0 : i32
      %dma_start3A_51 = tpu.memref_slice %arg8[%add3A_13, %dma_start3A_50] : memref<10240x128xf32, #tpu.memory_space<vmem_shared>> -> memref<160x128xf32, #tpu.memory_space<vmem_shared>>
      %dma_start3A_52 = arith.constant 0 : i32
      %dma_start3A_53 = tpu.memref_slice %arg8[%add3A_13, %dma_start3A_52] : memref<10240x128xf32, #tpu.memory_space<vmem_shared>> -> memref<160x128xf32, #tpu.memory_space<vmem_shared>>
      %dma_start3A_54 = arith.constant 0 : i32
      %dma_start3A_55 = arith.constant 0 : i32
      %dma_start3A_56 = tpu.memref_slice %arg7[%dma_start3A_54, %dma_start3A_55] : memref<200x128xf32, #tpu.memory_space<vmem>> -> memref<160x128xf32, #tpu.memory_space<vmem>>
      tpu.enqueue_dma source(%dma_start3A_56 : memref<160x128xf32, #tpu.memory_space<vmem>>) target(%dma_start3A_53 : memref<160x128xf32, #tpu.memory_space<vmem_shared>>) target_semaphore(%run_scoped3A : memref<!tpu.dma_semaphore, #tpu.memory_space<semaphore_mem>>)
      %dma_wait3A = arith.constant 0 : i32
      %dma_wait3A_57 = arith.constant 0 : i32
      %dma_wait3A_58 = tpu.memref_slice %arg7[%dma_wait3A, %dma_wait3A_57] : memref<200x128xf32, #tpu.memory_space<vmem>> -> memref<160x128xf32, #tpu.memory_space<vmem>>
      %dma_wait3A_59 = arith.constant 0 : i32
      %dma_wait3A_60 = tpu.memref_slice %arg8[%add3A_13, %dma_wait3A_59] : memref<10240x128xf32, #tpu.memory_space<vmem_shared>> -> memref<160x128xf32, #tpu.memory_space<vmem_shared>>
      %dma_wait3A_61 = arith.constant 0 : i32
      %dma_wait3A_62 = tpu.memref_slice %arg8[%add3A_13, %dma_wait3A_61] : memref<10240x128xf32, #tpu.memory_space<vmem_shared>> -> memref<160x128xf32, #tpu.memory_space<vmem_shared>>
      %dma_wait3A_63 = arith.constant 0 : i32
      %dma_wait3A_64 = arith.constant 0 : i32
      %dma_wait3A_65 = tpu.memref_slice %arg7[%dma_wait3A_63, %dma_wait3A_64] : memref<200x128xf32, #tpu.memory_space<vmem>> -> memref<160x128xf32, #tpu.memory_space<vmem>>
      tpu.wait_dma2 semaphore(%run_scoped3A : memref<!tpu.dma_semaphore, #tpu.memory_space<semaphore_mem>>) src(%dma_wait3A_65 : memref<160x128xf32, #tpu.memory_space<vmem>>) dst(%dma_wait3A_62 : memref<160x128xf32, #tpu.memory_space<vmem_shared>>)
      tpu.yield
    }) : () -> ()
    %barrier3A = arith.constant 0 : index
    tpu.barrier barrier_id(%barrier3A)
    %scan3A = arith.constant 0 : i32
    %scan3A_14 = arith.constant 0 : i32
    %scan3A_15 = arith.constant 25 : i32
    %scan3A_16 = arith.addi %scan3A_14, %scan3A_15 : i32
    %scan3A_17 = arith.constant 1 : i32
    scf.for %scan3A_48 = %scan3A_14 to %scan3A_16 step %scan3A_17  : i32 {
      %mul3A_49 = arith.constant 16 : i32
      %mul3A_50 = arith.muli %arg0, %mul3A_49 : i32
      %add3A_51 = arith.addi %mul3A_50, %arg1 : i32
      %mul3A_52 = arith.constant 5000 : i32
      %mul3A_53 = arith.muli %add3A_51, %mul3A_52 : i32
      %mul3A_54 = arith.constant 200 : i32
      %mul3A_55 = arith.muli %scan3A_48, %mul3A_54 : i32
      %add3A_56 = arith.addi %mul3A_53, %mul3A_55 : i32
      "tpu.region"() ({
        %run_scoped3A = tpu.sem_alloc : memref<!tpu.dma_semaphore, #tpu.memory_space<semaphore_mem>>
        %dma_start3A = tpu.memref_slice %arg3[%add3A_56] : memref<160000xi32, #tpu.memory_space<hbm>> -> memref<200xi32, #tpu.memory_space<hbm>>
        %dma_start3A_57 = tpu.memref_slice %arg3[%add3A_56] : memref<160000xi32, #tpu.memory_space<hbm>> -> memref<200xi32, #tpu.memory_space<hbm>>
        tpu.enqueue_dma source(%dma_start3A_57 : memref<200xi32, #tpu.memory_space<hbm>>) target(%arg6 : memref<200xi32, #tpu.memory_space<vmem>>) target_semaphore(%run_scoped3A : memref<!tpu.dma_semaphore, #tpu.memory_space<semaphore_mem>>)
        %dma_wait3A = tpu.memref_slice %arg3[%add3A_56] : memref<160000xi32, #tpu.memory_space<hbm>> -> memref<200xi32, #tpu.memory_space<hbm>>
        %dma_wait3A_58 = tpu.memref_slice %arg3[%add3A_56] : memref<160000xi32, #tpu.memory_space<hbm>> -> memref<200xi32, #tpu.memory_space<hbm>>
        tpu.wait_dma2 semaphore(%run_scoped3A : memref<!tpu.dma_semaphore, #tpu.memory_space<semaphore_mem>>) src(%dma_wait3A_58 : memref<200xi32, #tpu.memory_space<hbm>>) dst(%arg6 : memref<200xi32, #tpu.memory_space<vmem>>)
        tpu.yield
      }) : () -> ()
      "tpu.region"() ({
        %run_scoped3A = tpu.sem_alloc : memref<!tpu.dma_semaphore, #tpu.memory_space<semaphore_mem>>
        %dma_start3A = arith.constant 0 : i32
        %dma_start3A_57 = tpu.memref_slice %arg2[%add3A_56, %dma_start3A] : memref<160000x128xf32, #tpu.memory_space<hbm>> -> memref<200x128xf32, #tpu.memory_space<hbm>>
        %dma_start3A_58 = arith.constant 0 : i32
        %dma_start3A_59 = tpu.memref_slice %arg2[%add3A_56, %dma_start3A_58] : memref<160000x128xf32, #tpu.memory_space<hbm>> -> memref<200x128xf32, #tpu.memory_space<hbm>>
        tpu.enqueue_dma source(%dma_start3A_59 : memref<200x128xf32, #tpu.memory_space<hbm>>) target(%arg7 : memref<200x128xf32, #tpu.memory_space<vmem>>) target_semaphore(%run_scoped3A : memref<!tpu.dma_semaphore, #tpu.memory_space<semaphore_mem>>)
        %dma_wait3A = arith.constant 0 : i32
        %dma_wait3A_60 = tpu.memref_slice %arg2[%add3A_56, %dma_wait3A] : memref<160000x128xf32, #tpu.memory_space<hbm>> -> memref<200x128xf32, #tpu.memory_space<hbm>>
        %dma_wait3A_61 = arith.constant 0 : i32
        %dma_wait3A_62 = tpu.memref_slice %arg2[%add3A_56, %dma_wait3A_61] : memref<160000x128xf32, #tpu.memory_space<hbm>> -> memref<200x128xf32, #tpu.memory_space<hbm>>
        tpu.wait_dma2 semaphore(%run_scoped3A : memref<!tpu.dma_semaphore, #tpu.memory_space<semaphore_mem>>) src(%dma_wait3A_62 : memref<200x128xf32, #tpu.memory_space<hbm>>) dst(%arg7 : memref<200x128xf32, #tpu.memory_space<vmem>>)
        tpu.yield
      }) : () -> ()
      "tpu.region"() ({
        %run_scoped3A = tpu.sem_alloc : memref<!tpu.dma_semaphore, #tpu.memory_space<semaphore_mem>>
        %dma_start3A = arith.constant 0 : i32
        %dma_start3A_57 = arith.constant 0 : i32
        %dma_start3A_58 = tpu.memref_slice %arg8[%dma_start3A, %dma_start3A_57] : memref<10240x128xf32, #tpu.memory_space<vmem_shared>> -> memref<10240x128xf32, #tpu.memory_space<vmem_shared>>
        tpu.enqueue_indirect_dma source(%arg7 : memref<200x128xf32, #tpu.memory_space<vmem>>) target(%dma_start3A_58 : memref<10240x128xf32, #tpu.memory_space<vmem_shared>>) offsets(%arg6 : memref<200xi32, #tpu.memory_space<vmem>>) semaphore(%run_scoped3A : memref<!tpu.dma_semaphore, #tpu.memory_space<semaphore_mem>>) {add = true}
        %dma_wait3A = arith.constant 0 : i32
        %dma_wait3A_59 = arith.constant 0 : i32
        %dma_wait3A_60 = tpu.memref_slice %arg8[%dma_wait3A, %dma_wait3A_59] : memref<10240x128xf32, #tpu.memory_space<vmem_shared>> -> memref<10240x128xf32, #tpu.memory_space<vmem_shared>>
        tpu.wait_indirect_dma semaphore(%run_scoped3A : memref<!tpu.dma_semaphore, #tpu.memory_space<semaphore_mem>>) src(%arg7 : memref<200x128xf32, #tpu.memory_space<vmem>>) dst(%dma_wait3A_60 : memref<10240x128xf32, #tpu.memory_space<vmem_shared>>)
        tpu.yield
      }) : () -> ()
    }
    %scan3A_18 = arith.constant 25 : i32
    %barrier3A_19 = arith.constant 0 : index
    tpu.barrier barrier_id(%barrier3A_19)
    %mul3A_20 = arith.constant 640 : i32
    %mul3A_21 = arith.muli %arg1, %mul3A_20 : i32
    %add3A_22 = arith.constant 0 : i32
    %add3A_23 = arith.addi %mul3A_21, %add3A_22 : i32
    "tpu.region"() ({
      %run_scoped3A = tpu.sem_alloc : memref<!tpu.dma_semaphore, #tpu.memory_space<semaphore_mem>>
      %dma_start3A = arith.constant 0 : i32
      %dma_start3A_48 = arith.constant 0 : i32
      %dma_start3A_49 = tpu.memref_slice %arg7[%dma_start3A, %dma_start3A_48] : memref<200x128xf32, #tpu.memory_space<vmem>> -> memref<160x128xf32, #tpu.memory_space<vmem>>
      %dma_start3A_50 = arith.constant 0 : i32
      %dma_start3A_51 = tpu.memref_slice %arg8[%add3A_23, %dma_start3A_50] : memref<10240x128xf32, #tpu.memory_space<vmem_shared>> -> memref<160x128xf32, #tpu.memory_space<vmem_shared>>
      %dma_start3A_52 = arith.constant 0 : i32
      %dma_start3A_53 = arith.constant 0 : i32
      %dma_start3A_54 = tpu.memref_slice %arg7[%dma_start3A_52, %dma_start3A_53] : memref<200x128xf32, #tpu.memory_space<vmem>> -> memref<160x128xf32, #tpu.memory_space<vmem>>
      %dma_start3A_55 = arith.constant 0 : i32
      %dma_start3A_56 = tpu.memref_slice %arg8[%add3A_23, %dma_start3A_55] : memref<10240x128xf32, #tpu.memory_space<vmem_shared>> -> memref<160x128xf32, #tpu.memory_space<vmem_shared>>
      tpu.enqueue_dma source(%dma_start3A_56 : memref<160x128xf32, #tpu.memory_space<vmem_shared>>) target(%dma_start3A_54 : memref<160x128xf32, #tpu.memory_space<vmem>>) target_semaphore(%run_scoped3A : memref<!tpu.dma_semaphore, #tpu.memory_space<semaphore_mem>>)
      %dma_wait3A = arith.constant 0 : i32
      %dma_wait3A_57 = arith.constant 0 : i32
      %dma_wait3A_58 = tpu.memref_slice %arg7[%dma_wait3A, %dma_wait3A_57] : memref<200x128xf32, #tpu.memory_space<vmem>> -> memref<160x128xf32, #tpu.memory_space<vmem>>
      %dma_wait3A_59 = arith.constant 0 : i32
      %dma_wait3A_60 = tpu.memref_slice %arg8[%add3A_23, %dma_wait3A_59] : memref<10240x128xf32, #tpu.memory_space<vmem_shared>> -> memref<160x128xf32, #tpu.memory_space<vmem_shared>>
      %dma_wait3A_61 = arith.constant 0 : i32
      %dma_wait3A_62 = arith.constant 0 : i32
      %dma_wait3A_63 = tpu.memref_slice %arg7[%dma_wait3A_61, %dma_wait3A_62] : memref<200x128xf32, #tpu.memory_space<vmem>> -> memref<160x128xf32, #tpu.memory_space<vmem>>
      %dma_wait3A_64 = arith.constant 0 : i32
      %dma_wait3A_65 = tpu.memref_slice %arg8[%add3A_23, %dma_wait3A_64] : memref<10240x128xf32, #tpu.memory_space<vmem_shared>> -> memref<160x128xf32, #tpu.memory_space<vmem_shared>>
      tpu.wait_dma2 semaphore(%run_scoped3A : memref<!tpu.dma_semaphore, #tpu.memory_space<semaphore_mem>>) src(%dma_wait3A_65 : memref<160x128xf32, #tpu.memory_space<vmem_shared>>) dst(%dma_wait3A_63 : memref<160x128xf32, #tpu.memory_space<vmem>>)
      tpu.yield
    }) : () -> ()
    %mul3A_24 = arith.constant 10240 : i32
    %mul3A_25 = arith.muli %arg0, %mul3A_24 : i32
    %add3A_26 = arith.addi %mul3A_25, %add3A_23 : i32
    "tpu.region"() ({
      %run_scoped3A = tpu.sem_alloc : memref<!tpu.dma_semaphore, #tpu.memory_space<semaphore_mem>>
      %dma_start3A = arith.constant 0 : i32
      %dma_start3A_48 = arith.constant 0 : i32
      %dma_start3A_49 = tpu.memref_slice %arg7[%dma_start3A, %dma_start3A_48] : memref<200x128xf32, #tpu.memory_space<vmem>> -> memref<160x128xf32, #tpu.memory_space<vmem>>
      %dma_start3A_50 = arith.constant 0 : i32
      %dma_start3A_51 = tpu.memref_slice %arg5[%add3A_26, %dma_start3A_50] : memref<20480x128xf32, #tpu.memory_space<hbm>> -> memref<160x128xf32, #tpu.memory_space<hbm>>
      %dma_start3A_52 = arith.constant 0 : i32
      %dma_start3A_53 = tpu.memref_slice %arg5[%add3A_26, %dma_start3A_52] : memref<20480x128xf32, #tpu.memory_space<hbm>> -> memref<160x128xf32, #tpu.memory_space<hbm>>
      %dma_start3A_54 = arith.constant 0 : i32
      %dma_start3A_55 = arith.constant 0 : i32
      %dma_start3A_56 = tpu.memref_slice %arg7[%dma_start3A_54, %dma_start3A_55] : memref<200x128xf32, #tpu.memory_space<vmem>> -> memref<160x128xf32, #tpu.memory_space<vmem>>
      tpu.enqueue_dma source(%dma_start3A_56 : memref<160x128xf32, #tpu.memory_space<vmem>>) target(%dma_start3A_53 : memref<160x128xf32, #tpu.memory_space<hbm>>) target_semaphore(%run_scoped3A : memref<!tpu.dma_semaphore, #tpu.memory_space<semaphore_mem>>)
      %dma_wait3A = arith.constant 0 : i32
      %dma_wait3A_57 = arith.constant 0 : i32
      %dma_wait3A_58 = tpu.memref_slice %arg7[%dma_wait3A, %dma_wait3A_57] : memref<200x128xf32, #tpu.memory_space<vmem>> -> memref<160x128xf32, #tpu.memory_space<vmem>>
      %dma_wait3A_59 = arith.constant 0 : i32
      %dma_wait3A_60 = tpu.memref_slice %arg5[%add3A_26, %dma_wait3A_59] : memref<20480x128xf32, #tpu.memory_space<hbm>> -> memref<160x128xf32, #tpu.memory_space<hbm>>
      %dma_wait3A_61 = arith.constant 0 : i32
      %dma_wait3A_62 = tpu.memref_slice %arg5[%add3A_26, %dma_wait3A_61] : memref<20480x128xf32, #tpu.memory_space<hbm>> -> memref<160x128xf32, #tpu.memory_space<hbm>>
      %dma_wait3A_63 = arith.constant 0 : i32
      %dma_wait3A_64 = arith.constant 0 : i32
      %dma_wait3A_65 = tpu.memref_slice %arg7[%dma_wait3A_63, %dma_wait3A_64] : memref<200x128xf32, #tpu.memory_space<vmem>> -> memref<160x128xf32, #tpu.memory_space<vmem>>
      tpu.wait_dma2 semaphore(%run_scoped3A : memref<!tpu.dma_semaphore, #tpu.memory_space<semaphore_mem>>) src(%dma_wait3A_65 : memref<160x128xf32, #tpu.memory_space<vmem>>) dst(%dma_wait3A_62 : memref<160x128xf32, #tpu.memory_space<hbm>>)
      tpu.yield
    }) : () -> ()
    %mul3A_27 = arith.constant 640 : i32
    %mul3A_28 = arith.muli %arg1, %mul3A_27 : i32
    %add3A_29 = arith.constant 160 : i32
    %add3A_30 = arith.addi %mul3A_28, %add3A_29 : i32
    "tpu.region"() ({
      %run_scoped3A = tpu.sem_alloc : memref<!tpu.dma_semaphore, #tpu.memory_space<semaphore_mem>>
      %dma_start3A = arith.constant 0 : i32
      %dma_start3A_48 = arith.constant 0 : i32
      %dma_start3A_49 = tpu.memref_slice %arg7[%dma_start3A, %dma_start3A_48] : memref<200x128xf32, #tpu.memory_space<vmem>> -> memref<160x128xf32, #tpu.memory_space<vmem>>
      %dma_start3A_50 = arith.constant 0 : i32
      %dma_start3A_51 = tpu.memref_slice %arg8[%add3A_30, %dma_start3A_50] : memref<10240x128xf32, #tpu.memory_space<vmem_shared>> -> memref<160x128xf32, #tpu.memory_space<vmem_shared>>
      %dma_start3A_52 = arith.constant 0 : i32
      %dma_start3A_53 = arith.constant 0 : i32
      %dma_start3A_54 = tpu.memref_slice %arg7[%dma_start3A_52, %dma_start3A_53] : memref<200x128xf32, #tpu.memory_space<vmem>> -> memref<160x128xf32, #tpu.memory_space<vmem>>
      %dma_start3A_55 = arith.constant 0 : i32
      %dma_start3A_56 = tpu.memref_slice %arg8[%add3A_30, %dma_start3A_55] : memref<10240x128xf32, #tpu.memory_space<vmem_shared>> -> memref<160x128xf32, #tpu.memory_space<vmem_shared>>
      tpu.enqueue_dma source(%dma_start3A_56 : memref<160x128xf32, #tpu.memory_space<vmem_shared>>) target(%dma_start3A_54 : memref<160x128xf32, #tpu.memory_space<vmem>>) target_semaphore(%run_scoped3A : memref<!tpu.dma_semaphore, #tpu.memory_space<semaphore_mem>>)
      %dma_wait3A = arith.constant 0 : i32
      %dma_wait3A_57 = arith.constant 0 : i32
      %dma_wait3A_58 = tpu.memref_slice %arg7[%dma_wait3A, %dma_wait3A_57] : memref<200x128xf32, #tpu.memory_space<vmem>> -> memref<160x128xf32, #tpu.memory_space<vmem>>
      %dma_wait3A_59 = arith.constant 0 : i32
      %dma_wait3A_60 = tpu.memref_slice %arg8[%add3A_30, %dma_wait3A_59] : memref<10240x128xf32, #tpu.memory_space<vmem_shared>> -> memref<160x128xf32, #tpu.memory_space<vmem_shared>>
      %dma_wait3A_61 = arith.constant 0 : i32
      %dma_wait3A_62 = arith.constant 0 : i32
      %dma_wait3A_63 = tpu.memref_slice %arg7[%dma_wait3A_61, %dma_wait3A_62] : memref<200x128xf32, #tpu.memory_space<vmem>> -> memref<160x128xf32, #tpu.memory_space<vmem>>
      %dma_wait3A_64 = arith.constant 0 : i32
      %dma_wait3A_65 = tpu.memref_slice %arg8[%add3A_30, %dma_wait3A_64] : memref<10240x128xf32, #tpu.memory_space<vmem_shared>> -> memref<160x128xf32, #tpu.memory_space<vmem_shared>>
      tpu.wait_dma2 semaphore(%run_scoped3A : memref<!tpu.dma_semaphore, #tpu.memory_space<semaphore_mem>>) src(%dma_wait3A_65 : memref<160x128xf32, #tpu.memory_space<vmem_shared>>) dst(%dma_wait3A_63 : memref<160x128xf32, #tpu.memory_space<vmem>>)
      tpu.yield
    }) : () -> ()
    %mul3A_31 = arith.constant 10240 : i32
    %mul3A_32 = arith.muli %arg0, %mul3A_31 : i32
    %add3A_33 = arith.addi %mul3A_32, %add3A_30 : i32
    "tpu.region"() ({
      %run_scoped3A = tpu.sem_alloc : memref<!tpu.dma_semaphore, #tpu.memory_space<semaphore_mem>>
      %dma_start3A = arith.constant 0 : i32
      %dma_start3A_48 = arith.constant 0 : i32
      %dma_start3A_49 = tpu.memref_slice %arg7[%dma_start3A, %dma_start3A_48] : memref<200x128xf32, #tpu.memory_space<vmem>> -> memref<160x128xf32, #tpu.memory_space<vmem>>
      %dma_start3A_50 = arith.constant 0 : i32
      %dma_start3A_51 = tpu.memref_slice %arg5[%add3A_33, %dma_start3A_50] : memref<20480x128xf32, #tpu.memory_space<hbm>> -> memref<160x128xf32, #tpu.memory_space<hbm>>
      %dma_start3A_52 = arith.constant 0 : i32
      %dma_start3A_53 = tpu.memref_slice %arg5[%add3A_33, %dma_start3A_52] : memref<20480x128xf32, #tpu.memory_space<hbm>> -> memref<160x128xf32, #tpu.memory_space<hbm>>
      %dma_start3A_54 = arith.constant 0 : i32
      %dma_start3A_55 = arith.constant 0 : i32
      %dma_start3A_56 = tpu.memref_slice %arg7[%dma_start3A_54, %dma_start3A_55] : memref<200x128xf32, #tpu.memory_space<vmem>> -> memref<160x128xf32, #tpu.memory_space<vmem>>
      tpu.enqueue_dma source(%dma_start3A_56 : memref<160x128xf32, #tpu.memory_space<vmem>>) target(%dma_start3A_53 : memref<160x128xf32, #tpu.memory_space<hbm>>) target_semaphore(%run_scoped3A : memref<!tpu.dma_semaphore, #tpu.memory_space<semaphore_mem>>)
      %dma_wait3A = arith.constant 0 : i32
      %dma_wait3A_57 = arith.constant 0 : i32
      %dma_wait3A_58 = tpu.memref_slice %arg7[%dma_wait3A, %dma_wait3A_57] : memref<200x128xf32, #tpu.memory_space<vmem>> -> memref<160x128xf32, #tpu.memory_space<vmem>>
      %dma_wait3A_59 = arith.constant 0 : i32
      %dma_wait3A_60 = tpu.memref_slice %arg5[%add3A_33, %dma_wait3A_59] : memref<20480x128xf32, #tpu.memory_space<hbm>> -> memref<160x128xf32, #tpu.memory_space<hbm>>
      %dma_wait3A_61 = arith.constant 0 : i32
      %dma_wait3A_62 = tpu.memref_slice %arg5[%add3A_33, %dma_wait3A_61] : memref<20480x128xf32, #tpu.memory_space<hbm>> -> memref<160x128xf32, #tpu.memory_space<hbm>>
      %dma_wait3A_63 = arith.constant 0 : i32
      %dma_wait3A_64 = arith.constant 0 : i32
      %dma_wait3A_65 = tpu.memref_slice %arg7[%dma_wait3A_63, %dma_wait3A_64] : memref<200x128xf32, #tpu.memory_space<vmem>> -> memref<160x128xf32, #tpu.memory_space<vmem>>
      tpu.wait_dma2 semaphore(%run_scoped3A : memref<!tpu.dma_semaphore, #tpu.memory_space<semaphore_mem>>) src(%dma_wait3A_65 : memref<160x128xf32, #tpu.memory_space<vmem>>) dst(%dma_wait3A_62 : memref<160x128xf32, #tpu.memory_space<hbm>>)
      tpu.yield
    }) : () -> ()
    %mul3A_34 = arith.constant 640 : i32
    %mul3A_35 = arith.muli %arg1, %mul3A_34 : i32
    %add3A_36 = arith.constant 320 : i32
    %add3A_37 = arith.addi %mul3A_35, %add3A_36 : i32
    "tpu.region"() ({
      %run_scoped3A = tpu.sem_alloc : memref<!tpu.dma_semaphore, #tpu.memory_space<semaphore_mem>>
      %dma_start3A = arith.constant 0 : i32
      %dma_start3A_48 = arith.constant 0 : i32
      %dma_start3A_49 = tpu.memref_slice %arg7[%dma_start3A, %dma_start3A_48] : memref<200x128xf32, #tpu.memory_space<vmem>> -> memref<160x128xf32, #tpu.memory_space<vmem>>
      %dma_start3A_50 = arith.constant 0 : i32
      %dma_start3A_51 = tpu.memref_slice %arg8[%add3A_37, %dma_start3A_50] : memref<10240x128xf32, #tpu.memory_space<vmem_shared>> -> memref<160x128xf32, #tpu.memory_space<vmem_shared>>
      %dma_start3A_52 = arith.constant 0 : i32
      %dma_start3A_53 = arith.constant 0 : i32
      %dma_start3A_54 = tpu.memref_slice %arg7[%dma_start3A_52, %dma_start3A_53] : memref<200x128xf32, #tpu.memory_space<vmem>> -> memref<160x128xf32, #tpu.memory_space<vmem>>
      %dma_start3A_55 = arith.constant 0 : i32
      %dma_start3A_56 = tpu.memref_slice %arg8[%add3A_37, %dma_start3A_55] : memref<10240x128xf32, #tpu.memory_space<vmem_shared>> -> memref<160x128xf32, #tpu.memory_space<vmem_shared>>
      tpu.enqueue_dma source(%dma_start3A_56 : memref<160x128xf32, #tpu.memory_space<vmem_shared>>) target(%dma_start3A_54 : memref<160x128xf32, #tpu.memory_space<vmem>>) target_semaphore(%run_scoped3A : memref<!tpu.dma_semaphore, #tpu.memory_space<semaphore_mem>>)
      %dma_wait3A = arith.constant 0 : i32
      %dma_wait3A_57 = arith.constant 0 : i32
      %dma_wait3A_58 = tpu.memref_slice %arg7[%dma_wait3A, %dma_wait3A_57] : memref<200x128xf32, #tpu.memory_space<vmem>> -> memref<160x128xf32, #tpu.memory_space<vmem>>
      %dma_wait3A_59 = arith.constant 0 : i32
      %dma_wait3A_60 = tpu.memref_slice %arg8[%add3A_37, %dma_wait3A_59] : memref<10240x128xf32, #tpu.memory_space<vmem_shared>> -> memref<160x128xf32, #tpu.memory_space<vmem_shared>>
      %dma_wait3A_61 = arith.constant 0 : i32
      %dma_wait3A_62 = arith.constant 0 : i32
      %dma_wait3A_63 = tpu.memref_slice %arg7[%dma_wait3A_61, %dma_wait3A_62] : memref<200x128xf32, #tpu.memory_space<vmem>> -> memref<160x128xf32, #tpu.memory_space<vmem>>
      %dma_wait3A_64 = arith.constant 0 : i32
      %dma_wait3A_65 = tpu.memref_slice %arg8[%add3A_37, %dma_wait3A_64] : memref<10240x128xf32, #tpu.memory_space<vmem_shared>> -> memref<160x128xf32, #tpu.memory_space<vmem_shared>>
      tpu.wait_dma2 semaphore(%run_scoped3A : memref<!tpu.dma_semaphore, #tpu.memory_space<semaphore_mem>>) src(%dma_wait3A_65 : memref<160x128xf32, #tpu.memory_space<vmem_shared>>) dst(%dma_wait3A_63 : memref<160x128xf32, #tpu.memory_space<vmem>>)
      tpu.yield
    }) : () -> ()
    %mul3A_38 = arith.constant 10240 : i32
    %mul3A_39 = arith.muli %arg0, %mul3A_38 : i32
    %add3A_40 = arith.addi %mul3A_39, %add3A_37 : i32
    "tpu.region"() ({
      %run_scoped3A = tpu.sem_alloc : memref<!tpu.dma_semaphore, #tpu.memory_space<semaphore_mem>>
      %dma_start3A = arith.constant 0 : i32
      %dma_start3A_48 = arith.constant 0 : i32
      %dma_start3A_49 = tpu.memref_slice %arg7[%dma_start3A, %dma_start3A_48] : memref<200x128xf32, #tpu.memory_space<vmem>> -> memref<160x128xf32, #tpu.memory_space<vmem>>
      %dma_start3A_50 = arith.constant 0 : i32
      %dma_start3A_51 = tpu.memref_slice %arg5[%add3A_40, %dma_start3A_50] : memref<20480x128xf32, #tpu.memory_space<hbm>> -> memref<160x128xf32, #tpu.memory_space<hbm>>
      %dma_start3A_52 = arith.constant 0 : i32
      %dma_start3A_53 = tpu.memref_slice %arg5[%add3A_40, %dma_start3A_52] : memref<20480x128xf32, #tpu.memory_space<hbm>> -> memref<160x128xf32, #tpu.memory_space<hbm>>
      %dma_start3A_54 = arith.constant 0 : i32
      %dma_start3A_55 = arith.constant 0 : i32
      %dma_start3A_56 = tpu.memref_slice %arg7[%dma_start3A_54, %dma_start3A_55] : memref<200x128xf32, #tpu.memory_space<vmem>> -> memref<160x128xf32, #tpu.memory_space<vmem>>
      tpu.enqueue_dma source(%dma_start3A_56 : memref<160x128xf32, #tpu.memory_space<vmem>>) target(%dma_start3A_53 : memref<160x128xf32, #tpu.memory_space<hbm>>) target_semaphore(%run_scoped3A : memref<!tpu.dma_semaphore, #tpu.memory_space<semaphore_mem>>)
      %dma_wait3A = arith.constant 0 : i32
      %dma_wait3A_57 = arith.constant 0 : i32
      %dma_wait3A_58 = tpu.memref_slice %arg7[%dma_wait3A, %dma_wait3A_57] : memref<200x128xf32, #tpu.memory_space<vmem>> -> memref<160x128xf32, #tpu.memory_space<vmem>>
      %dma_wait3A_59 = arith.constant 0 : i32
      %dma_wait3A_60 = tpu.memref_slice %arg5[%add3A_40, %dma_wait3A_59] : memref<20480x128xf32, #tpu.memory_space<hbm>> -> memref<160x128xf32, #tpu.memory_space<hbm>>
      %dma_wait3A_61 = arith.constant 0 : i32
      %dma_wait3A_62 = tpu.memref_slice %arg5[%add3A_40, %dma_wait3A_61] : memref<20480x128xf32, #tpu.memory_space<hbm>> -> memref<160x128xf32, #tpu.memory_space<hbm>>
      %dma_wait3A_63 = arith.constant 0 : i32
      %dma_wait3A_64 = arith.constant 0 : i32
      %dma_wait3A_65 = tpu.memref_slice %arg7[%dma_wait3A_63, %dma_wait3A_64] : memref<200x128xf32, #tpu.memory_space<vmem>> -> memref<160x128xf32, #tpu.memory_space<vmem>>
      tpu.wait_dma2 semaphore(%run_scoped3A : memref<!tpu.dma_semaphore, #tpu.memory_space<semaphore_mem>>) src(%dma_wait3A_65 : memref<160x128xf32, #tpu.memory_space<vmem>>) dst(%dma_wait3A_62 : memref<160x128xf32, #tpu.memory_space<hbm>>)
      tpu.yield
    }) : () -> ()
    %mul3A_41 = arith.constant 640 : i32
    %mul3A_42 = arith.muli %arg1, %mul3A_41 : i32
    %add3A_43 = arith.constant 480 : i32
    %add3A_44 = arith.addi %mul3A_42, %add3A_43 : i32
    "tpu.region"() ({
      %run_scoped3A = tpu.sem_alloc : memref<!tpu.dma_semaphore, #tpu.memory_space<semaphore_mem>>
      %dma_start3A = arith.constant 0 : i32
      %dma_start3A_48 = arith.constant 0 : i32
      %dma_start3A_49 = tpu.memref_slice %arg7[%dma_start3A, %dma_start3A_48] : memref<200x128xf32, #tpu.memory_space<vmem>> -> memref<160x128xf32, #tpu.memory_space<vmem>>
      %dma_start3A_50 = arith.constant 0 : i32
      %dma_start3A_51 = tpu.memref_slice %arg8[%add3A_44, %dma_start3A_50] : memref<10240x128xf32, #tpu.memory_space<vmem_shared>> -> memref<160x128xf32, #tpu.memory_space<vmem_shared>>
      %dma_start3A_52 = arith.constant 0 : i32
      %dma_start3A_53 = arith.constant 0 : i32
      %dma_start3A_54 = tpu.memref_slice %arg7[%dma_start3A_52, %dma_start3A_53] : memref<200x128xf32, #tpu.memory_space<vmem>> -> memref<160x128xf32, #tpu.memory_space<vmem>>
      %dma_start3A_55 = arith.constant 0 : i32
      %dma_start3A_56 = tpu.memref_slice %arg8[%add3A_44, %dma_start3A_55] : memref<10240x128xf32, #tpu.memory_space<vmem_shared>> -> memref<160x128xf32, #tpu.memory_space<vmem_shared>>
      tpu.enqueue_dma source(%dma_start3A_56 : memref<160x128xf32, #tpu.memory_space<vmem_shared>>) target(%dma_start3A_54 : memref<160x128xf32, #tpu.memory_space<vmem>>) target_semaphore(%run_scoped3A : memref<!tpu.dma_semaphore, #tpu.memory_space<semaphore_mem>>)
      %dma_wait3A = arith.constant 0 : i32
      %dma_wait3A_57 = arith.constant 0 : i32
      %dma_wait3A_58 = tpu.memref_slice %arg7[%dma_wait3A, %dma_wait3A_57] : memref<200x128xf32, #tpu.memory_space<vmem>> -> memref<160x128xf32, #tpu.memory_space<vmem>>
      %dma_wait3A_59 = arith.constant 0 : i32
      %dma_wait3A_60 = tpu.memref_slice %arg8[%add3A_44, %dma_wait3A_59] : memref<10240x128xf32, #tpu.memory_space<vmem_shared>> -> memref<160x128xf32, #tpu.memory_space<vmem_shared>>
      %dma_wait3A_61 = arith.constant 0 : i32
      %dma_wait3A_62 = arith.constant 0 : i32
      %dma_wait3A_63 = tpu.memref_slice %arg7[%dma_wait3A_61, %dma_wait3A_62] : memref<200x128xf32, #tpu.memory_space<vmem>> -> memref<160x128xf32, #tpu.memory_space<vmem>>
      %dma_wait3A_64 = arith.constant 0 : i32
      %dma_wait3A_65 = tpu.memref_slice %arg8[%add3A_44, %dma_wait3A_64] : memref<10240x128xf32, #tpu.memory_space<vmem_shared>> -> memref<160x128xf32, #tpu.memory_space<vmem_shared>>
      tpu.wait_dma2 semaphore(%run_scoped3A : memref<!tpu.dma_semaphore, #tpu.memory_space<semaphore_mem>>) src(%dma_wait3A_65 : memref<160x128xf32, #tpu.memory_space<vmem_shared>>) dst(%dma_wait3A_63 : memref<160x128xf32, #tpu.memory_space<vmem>>)
      tpu.yield
    }) : () -> ()
    %mul3A_45 = arith.constant 10240 : i32
    %mul3A_46 = arith.muli %arg0, %mul3A_45 : i32
    %add3A_47 = arith.addi %mul3A_46, %add3A_44 : i32
    "tpu.region"() ({
      %run_scoped3A = tpu.sem_alloc : memref<!tpu.dma_semaphore, #tpu.memory_space<semaphore_mem>>
      %dma_start3A = arith.constant 0 : i32
      %dma_start3A_48 = arith.constant 0 : i32
      %dma_start3A_49 = tpu.memref_slice %arg7[%dma_start3A, %dma_start3A_48] : memref<200x128xf32, #tpu.memory_space<vmem>> -> memref<160x128xf32, #tpu.memory_space<vmem>>
      %dma_start3A_50 = arith.constant 0 : i32
      %dma_start3A_51 = tpu.memref_slice %arg5[%add3A_47, %dma_start3A_50] : memref<20480x128xf32, #tpu.memory_space<hbm>> -> memref<160x128xf32, #tpu.memory_space<hbm>>
      %dma_start3A_52 = arith.constant 0 : i32
      %dma_start3A_53 = tpu.memref_slice %arg5[%add3A_47, %dma_start3A_52] : memref<20480x128xf32, #tpu.memory_space<hbm>> -> memref<160x128xf32, #tpu.memory_space<hbm>>
      %dma_start3A_54 = arith.constant 0 : i32
      %dma_start3A_55 = arith.constant 0 : i32
      %dma_start3A_56 = tpu.memref_slice %arg7[%dma_start3A_54, %dma_start3A_55] : memref<200x128xf32, #tpu.memory_space<vmem>> -> memref<160x128xf32, #tpu.memory_space<vmem>>
      tpu.enqueue_dma source(%dma_start3A_56 : memref<160x128xf32, #tpu.memory_space<vmem>>) target(%dma_start3A_53 : memref<160x128xf32, #tpu.memory_space<hbm>>) target_semaphore(%run_scoped3A : memref<!tpu.dma_semaphore, #tpu.memory_space<semaphore_mem>>)
      %dma_wait3A = arith.constant 0 : i32
      %dma_wait3A_57 = arith.constant 0 : i32
      %dma_wait3A_58 = tpu.memref_slice %arg7[%dma_wait3A, %dma_wait3A_57] : memref<200x128xf32, #tpu.memory_space<vmem>> -> memref<160x128xf32, #tpu.memory_space<vmem>>
      %dma_wait3A_59 = arith.constant 0 : i32
      %dma_wait3A_60 = tpu.memref_slice %arg5[%add3A_47, %dma_wait3A_59] : memref<20480x128xf32, #tpu.memory_space<hbm>> -> memref<160x128xf32, #tpu.memory_space<hbm>>
      %dma_wait3A_61 = arith.constant 0 : i32
      %dma_wait3A_62 = tpu.memref_slice %arg5[%add3A_47, %dma_wait3A_61] : memref<20480x128xf32, #tpu.memory_space<hbm>> -> memref<160x128xf32, #tpu.memory_space<hbm>>
      %dma_wait3A_63 = arith.constant 0 : i32
      %dma_wait3A_64 = arith.constant 0 : i32
      %dma_wait3A_65 = tpu.memref_slice %arg7[%dma_wait3A_63, %dma_wait3A_64] : memref<200x128xf32, #tpu.memory_space<vmem>> -> memref<160x128xf32, #tpu.memory_space<vmem>>
      tpu.wait_dma2 semaphore(%run_scoped3A : memref<!tpu.dma_semaphore, #tpu.memory_space<semaphore_mem>>) src(%dma_wait3A_65 : memref<160x128xf32, #tpu.memory_space<vmem>>) dst(%dma_wait3A_62 : memref<160x128xf32, #tpu.memory_space<hbm>>)
      tpu.yield
    }) : () -> ()
    return
  }
}

#map = affine_map<(d0, d1) -> (0, 0)>
#map1 = affine_map<(d0, d1) -> (0)>
module attributes {stable_mosaic.version = 14 : i64} {
  func.func @k(%arg0: i32, %arg1: i32, %arg2: memref<10000x128xf32, #tpu.memory_space<hbm>>, %arg3: memref<160000xi32, #tpu.memory_space<hbm>>, %arg4: memref<160000x128xf32, #tpu.memory_space<hbm>>, %arg5: memref<200xi32, #tpu.memory_space<vmem>>, %arg6: memref<200x128xf32, #tpu.memory_space<vmem>>, %arg7: memref<!tpu.dma_semaphore, #tpu.memory_space<semaphore_mem>>) attributes {dimension_semantics = [#tpu.dimension_semantics<core_parallel>, #tpu.dimension_semantics<subcore_parallel>], iteration_bounds = array<i64: 2, 16>, scalar_prefetch = 0 : i64, scratch_operands = 3 : i64, tpu.core_type = #tpu.core_type<sc_vector_subcore>, window_params = [{transform_indices = #map}, {transform_indices = #map1}, {transform_indices = #map}]} {
    %mul3A = arith.constant 2 : i32
    %mul3A_0 = arith.muli %arg1, %mul3A : i32
    %add3A = arith.addi %mul3A_0, %arg0 : i32
    %scan3A = arith.constant 0 : i32
    %scan3A_1 = arith.constant 0 : i32
    %scan3A_2 = arith.constant 25 : i32
    %scan3A_3 = arith.addi %scan3A_1, %scan3A_2 : i32
    %scan3A_4 = arith.constant 1 : i32
    scf.for %scan3A_6 = %scan3A_1 to %scan3A_3 step %scan3A_4  : i32 {
      %mul3A_7 = arith.constant 5000 : i32
      %mul3A_8 = arith.muli %add3A, %mul3A_7 : i32
      %mul3A_9 = arith.constant 200 : i32
      %mul3A_10 = arith.muli %scan3A_6, %mul3A_9 : i32
      %add3A_11 = arith.addi %mul3A_8, %mul3A_10 : i32
      "tpu.region"() ({
        %run_scoped3A = tpu.sem_alloc : memref<!tpu.dma_semaphore, #tpu.memory_space<semaphore_mem>>
        %dma_start3A_16 = tpu.memref_slice %arg3[%add3A_11] : memref<160000xi32, #tpu.memory_space<hbm>> -> memref<200xi32, #tpu.memory_space<hbm>>
        %dma_start3A_17 = tpu.memref_slice %arg3[%add3A_11] : memref<160000xi32, #tpu.memory_space<hbm>> -> memref<200xi32, #tpu.memory_space<hbm>>
        tpu.enqueue_dma source(%dma_start3A_17 : memref<200xi32, #tpu.memory_space<hbm>>) target(%arg5 : memref<200xi32, #tpu.memory_space<vmem>>) target_semaphore(%run_scoped3A : memref<!tpu.dma_semaphore, #tpu.memory_space<semaphore_mem>>)
        %dma_wait3A_18 = tpu.memref_slice %arg3[%add3A_11] : memref<160000xi32, #tpu.memory_space<hbm>> -> memref<200xi32, #tpu.memory_space<hbm>>
        %dma_wait3A_19 = tpu.memref_slice %arg3[%add3A_11] : memref<160000xi32, #tpu.memory_space<hbm>> -> memref<200xi32, #tpu.memory_space<hbm>>
        tpu.wait_dma2 semaphore(%run_scoped3A : memref<!tpu.dma_semaphore, #tpu.memory_space<semaphore_mem>>) src(%dma_wait3A_19 : memref<200xi32, #tpu.memory_space<hbm>>) dst(%arg5 : memref<200xi32, #tpu.memory_space<vmem>>)
        tpu.yield
      }) : () -> ()
      %dma_start3A = arith.constant 0 : i32
      %dma_start3A_12 = arith.constant 0 : i32
      %dma_start3A_13 = tpu.memref_slice %arg2[%dma_start3A, %dma_start3A_12] : memref<10000x128xf32, #tpu.memory_space<hbm>> -> memref<10000x128xf32, #tpu.memory_space<hbm>>
      tpu.enqueue_indirect_dma source(%dma_start3A_13 : memref<10000x128xf32, #tpu.memory_space<hbm>>) target(%arg6 : memref<200x128xf32, #tpu.memory_space<vmem>>) offsets(%arg5 : memref<200xi32, #tpu.memory_space<vmem>>) semaphore(%arg7 : memref<!tpu.dma_semaphore, #tpu.memory_space<semaphore_mem>>)
      %dma_wait3A = arith.constant 0 : i32
      %dma_wait3A_14 = arith.constant 0 : i32
      %dma_wait3A_15 = tpu.memref_slice %arg2[%dma_wait3A, %dma_wait3A_14] : memref<10000x128xf32, #tpu.memory_space<hbm>> -> memref<10000x128xf32, #tpu.memory_space<hbm>>
      tpu.wait_indirect_dma semaphore(%arg7 : memref<!tpu.dma_semaphore, #tpu.memory_space<semaphore_mem>>) src(%dma_wait3A_15 : memref<10000x128xf32, #tpu.memory_space<hbm>>) dst(%arg6 : memref<200x128xf32, #tpu.memory_space<vmem>>)
      "tpu.region"() ({
        %run_scoped3A = tpu.sem_alloc : memref<!tpu.dma_semaphore, #tpu.memory_space<semaphore_mem>>
        %dma_start3A_16 = arith.constant 0 : i32
        %dma_start3A_17 = tpu.memref_slice %arg4[%add3A_11, %dma_start3A_16] : memref<160000x128xf32, #tpu.memory_space<hbm>> -> memref<200x128xf32, #tpu.memory_space<hbm>>
        %dma_start3A_18 = arith.constant 0 : i32
        %dma_start3A_19 = tpu.memref_slice %arg4[%add3A_11, %dma_start3A_18] : memref<160000x128xf32, #tpu.memory_space<hbm>> -> memref<200x128xf32, #tpu.memory_space<hbm>>
        tpu.enqueue_dma source(%arg6 : memref<200x128xf32, #tpu.memory_space<vmem>>) target(%dma_start3A_19 : memref<200x128xf32, #tpu.memory_space<hbm>>) target_semaphore(%run_scoped3A : memref<!tpu.dma_semaphore, #tpu.memory_space<semaphore_mem>>)
        %dma_wait3A_20 = arith.constant 0 : i32
        %dma_wait3A_21 = tpu.memref_slice %arg4[%add3A_11, %dma_wait3A_20] : memref<160000x128xf32, #tpu.memory_space<hbm>> -> memref<200x128xf32, #tpu.memory_space<hbm>>
        %dma_wait3A_22 = arith.constant 0 : i32
        %dma_wait3A_23 = tpu.memref_slice %arg4[%add3A_11, %dma_wait3A_22] : memref<160000x128xf32, #tpu.memory_space<hbm>> -> memref<200x128xf32, #tpu.memory_space<hbm>>
        tpu.wait_dma2 semaphore(%run_scoped3A : memref<!tpu.dma_semaphore, #tpu.memory_space<semaphore_mem>>) src(%arg6 : memref<200x128xf32, #tpu.memory_space<vmem>>) dst(%dma_wait3A_23 : memref<200x128xf32, #tpu.memory_space<hbm>>)
        tpu.yield
      }) : () -> ()
    }
    %scan3A_5 = arith.constant 25 : i32
    return
  }
}

#map = affine_map<(d0, d1) -> (0, 0)>
#map1 = affine_map<(d0, d1) -> (0)>
module attributes {stable_mosaic.version = 14 : i64} {
  func.func @k(%arg0: i32, %arg1: i32, %arg2: memref<10000x128xf32, #tpu.memory_space<hbm>>, %arg3: memref<160000xi32, #tpu.memory_space<hbm>>, %arg4: memref<160000xi32, #tpu.memory_space<hbm>>, %arg5: memref<160000x128xf32, #tpu.memory_space<hbm>>, %arg6: memref<160000x128xf32, #tpu.memory_space<hbm>>, %arg7: memref<200xi32, #tpu.memory_space<vmem>>, %arg8: memref<200xi32, #tpu.memory_space<vmem>>, %arg9: memref<200x128xf32, #tpu.memory_space<vmem>>, %arg10: memref<200x128xf32, #tpu.memory_space<vmem>>, %arg11: memref<!tpu.dma_semaphore, #tpu.memory_space<semaphore_mem>>, %arg12: memref<!tpu.dma_semaphore, #tpu.memory_space<semaphore_mem>>) attributes {dimension_semantics = [#tpu.dimension_semantics<core_parallel>, #tpu.dimension_semantics<subcore_parallel>], iteration_bounds = array<i64: 2, 16>, scalar_prefetch = 0 : i64, scratch_operands = 6 : i64, tpu.core_type = #tpu.core_type<sc_vector_subcore>, window_params = [{transform_indices = #map}, {transform_indices = #map1}, {transform_indices = #map1}, {transform_indices = #map}, {transform_indices = #map}]} {
    %mul3A = arith.constant 2 : i32
    %mul3A_0 = arith.muli %arg1, %mul3A : i32
    %add3A = arith.addi %mul3A_0, %arg0 : i32
    %scan3A = arith.constant 0 : i32
    %scan3A_1 = arith.constant 0 : i32
    %scan3A_2 = arith.constant 25 : i32
    %scan3A_3 = arith.addi %scan3A_1, %scan3A_2 : i32
    %scan3A_4 = arith.constant 1 : i32
    scf.for %scan3A_6 = %scan3A_1 to %scan3A_3 step %scan3A_4  : i32 {
      %mul3A_7 = arith.constant 5000 : i32
      %mul3A_8 = arith.muli %add3A, %mul3A_7 : i32
      %mul3A_9 = arith.constant 200 : i32
      %mul3A_10 = arith.muli %scan3A_6, %mul3A_9 : i32
      %add3A_11 = arith.addi %mul3A_8, %mul3A_10 : i32
      "tpu.region"() ({
        %run_scoped3A = tpu.sem_alloc : memref<!tpu.dma_semaphore, #tpu.memory_space<semaphore_mem>>
        %dma_start3A_22 = tpu.memref_slice %arg3[%add3A_11] : memref<160000xi32, #tpu.memory_space<hbm>> -> memref<200xi32, #tpu.memory_space<hbm>>
        %dma_start3A_23 = tpu.memref_slice %arg3[%add3A_11] : memref<160000xi32, #tpu.memory_space<hbm>> -> memref<200xi32, #tpu.memory_space<hbm>>
        tpu.enqueue_dma source(%dma_start3A_23 : memref<200xi32, #tpu.memory_space<hbm>>) target(%arg7 : memref<200xi32, #tpu.memory_space<vmem>>) target_semaphore(%run_scoped3A : memref<!tpu.dma_semaphore, #tpu.memory_space<semaphore_mem>>)
        %dma_wait3A_24 = tpu.memref_slice %arg3[%add3A_11] : memref<160000xi32, #tpu.memory_space<hbm>> -> memref<200xi32, #tpu.memory_space<hbm>>
        %dma_wait3A_25 = tpu.memref_slice %arg3[%add3A_11] : memref<160000xi32, #tpu.memory_space<hbm>> -> memref<200xi32, #tpu.memory_space<hbm>>
        tpu.wait_dma2 semaphore(%run_scoped3A : memref<!tpu.dma_semaphore, #tpu.memory_space<semaphore_mem>>) src(%dma_wait3A_25 : memref<200xi32, #tpu.memory_space<hbm>>) dst(%arg7 : memref<200xi32, #tpu.memory_space<vmem>>)
        tpu.yield
      }) : () -> ()
      "tpu.region"() ({
        %run_scoped3A = tpu.sem_alloc : memref<!tpu.dma_semaphore, #tpu.memory_space<semaphore_mem>>
        %dma_start3A_22 = tpu.memref_slice %arg4[%add3A_11] : memref<160000xi32, #tpu.memory_space<hbm>> -> memref<200xi32, #tpu.memory_space<hbm>>
        %dma_start3A_23 = tpu.memref_slice %arg4[%add3A_11] : memref<160000xi32, #tpu.memory_space<hbm>> -> memref<200xi32, #tpu.memory_space<hbm>>
        tpu.enqueue_dma source(%dma_start3A_23 : memref<200xi32, #tpu.memory_space<hbm>>) target(%arg8 : memref<200xi32, #tpu.memory_space<vmem>>) target_semaphore(%run_scoped3A : memref<!tpu.dma_semaphore, #tpu.memory_space<semaphore_mem>>)
        %dma_wait3A_24 = tpu.memref_slice %arg4[%add3A_11] : memref<160000xi32, #tpu.memory_space<hbm>> -> memref<200xi32, #tpu.memory_space<hbm>>
        %dma_wait3A_25 = tpu.memref_slice %arg4[%add3A_11] : memref<160000xi32, #tpu.memory_space<hbm>> -> memref<200xi32, #tpu.memory_space<hbm>>
        tpu.wait_dma2 semaphore(%run_scoped3A : memref<!tpu.dma_semaphore, #tpu.memory_space<semaphore_mem>>) src(%dma_wait3A_25 : memref<200xi32, #tpu.memory_space<hbm>>) dst(%arg8 : memref<200xi32, #tpu.memory_space<vmem>>)
        tpu.yield
      }) : () -> ()
      %dma_start3A = arith.constant 0 : i32
      %dma_start3A_12 = arith.constant 0 : i32
      %dma_start3A_13 = tpu.memref_slice %arg2[%dma_start3A, %dma_start3A_12] : memref<10000x128xf32, #tpu.memory_space<hbm>> -> memref<10000x128xf32, #tpu.memory_space<hbm>>
      tpu.enqueue_indirect_dma source(%dma_start3A_13 : memref<10000x128xf32, #tpu.memory_space<hbm>>) target(%arg9 : memref<200x128xf32, #tpu.memory_space<vmem>>) offsets(%arg7 : memref<200xi32, #tpu.memory_space<vmem>>) semaphore(%arg11 : memref<!tpu.dma_semaphore, #tpu.memory_space<semaphore_mem>>)
      %dma_start3A_14 = arith.constant 0 : i32
      %dma_start3A_15 = arith.constant 0 : i32
      %dma_start3A_16 = tpu.memref_slice %arg2[%dma_start3A_14, %dma_start3A_15] : memref<10000x128xf32, #tpu.memory_space<hbm>> -> memref<10000x128xf32, #tpu.memory_space<hbm>>
      tpu.enqueue_indirect_dma source(%dma_start3A_16 : memref<10000x128xf32, #tpu.memory_space<hbm>>) target(%arg10 : memref<200x128xf32, #tpu.memory_space<vmem>>) offsets(%arg8 : memref<200xi32, #tpu.memory_space<vmem>>) semaphore(%arg12 : memref<!tpu.dma_semaphore, #tpu.memory_space<semaphore_mem>>)
      %dma_wait3A = arith.constant 0 : i32
      %dma_wait3A_17 = arith.constant 0 : i32
      %dma_wait3A_18 = tpu.memref_slice %arg2[%dma_wait3A, %dma_wait3A_17] : memref<10000x128xf32, #tpu.memory_space<hbm>> -> memref<10000x128xf32, #tpu.memory_space<hbm>>
      tpu.wait_indirect_dma semaphore(%arg11 : memref<!tpu.dma_semaphore, #tpu.memory_space<semaphore_mem>>) src(%dma_wait3A_18 : memref<10000x128xf32, #tpu.memory_space<hbm>>) dst(%arg9 : memref<200x128xf32, #tpu.memory_space<vmem>>)
      "tpu.region"() ({
        %run_scoped3A = tpu.sem_alloc : memref<!tpu.dma_semaphore, #tpu.memory_space<semaphore_mem>>
        %dma_start3A_22 = arith.constant 0 : i32
        %dma_start3A_23 = tpu.memref_slice %arg5[%add3A_11, %dma_start3A_22] : memref<160000x128xf32, #tpu.memory_space<hbm>> -> memref<200x128xf32, #tpu.memory_space<hbm>>
        %dma_start3A_24 = arith.constant 0 : i32
        %dma_start3A_25 = tpu.memref_slice %arg5[%add3A_11, %dma_start3A_24] : memref<160000x128xf32, #tpu.memory_space<hbm>> -> memref<200x128xf32, #tpu.memory_space<hbm>>
        tpu.enqueue_dma source(%arg9 : memref<200x128xf32, #tpu.memory_space<vmem>>) target(%dma_start3A_25 : memref<200x128xf32, #tpu.memory_space<hbm>>) target_semaphore(%run_scoped3A : memref<!tpu.dma_semaphore, #tpu.memory_space<semaphore_mem>>)
        %dma_wait3A_26 = arith.constant 0 : i32
        %dma_wait3A_27 = tpu.memref_slice %arg5[%add3A_11, %dma_wait3A_26] : memref<160000x128xf32, #tpu.memory_space<hbm>> -> memref<200x128xf32, #tpu.memory_space<hbm>>
        %dma_wait3A_28 = arith.constant 0 : i32
        %dma_wait3A_29 = tpu.memref_slice %arg5[%add3A_11, %dma_wait3A_28] : memref<160000x128xf32, #tpu.memory_space<hbm>> -> memref<200x128xf32, #tpu.memory_space<hbm>>
        tpu.wait_dma2 semaphore(%run_scoped3A : memref<!tpu.dma_semaphore, #tpu.memory_space<semaphore_mem>>) src(%arg9 : memref<200x128xf32, #tpu.memory_space<vmem>>) dst(%dma_wait3A_29 : memref<200x128xf32, #tpu.memory_space<hbm>>)
        tpu.yield
      }) : () -> ()
      %dma_wait3A_19 = arith.constant 0 : i32
      %dma_wait3A_20 = arith.constant 0 : i32
      %dma_wait3A_21 = tpu.memref_slice %arg2[%dma_wait3A_19, %dma_wait3A_20] : memref<10000x128xf32, #tpu.memory_space<hbm>> -> memref<10000x128xf32, #tpu.memory_space<hbm>>
      tpu.wait_indirect_dma semaphore(%arg12 : memref<!tpu.dma_semaphore, #tpu.memory_space<semaphore_mem>>) src(%dma_wait3A_21 : memref<10000x128xf32, #tpu.memory_space<hbm>>) dst(%arg10 : memref<200x128xf32, #tpu.memory_space<vmem>>)
      "tpu.region"() ({
        %run_scoped3A = tpu.sem_alloc : memref<!tpu.dma_semaphore, #tpu.memory_space<semaphore_mem>>
        %dma_start3A_22 = arith.constant 0 : i32
        %dma_start3A_23 = tpu.memref_slice %arg6[%add3A_11, %dma_start3A_22] : memref<160000x128xf32, #tpu.memory_space<hbm>> -> memref<200x128xf32, #tpu.memory_space<hbm>>
        %dma_start3A_24 = arith.constant 0 : i32
        %dma_start3A_25 = tpu.memref_slice %arg6[%add3A_11, %dma_start3A_24] : memref<160000x128xf32, #tpu.memory_space<hbm>> -> memref<200x128xf32, #tpu.memory_space<hbm>>
        tpu.enqueue_dma source(%arg10 : memref<200x128xf32, #tpu.memory_space<vmem>>) target(%dma_start3A_25 : memref<200x128xf32, #tpu.memory_space<hbm>>) target_semaphore(%run_scoped3A : memref<!tpu.dma_semaphore, #tpu.memory_space<semaphore_mem>>)
        %dma_wait3A_26 = arith.constant 0 : i32
        %dma_wait3A_27 = tpu.memref_slice %arg6[%add3A_11, %dma_wait3A_26] : memref<160000x128xf32, #tpu.memory_space<hbm>> -> memref<200x128xf32, #tpu.memory_space<hbm>>
        %dma_wait3A_28 = arith.constant 0 : i32
        %dma_wait3A_29 = tpu.memref_slice %arg6[%add3A_11, %dma_wait3A_28] : memref<160000x128xf32, #tpu.memory_space<hbm>> -> memref<200x128xf32, #tpu.memory_space<hbm>>
        tpu.wait_dma2 semaphore(%run_scoped3A : memref<!tpu.dma_semaphore, #tpu.memory_space<semaphore_mem>>) src(%arg10 : memref<200x128xf32, #tpu.memory_space<vmem>>) dst(%dma_wait3A_29 : memref<200x128xf32, #tpu.memory_space<hbm>>)
        tpu.yield
      }) : () -> ()
    }
    %scan3A_5 = arith.constant 25 : i32
    return
  }
}

#map = affine_map<(d0, d1) -> (0, 0)>
#map1 = affine_map<(d0, d1) -> (0)>
module attributes {stable_mosaic.version = 14 : i64} {
  func.func @k(%arg0: i32, %arg1: i32, %arg2: memref<10000x128xf32, #tpu.memory_space<hbm>>, %arg3: memref<160000xi32, #tpu.memory_space<hbm>>, %arg4: memref<160000xi32, #tpu.memory_space<hbm>>, %arg5: memref<160000x128xf32, #tpu.memory_space<hbm>>, %arg6: memref<160000x128xf32, #tpu.memory_space<hbm>>, %arg7: memref<200xi32, #tpu.memory_space<vmem>>, %arg8: memref<200xi32, #tpu.memory_space<vmem>>, %arg9: memref<200x128xf32, #tpu.memory_space<vmem>>, %arg10: memref<200x128xf32, #tpu.memory_space<vmem>>, %arg11: memref<!tpu.dma_semaphore, #tpu.memory_space<semaphore_mem>>, %arg12: memref<!tpu.dma_semaphore, #tpu.memory_space<semaphore_mem>>) attributes {dimension_semantics = [#tpu.dimension_semantics<core_parallel>, #tpu.dimension_semantics<subcore_parallel>], iteration_bounds = array<i64: 2, 16>, scalar_prefetch = 0 : i64, scratch_operands = 6 : i64, tpu.core_type = #tpu.core_type<sc_vector_subcore>, window_params = [{transform_indices = #map}, {transform_indices = #map1}, {transform_indices = #map1}, {transform_indices = #map}, {transform_indices = #map}]} {
    %mul3A = arith.constant 2 : i32
    %mul3A_0 = arith.muli %arg1, %mul3A : i32
    %add3A = arith.addi %mul3A_0, %arg0 : i32
    %scan3A = arith.constant 0 : i32
    %scan3A_1 = arith.constant 0 : i32
    %scan3A_2 = arith.constant 25 : i32
    %scan3A_3 = arith.addi %scan3A_1, %scan3A_2 : i32
    %scan3A_4 = arith.constant 1 : i32
    scf.for %scan3A_6 = %scan3A_1 to %scan3A_3 step %scan3A_4  : i32 {
      %mul3A_7 = arith.constant 5000 : i32
      %mul3A_8 = arith.muli %add3A, %mul3A_7 : i32
      %mul3A_9 = arith.constant 200 : i32
      %mul3A_10 = arith.muli %scan3A_6, %mul3A_9 : i32
      %add3A_11 = arith.addi %mul3A_8, %mul3A_10 : i32
      "tpu.region"() ({
        %run_scoped3A = tpu.sem_alloc : memref<!tpu.dma_semaphore, #tpu.memory_space<semaphore_mem>>
        %dma_start3A_22 = tpu.memref_slice %arg3[%add3A_11] : memref<160000xi32, #tpu.memory_space<hbm>> -> memref<200xi32, #tpu.memory_space<hbm>>
        %dma_start3A_23 = tpu.memref_slice %arg3[%add3A_11] : memref<160000xi32, #tpu.memory_space<hbm>> -> memref<200xi32, #tpu.memory_space<hbm>>
        tpu.enqueue_dma source(%dma_start3A_23 : memref<200xi32, #tpu.memory_space<hbm>>) target(%arg7 : memref<200xi32, #tpu.memory_space<vmem>>) target_semaphore(%run_scoped3A : memref<!tpu.dma_semaphore, #tpu.memory_space<semaphore_mem>>)
        %dma_wait3A_24 = tpu.memref_slice %arg3[%add3A_11] : memref<160000xi32, #tpu.memory_space<hbm>> -> memref<200xi32, #tpu.memory_space<hbm>>
        %dma_wait3A_25 = tpu.memref_slice %arg3[%add3A_11] : memref<160000xi32, #tpu.memory_space<hbm>> -> memref<200xi32, #tpu.memory_space<hbm>>
        tpu.wait_dma2 semaphore(%run_scoped3A : memref<!tpu.dma_semaphore, #tpu.memory_space<semaphore_mem>>) src(%dma_wait3A_25 : memref<200xi32, #tpu.memory_space<hbm>>) dst(%arg7 : memref<200xi32, #tpu.memory_space<vmem>>)
        tpu.yield
      }) : () -> ()
      "tpu.region"() ({
        %run_scoped3A = tpu.sem_alloc : memref<!tpu.dma_semaphore, #tpu.memory_space<semaphore_mem>>
        %dma_start3A_22 = tpu.memref_slice %arg4[%add3A_11] : memref<160000xi32, #tpu.memory_space<hbm>> -> memref<200xi32, #tpu.memory_space<hbm>>
        %dma_start3A_23 = tpu.memref_slice %arg4[%add3A_11] : memref<160000xi32, #tpu.memory_space<hbm>> -> memref<200xi32, #tpu.memory_space<hbm>>
        tpu.enqueue_dma source(%dma_start3A_23 : memref<200xi32, #tpu.memory_space<hbm>>) target(%arg8 : memref<200xi32, #tpu.memory_space<vmem>>) target_semaphore(%run_scoped3A : memref<!tpu.dma_semaphore, #tpu.memory_space<semaphore_mem>>)
        %dma_wait3A_24 = tpu.memref_slice %arg4[%add3A_11] : memref<160000xi32, #tpu.memory_space<hbm>> -> memref<200xi32, #tpu.memory_space<hbm>>
        %dma_wait3A_25 = tpu.memref_slice %arg4[%add3A_11] : memref<160000xi32, #tpu.memory_space<hbm>> -> memref<200xi32, #tpu.memory_space<hbm>>
        tpu.wait_dma2 semaphore(%run_scoped3A : memref<!tpu.dma_semaphore, #tpu.memory_space<semaphore_mem>>) src(%dma_wait3A_25 : memref<200xi32, #tpu.memory_space<hbm>>) dst(%arg8 : memref<200xi32, #tpu.memory_space<vmem>>)
        tpu.yield
      }) : () -> ()
      %dma_start3A = arith.constant 0 : i32
      %dma_start3A_12 = arith.constant 0 : i32
      %dma_start3A_13 = tpu.memref_slice %arg2[%dma_start3A, %dma_start3A_12] : memref<10000x128xf32, #tpu.memory_space<hbm>> -> memref<10000x128xf32, #tpu.memory_space<hbm>>
      tpu.enqueue_indirect_dma source(%dma_start3A_13 : memref<10000x128xf32, #tpu.memory_space<hbm>>) target(%arg9 : memref<200x128xf32, #tpu.memory_space<vmem>>) offsets(%arg7 : memref<200xi32, #tpu.memory_space<vmem>>) semaphore(%arg11 : memref<!tpu.dma_semaphore, #tpu.memory_space<semaphore_mem>>)
      %dma_start3A_14 = arith.constant 0 : i32
      %dma_start3A_15 = arith.constant 0 : i32
      %dma_start3A_16 = tpu.memref_slice %arg2[%dma_start3A_14, %dma_start3A_15] : memref<10000x128xf32, #tpu.memory_space<hbm>> -> memref<10000x128xf32, #tpu.memory_space<hbm>>
      tpu.enqueue_indirect_dma source(%dma_start3A_16 : memref<10000x128xf32, #tpu.memory_space<hbm>>) target(%arg10 : memref<200x128xf32, #tpu.memory_space<vmem>>) offsets(%arg8 : memref<200xi32, #tpu.memory_space<vmem>>) semaphore(%arg12 : memref<!tpu.dma_semaphore, #tpu.memory_space<semaphore_mem>>)
      %dma_wait3A = arith.constant 0 : i32
      %dma_wait3A_17 = arith.constant 0 : i32
      %dma_wait3A_18 = tpu.memref_slice %arg2[%dma_wait3A, %dma_wait3A_17] : memref<10000x128xf32, #tpu.memory_space<hbm>> -> memref<10000x128xf32, #tpu.memory_space<hbm>>
      tpu.wait_indirect_dma semaphore(%arg11 : memref<!tpu.dma_semaphore, #tpu.memory_space<semaphore_mem>>) src(%dma_wait3A_18 : memref<10000x128xf32, #tpu.memory_space<hbm>>) dst(%arg9 : memref<200x128xf32, #tpu.memory_space<vmem>>)
      "tpu.region"() ({
        %run_scoped3A = tpu.sem_alloc : memref<!tpu.dma_semaphore, #tpu.memory_space<semaphore_mem>>
        %dma_start3A_22 = arith.constant 0 : i32
        %dma_start3A_23 = tpu.memref_slice %arg5[%add3A_11, %dma_start3A_22] : memref<160000x128xf32, #tpu.memory_space<hbm>> -> memref<200x128xf32, #tpu.memory_space<hbm>>
        %dma_start3A_24 = arith.constant 0 : i32
        %dma_start3A_25 = tpu.memref_slice %arg5[%add3A_11, %dma_start3A_24] : memref<160000x128xf32, #tpu.memory_space<hbm>> -> memref<200x128xf32, #tpu.memory_space<hbm>>
        tpu.enqueue_dma source(%arg9 : memref<200x128xf32, #tpu.memory_space<vmem>>) target(%dma_start3A_25 : memref<200x128xf32, #tpu.memory_space<hbm>>) target_semaphore(%run_scoped3A : memref<!tpu.dma_semaphore, #tpu.memory_space<semaphore_mem>>)
        %dma_wait3A_26 = arith.constant 0 : i32
        %dma_wait3A_27 = tpu.memref_slice %arg5[%add3A_11, %dma_wait3A_26] : memref<160000x128xf32, #tpu.memory_space<hbm>> -> memref<200x128xf32, #tpu.memory_space<hbm>>
        %dma_wait3A_28 = arith.constant 0 : i32
        %dma_wait3A_29 = tpu.memref_slice %arg5[%add3A_11, %dma_wait3A_28] : memref<160000x128xf32, #tpu.memory_space<hbm>> -> memref<200x128xf32, #tpu.memory_space<hbm>>
        tpu.wait_dma2 semaphore(%run_scoped3A : memref<!tpu.dma_semaphore, #tpu.memory_space<semaphore_mem>>) src(%arg9 : memref<200x128xf32, #tpu.memory_space<vmem>>) dst(%dma_wait3A_29 : memref<200x128xf32, #tpu.memory_space<hbm>>)
        tpu.yield
      }) : () -> ()
      %dma_wait3A_19 = arith.constant 0 : i32
      %dma_wait3A_20 = arith.constant 0 : i32
      %dma_wait3A_21 = tpu.memref_slice %arg2[%dma_wait3A_19, %dma_wait3A_20] : memref<10000x128xf32, #tpu.memory_space<hbm>> -> memref<10000x128xf32, #tpu.memory_space<hbm>>
      tpu.wait_indirect_dma semaphore(%arg12 : memref<!tpu.dma_semaphore, #tpu.memory_space<semaphore_mem>>) src(%dma_wait3A_21 : memref<10000x128xf32, #tpu.memory_space<hbm>>) dst(%arg10 : memref<200x128xf32, #tpu.memory_space<vmem>>)
      "tpu.region"() ({
        %run_scoped3A = tpu.sem_alloc : memref<!tpu.dma_semaphore, #tpu.memory_space<semaphore_mem>>
        %dma_start3A_22 = arith.constant 0 : i32
        %dma_start3A_23 = tpu.memref_slice %arg6[%add3A_11, %dma_start3A_22] : memref<160000x128xf32, #tpu.memory_space<hbm>> -> memref<200x128xf32, #tpu.memory_space<hbm>>
        %dma_start3A_24 = arith.constant 0 : i32
        %dma_start3A_25 = tpu.memref_slice %arg6[%add3A_11, %dma_start3A_24] : memref<160000x128xf32, #tpu.memory_space<hbm>> -> memref<200x128xf32, #tpu.memory_space<hbm>>
        tpu.enqueue_dma source(%arg10 : memref<200x128xf32, #tpu.memory_space<vmem>>) target(%dma_start3A_25 : memref<200x128xf32, #tpu.memory_space<hbm>>) target_semaphore(%run_scoped3A : memref<!tpu.dma_semaphore, #tpu.memory_space<semaphore_mem>>)
        %dma_wait3A_26 = arith.constant 0 : i32
        %dma_wait3A_27 = tpu.memref_slice %arg6[%add3A_11, %dma_wait3A_26] : memref<160000x128xf32, #tpu.memory_space<hbm>> -> memref<200x128xf32, #tpu.memory_space<hbm>>
        %dma_wait3A_28 = arith.constant 0 : i32
        %dma_wait3A_29 = tpu.memref_slice %arg6[%add3A_11, %dma_wait3A_28] : memref<160000x128xf32, #tpu.memory_space<hbm>> -> memref<200x128xf32, #tpu.memory_space<hbm>>
        tpu.wait_dma2 semaphore(%run_scoped3A : memref<!tpu.dma_semaphore, #tpu.memory_space<semaphore_mem>>) src(%arg10 : memref<200x128xf32, #tpu.memory_space<vmem>>) dst(%dma_wait3A_29 : memref<200x128xf32, #tpu.memory_space<hbm>>)
        tpu.yield
      }) : () -> ()
    }
    %scan3A_5 = arith.constant 25 : i32
    return
  }
}

module attributes {stable_mosaic.version = 14 : i64} {
  func.func @_edge_body(%arg0: i32, %arg1: memref<2000x16xf32, #tpu.memory_space<vmem>>, %arg2: memref<2000x128xf32, #tpu.memory_space<vmem>>, %arg3: memref<16x64xf32, #tpu.memory_space<vmem>>, %arg4: memref<1x64xf32, #tpu.memory_space<vmem>>, %arg5: memref<128x512xf32, #tpu.memory_space<vmem>>, %arg6: memref<64x512xf32, #tpu.memory_space<vmem>>, %arg7: memref<512x16xf32, #tpu.memory_space<vmem>>, %arg8: memref<128x16xf32, #tpu.memory_space<vmem>>, %arg9: memref<1x16xf32, #tpu.memory_space<vmem>>, %arg10: memref<2000x128xf32, #tpu.memory_space<vmem>>) attributes {dimension_semantics = [#tpu.dimension_semantics<arbitrary>], iteration_bounds = array<i64: 80>, scalar_prefetch = 0 : i64, scratch_operands = 0 : i64, tpu.core_type = #tpu.core_type<tc>, window_params = [{transform_indices = @transform_0, window_bounds = array<i64: 2000, 16>}, {transform_indices = @transform_1, window_bounds = array<i64: 2000, 128>}, {pipeline_mode = #tpu.pipeline_mode<synchronous>, transform_indices = @transform_2, window_bounds = array<i64: 16, 64>}, {pipeline_mode = #tpu.pipeline_mode<synchronous>, transform_indices = @transform_3, window_bounds = array<i64: 1, 64>}, {pipeline_mode = #tpu.pipeline_mode<synchronous>, transform_indices = @transform_4, window_bounds = array<i64: 128, 512>}, {pipeline_mode = #tpu.pipeline_mode<synchronous>, transform_indices = @transform_5, window_bounds = array<i64: 64, 512>}, {pipeline_mode = #tpu.pipeline_mode<synchronous>, transform_indices = @transform_6, window_bounds = array<i64: 512, 16>}, {pipeline_mode = #tpu.pipeline_mode<synchronous>, transform_indices = @transform_7, window_bounds = array<i64: 128, 16>}, {pipeline_mode = #tpu.pipeline_mode<synchronous>, transform_indices = @transform_8, window_bounds = array<i64: 1, 16>}, {transform_indices = @transform_9, window_bounds = array<i64: 2000, 128>}]} {
    %get3A = arith.constant 0 : index
    %get3A_0 = arith.constant 0 : index
    %get3A_1 = vector.load %arg1[%get3A, %get3A_0] : memref<2000x16xf32, #tpu.memory_space<vmem>>, vector<2000x16xf32>
    %get3A_2 = arith.constant 0 : index
    %get3A_3 = arith.constant 0 : index
    %get3A_4 = vector.load %arg2[%get3A_2, %get3A_3] : memref<2000x128xf32, #tpu.memory_space<vmem>>, vector<2000x128xf32>
    %get3A_5 = arith.constant 0 : index
    %get3A_6 = arith.constant 0 : index
    %get3A_7 = vector.load %arg3[%get3A_5, %get3A_6] : memref<16x64xf32, #tpu.memory_space<vmem>>, vector<16x64xf32>
    %dot_general3A = arith.constant dense<0.000000e+00> : vector<2000x64xf32>
    %dot_general3A_8 = tpu.matmul %get3A_1, %get3A_7, %dot_general3A {dimension_numbers = #tpu.dot_dimension_numbers<[1], [0], [0], [1], [0, 0, 1, 1], [], []>, transpose_lhs_hint = false} : vector<2000x16xf32>, vector<16x64xf32>, vector<2000x64xf32> -> vector<2000x64xf32>
    %get3A_9 = arith.constant 0 : index
    %get3A_10 = arith.constant 0 : index
    %get3A_11 = vector.load %arg4[%get3A_9, %get3A_10] : memref<1x64xf32, #tpu.memory_space<vmem>>, vector<1x64xf32>
    %add3A = vector.broadcast %get3A_11 : vector<1x64xf32> to vector<2000x64xf32>
    %add3A_12 = arith.addf %dot_general3A_8, %add3A : vector<2000x64xf32>
    %max3A = arith.constant 0.000000e+00 : f32
    %max3A_13 = vector.broadcast %max3A : f32 to vector<2000x64xf32>
    %max3A_14 = arith.maximumf %add3A_12, %max3A_13 : vector<2000x64xf32>
    %get3A_15 = arith.constant 0 : index
    %get3A_16 = arith.constant 0 : index
    %get3A_17 = vector.load %arg5[%get3A_15, %get3A_16] : memref<128x512xf32, #tpu.memory_space<vmem>>, vector<128x512xf32>
    %dot_general3A_18 = arith.constant dense<0.000000e+00> : vector<2000x512xf32>
    %dot_general3A_19 = tpu.matmul %get3A_4, %get3A_17, %dot_general3A_18 {dimension_numbers = #tpu.dot_dimension_numbers<[1], [0], [0], [1], [0, 0, 1, 1], [], []>, transpose_lhs_hint = false} : vector<2000x128xf32>, vector<128x512xf32>, vector<2000x512xf32> -> vector<2000x512xf32>
    %get3A_20 = arith.constant 0 : index
    %get3A_21 = arith.constant 0 : index
    %get3A_22 = vector.load %arg6[%get3A_20, %get3A_21] : memref<64x512xf32, #tpu.memory_space<vmem>>, vector<64x512xf32>
    %dot_general3A_23 = arith.constant dense<0.000000e+00> : vector<2000x512xf32>
    %dot_general3A_24 = tpu.matmul %max3A_14, %get3A_22, %dot_general3A_23 {dimension_numbers = #tpu.dot_dimension_numbers<[1], [0], [0], [1], [0, 0, 1, 1], [], []>, transpose_lhs_hint = false} : vector<2000x64xf32>, vector<64x512xf32>, vector<2000x512xf32> -> vector<2000x512xf32>
    %mul3A = arith.mulf %dot_general3A_19, %dot_general3A_24 : vector<2000x512xf32>
    %get3A_25 = arith.constant 0 : index
    %get3A_26 = arith.constant 0 : index
    %get3A_27 = vector.load %arg7[%get3A_25, %get3A_26] : memref<512x16xf32, #tpu.memory_space<vmem>>, vector<512x16xf32>
    %dot_general3A_28 = arith.constant dense<0.000000e+00> : vector<2000x16xf32>
    %dot_general3A_29 = tpu.matmul %mul3A, %get3A_27, %dot_general3A_28 {dimension_numbers = #tpu.dot_dimension_numbers<[1], [0], [0], [1], [0, 0, 1, 1], [], []>, transpose_lhs_hint = false} : vector<2000x512xf32>, vector<512x16xf32>, vector<2000x16xf32> -> vector<2000x16xf32>
    %get3A_30 = arith.constant 0 : index
    %get3A_31 = arith.constant 0 : index
    %get3A_32 = vector.load %arg8[%get3A_30, %get3A_31] : memref<128x16xf32, #tpu.memory_space<vmem>>, vector<128x16xf32>
    %dot_general3A_33 = arith.constant dense<0.000000e+00> : vector<2000x16xf32>
    %dot_general3A_34 = tpu.matmul %get3A_4, %get3A_32, %dot_general3A_33 {dimension_numbers = #tpu.dot_dimension_numbers<[1], [0], [0], [1], [0, 0, 1, 1], [], []>, transpose_lhs_hint = false} : vector<2000x128xf32>, vector<128x16xf32>, vector<2000x16xf32> -> vector<2000x16xf32>
    %add3A_35 = arith.addf %dot_general3A_29, %dot_general3A_34 : vector<2000x16xf32>
    %get3A_36 = arith.constant 0 : index
    %get3A_37 = arith.constant 0 : index
    %get3A_38 = vector.load %arg9[%get3A_36, %get3A_37] : memref<1x16xf32, #tpu.memory_space<vmem>>, vector<1x16xf32>
    %add3A_39 = vector.broadcast %get3A_38 : vector<1x16xf32> to vector<2000x16xf32>
    %add3A_40 = arith.addf %add3A_35, %add3A_39 : vector<2000x16xf32>
    %swap3A = arith.constant 0 : index
    %swap3A_41 = arith.constant 0 : index
    %swap3A_42 = vector.load %arg10[%swap3A, %swap3A_41] : memref<2000x128xf32, #tpu.memory_space<vmem>>, vector<2000x16xf32>
    tpu.vector_store %arg10[%swap3A, %swap3A_41], %add3A_40 {strides = array<i32>} : memref<2000x128xf32, #tpu.memory_space<vmem>>, vector<2000x16xf32>,
    return
  }
  func.func @transform_0(%arg0: i32) -> (i32, i32) {
    %c0_i32 = arith.constant 0 : i32
    %c0_i32_0 = arith.constant 0 : i32
    return %arg0, %c0_i32 : i32, i32
  }
  func.func @transform_1(%arg0: i32) -> (i32, i32) {
    %c0_i32 = arith.constant 0 : i32
    %c0_i32_0 = arith.constant 0 : i32
    return %arg0, %c0_i32 : i32, i32
  }
  func.func @transform_2(%arg0: i32) -> (i32, i32) {
    %c0_i32 = arith.constant 0 : i32
    %c0_i32_0 = arith.constant 0 : i32
    %c0_i32_1 = arith.constant 0 : i32
    return %c0_i32, %c0_i32_0 : i32, i32
  }
  func.func @transform_3(%arg0: i32) -> (i32, i32) {
    %c0_i32 = arith.constant 0 : i32
    %c0_i32_0 = arith.constant 0 : i32
    %c0_i32_1 = arith.constant 0 : i32
    return %c0_i32, %c0_i32_0 : i32, i32
  }
  func.func @transform_4(%arg0: i32) -> (i32, i32) {
    %c0_i32 = arith.constant 0 : i32
    %c0_i32_0 = arith.constant 0 : i32
    %c0_i32_1 = arith.constant 0 : i32
    return %c0_i32, %c0_i32_0 : i32, i32
  }
  func.func @transform_5(%arg0: i32) -> (i32, i32) {
    %c0_i32 = arith.constant 0 : i32
    %c0_i32_0 = arith.constant 0 : i32
    %c0_i32_1 = arith.constant 0 : i32
    return %c0_i32, %c0_i32_0 : i32, i32
  }
  func.func @transform_6(%arg0: i32) -> (i32, i32) {
    %c0_i32 = arith.constant 0 : i32
    %c0_i32_0 = arith.constant 0 : i32
    %c0_i32_1 = arith.constant 0 : i32
    return %c0_i32, %c0_i32_0 : i32, i32
  }
  func.func @transform_7(%arg0: i32) -> (i32, i32) {
    %c0_i32 = arith.constant 0 : i32
    %c0_i32_0 = arith.constant 0 : i32
    %c0_i32_1 = arith.constant 0 : i32
    return %c0_i32, %c0_i32_0 : i32, i32
  }
  func.func @transform_8(%arg0: i32) -> (i32, i32) {
    %c0_i32 = arith.constant 0 : i32
    %c0_i32_0 = arith.constant 0 : i32
    %c0_i32_1 = arith.constant 0 : i32
    return %c0_i32, %c0_i32_0 : i32, i32
  }
  func.func @transform_9(%arg0: i32) -> (i32, i32) {
    %c0_i32 = arith.constant 0 : i32
    %c0_i32_0 = arith.constant 0 : i32
    return %arg0, %c0_i32 : i32, i32
  }
}

module attributes {stable_mosaic.version = 14 : i64} {
  func.func @_latent_body(%arg0: memref<20480x128xf32, #tpu.memory_space<vmem>>, %arg1: memref<20480x128xf32, #tpu.memory_space<vmem>>, %arg2: memref<10000x128xf32, #tpu.memory_space<vmem>>, %arg3: memref<128x8xf32, #tpu.memory_space<vmem>>, %arg4: memref<1x8xf32, #tpu.memory_space<vmem>>, %arg5: memref<8x64xf32, #tpu.memory_space<vmem>>, %arg6: memref<8x64xf32, #tpu.memory_space<vmem>>, %arg7: memref<1x64xf32, #tpu.memory_space<vmem>>, %arg8: memref<10000x128xf32, #tpu.memory_space<vmem>>) attributes {dimension_semantics = [], scalar_prefetch = 0 : i64, scratch_operands = 0 : i64, tpu.core_type = #tpu.core_type<tc>} {
    %get3A = arith.constant 0 : index
    %get3A_0 = arith.constant 0 : index
    %get3A_1 = vector.load %arg0[%get3A, %get3A_0] : memref<20480x128xf32, #tpu.memory_space<vmem>>, vector<10000x128xf32>
    %get3A_2 = arith.constant 10240 : index
    %get3A_3 = arith.constant 0 : index
    %get3A_4 = vector.load %arg0[%get3A_2, %get3A_3] : memref<20480x128xf32, #tpu.memory_space<vmem>>, vector<10000x128xf32>
    %add3A = arith.addf %get3A_1, %get3A_4 : vector<10000x128xf32>
    %get3A_5 = arith.constant 0 : index
    %get3A_6 = arith.constant 0 : index
    %get3A_7 = vector.load %arg1[%get3A_5, %get3A_6] : memref<20480x128xf32, #tpu.memory_space<vmem>>, vector<10000x128xf32>
    %add3A_8 = arith.addf %add3A, %get3A_7 : vector<10000x128xf32>
    %get3A_9 = arith.constant 10240 : index
    %get3A_10 = arith.constant 0 : index
    %get3A_11 = vector.load %arg1[%get3A_9, %get3A_10] : memref<20480x128xf32, #tpu.memory_space<vmem>>, vector<10000x128xf32>
    %add3A_12 = arith.addf %add3A_8, %get3A_11 : vector<10000x128xf32>
    %slice3A = vector.extract_strided_slice %add3A_12 {offsets = [0, 0], sizes = [10000, 8], strides = [1, 1]} : vector<10000x128xf32> to vector<10000x8xf32>
    %slice3A_13 = vector.extract_strided_slice %add3A_12 {offsets = [0, 8], sizes = [10000, 1], strides = [1, 1]} : vector<10000x128xf32> to vector<10000x1xf32>
    %max3A = arith.constant 1.000000e+00 : f32
    %max3A_14 = vector.broadcast %max3A : f32 to vector<10000x1xf32>
    %max3A_15 = arith.maximumf %slice3A_13, %max3A_14 : vector<10000x1xf32>
    %div3A = vector.broadcast %max3A_15 : vector<10000x1xf32> to vector<10000x8xf32>
    %div3A_16 = arith.divf %slice3A, %div3A : vector<10000x8xf32>
    %get3A_17 = arith.constant 0 : index
    %get3A_18 = arith.constant 0 : index
    %get3A_19 = vector.load %arg2[%get3A_17, %get3A_18] : memref<10000x128xf32, #tpu.memory_space<vmem>>, vector<10000x128xf32>
    %get3A_20 = arith.constant 0 : index
    %get3A_21 = arith.constant 0 : index
    %get3A_22 = vector.load %arg3[%get3A_20, %get3A_21] : memref<128x8xf32, #tpu.memory_space<vmem>>, vector<128x8xf32>
    %dot_general3A = arith.constant dense<0.000000e+00> : vector<10000x8xf32>
    %dot_general3A_23 = tpu.matmul %get3A_19, %get3A_22, %dot_general3A {dimension_numbers = #tpu.dot_dimension_numbers<[1], [0], [0], [1], [0, 0, 1, 1], [], []>, transpose_lhs_hint = false} : vector<10000x128xf32>, vector<128x8xf32>, vector<10000x8xf32> -> vector<10000x8xf32>
    %add3A_24 = arith.addf %div3A_16, %dot_general3A_23 : vector<10000x8xf32>
    %get3A_25 = arith.constant 0 : index
    %get3A_26 = arith.constant 0 : index
    %get3A_27 = vector.load %arg4[%get3A_25, %get3A_26] : memref<1x8xf32, #tpu.memory_space<vmem>>, vector<1x8xf32>
    %add3A_28 = vector.broadcast %get3A_27 : vector<1x8xf32> to vector<10000x8xf32>
    %add3A_29 = arith.addf %add3A_24, %add3A_28 : vector<10000x8xf32>
    %get3A_30 = arith.constant 0 : index
    %get3A_31 = arith.constant 0 : index
    %get3A_32 = vector.load %arg5[%get3A_30, %get3A_31] : memref<8x64xf32, #tpu.memory_space<vmem>>, vector<8x64xf32>
    %dot_general3A_33 = arith.constant dense<0.000000e+00> : vector<10000x64xf32>
    %dot_general3A_34 = tpu.matmul %add3A_29, %get3A_32, %dot_general3A_33 {dimension_numbers = #tpu.dot_dimension_numbers<[1], [0], [0], [1], [0, 0, 1, 1], [], []>, transpose_lhs_hint = false} : vector<10000x8xf32>, vector<8x64xf32>, vector<10000x64xf32> -> vector<10000x64xf32>
    %get3A_35 = arith.constant 0 : index
    %get3A_36 = arith.constant 0 : index
    %get3A_37 = vector.load %arg7[%get3A_35, %get3A_36] : memref<1x64xf32, #tpu.memory_space<vmem>>, vector<1x64xf32>
    %add3A_38 = vector.broadcast %get3A_37 : vector<1x64xf32> to vector<10000x64xf32>
    %add3A_39 = arith.addf %dot_general3A_34, %add3A_38 : vector<10000x64xf32>
    %get3A_40 = arith.constant 0 : index
    %get3A_41 = arith.constant 0 : index
    %get3A_42 = vector.load %arg6[%get3A_40, %get3A_41] : memref<8x64xf32, #tpu.memory_space<vmem>>, vector<8x64xf32>
    %dot_general3A_43 = arith.constant dense<0.000000e+00> : vector<10000x64xf32>
    %dot_general3A_44 = tpu.matmul %add3A_29, %get3A_42, %dot_general3A_43 {dimension_numbers = #tpu.dot_dimension_numbers<[1], [0], [0], [1], [0, 0, 1, 1], [], []>, transpose_lhs_hint = false} : vector<10000x8xf32>, vector<8x64xf32>, vector<10000x64xf32> -> vector<10000x64xf32>
    %concatenate3A = tpu.concatenate %add3A_39, %dot_general3A_44 in 1 : vector<10000x64xf32>, vector<10000x64xf32> -> vector<10000x128xf32>
    %swap3A = arith.constant 0 : index
    %swap3A_45 = arith.constant 0 : index
    %swap3A_46 = vector.load %arg8[%swap3A, %swap3A_45] : memref<10000x128xf32, #tpu.memory_space<vmem>>, vector<10000x128xf32>
    tpu.vector_store %arg8[%swap3A, %swap3A_45], %concatenate3A {strides = array<i32>} : memref<10000x128xf32, #tpu.memory_space<vmem>>, vector<10000x128xf32>,
    return
  }
}

module attributes {stable_mosaic.version = 14 : i64} {
  func.func @_decoder_body(%arg0: i32, %arg1: memref<2000x128xf32, #tpu.memory_space<vmem>>, %arg2: memref<2000x128xf32, #tpu.memory_space<vmem>>, %arg3: memref<64x16xf32, #tpu.memory_space<vmem>>, %arg4: memref<1x16xf32, #tpu.memory_space<vmem>>, %arg5: memref<2000x16xf32, #tpu.memory_space<vmem>>) attributes {dimension_semantics = [#tpu.dimension_semantics<arbitrary>], iteration_bounds = array<i64: 80>, scalar_prefetch = 0 : i64, scratch_operands = 0 : i64, tpu.core_type = #tpu.core_type<tc>, window_params = [{transform_indices = @transform_0, window_bounds = array<i64: 2000, 128>}, {transform_indices = @transform_1, window_bounds = array<i64: 2000, 128>}, {pipeline_mode = #tpu.pipeline_mode<synchronous>, transform_indices = @transform_2, window_bounds = array<i64: 64, 16>}, {pipeline_mode = #tpu.pipeline_mode<synchronous>, transform_indices = @transform_3, window_bounds = array<i64: 1, 16>}, {transform_indices = @transform_4, window_bounds = array<i64: 2000, 16>}]} {
    %get3A = arith.constant 0 : index
    %get3A_0 = arith.constant 0 : index
    %get3A_1 = vector.load %arg1[%get3A, %get3A_0] : memref<2000x128xf32, #tpu.memory_space<vmem>>, vector<2000x64xf32>
    %get3A_2 = arith.constant 0 : index
    %get3A_3 = arith.constant 64 : index
    %get3A_4 = vector.load %arg2[%get3A_2, %get3A_3] : memref<2000x128xf32, #tpu.memory_space<vmem>>, vector<2000x64xf32>
    %add3A = arith.addf %get3A_1, %get3A_4 : vector<2000x64xf32>
    %max3A = arith.constant 0.000000e+00 : f32
    %max3A_5 = vector.broadcast %max3A : f32 to vector<2000x64xf32>
    %max3A_6 = arith.maximumf %add3A, %max3A_5 : vector<2000x64xf32>
    %get3A_7 = arith.constant 0 : index
    %get3A_8 = arith.constant 0 : index
    %get3A_9 = vector.load %arg3[%get3A_7, %get3A_8] : memref<64x16xf32, #tpu.memory_space<vmem>>, vector<64x16xf32>
    %dot_general3A = arith.constant dense<0.000000e+00> : vector<2000x16xf32>
    %dot_general3A_10 = tpu.matmul %max3A_6, %get3A_9, %dot_general3A {dimension_numbers = #tpu.dot_dimension_numbers<[1], [0], [0], [1], [0, 0, 1, 1], [], []>, transpose_lhs_hint = false} : vector<2000x64xf32>, vector<64x16xf32>, vector<2000x16xf32> -> vector<2000x16xf32>
    %get3A_11 = arith.constant 0 : index
    %get3A_12 = arith.constant 0 : index
    %get3A_13 = vector.load %arg4[%get3A_11, %get3A_12] : memref<1x16xf32, #tpu.memory_space<vmem>>, vector<1x16xf32>
    %add3A_14 = vector.broadcast %get3A_13 : vector<1x16xf32> to vector<2000x16xf32>
    %add3A_15 = arith.addf %dot_general3A_10, %add3A_14 : vector<2000x16xf32>
    %swap3A = arith.constant 0 : index
    %swap3A_16 = arith.constant 0 : index
    %swap3A_17 = vector.load %arg5[%swap3A, %swap3A_16] : memref<2000x16xf32, #tpu.memory_space<vmem>>, vector<2000x16xf32>
    tpu.vector_store %arg5[%swap3A, %swap3A_16], %add3A_15 {strides = array<i32>} : memref<2000x16xf32, #tpu.memory_space<vmem>>, vector<2000x16xf32>,
    return
  }
  func.func @transform_0(%arg0: i32) -> (i32, i32) {
    %c0_i32 = arith.constant 0 : i32
    %c0_i32_0 = arith.constant 0 : i32
    return %arg0, %c0_i32 : i32, i32
  }
  func.func @transform_1(%arg0: i32) -> (i32, i32) {
    %c0_i32 = arith.constant 0 : i32
    %c0_i32_0 = arith.constant 0 : i32
    return %arg0, %c0_i32 : i32, i32
  }
  func.func @transform_2(%arg0: i32) -> (i32, i32) {
    %c0_i32 = arith.constant 0 : i32
    %c0_i32_0 = arith.constant 0 : i32
    %c0_i32_1 = arith.constant 0 : i32
    return %c0_i32, %c0_i32_0 : i32, i32
  }
  func.func @transform_3(%arg0: i32) -> (i32, i32) {
    %c0_i32 = arith.constant 0 : i32
    %c0_i32_0 = arith.constant 0 : i32
    %c0_i32_1 = arith.constant 0 : i32
    return %c0_i32, %c0_i32_0 : i32, i32
  }
  func.func @transform_4(%arg0: i32) -> (i32, i32) {
    %c0_i32 = arith.constant 0 : i32
    %c0_i32_0 = arith.constant 0 : i32
    return %arg0, %c0_i32 : i32, i32
  }
}

</mosaic_0001>

<sc_bundles>
// kernel: kernel.13.cloned.1.call-start
scs
__scs_entry_jumppad:
0x0: {  	(pc) =	sbr.rel $0x88, $3  }
0x1: {  	(tag) =	ssettag $0x0;
	lr =	simm.s32 $0x1  }
0x2: {  	[smem:$0x3F94] =	sst lr;
	_ =	strace $0xD0000000  }
0x3: {  	_ = 	snop  }
0x4: {  	_ = 	snop  }
0x5: {  	_ = 	snop  }
0x6: {  	_ = 	snop  }
0x7: {  	_ = 	snop  }
__scs_overlays_trampoline_lowered:
0x8: {  	[smem:$0x3FA3] =	sst s0  }
0x9: {  	[smem:$0x3FA4] =	sst s1  }
0xa: {  	[smem:$0x3FA5] =	sst s2  }
0xb: {  	[smem:$0x3FA6] =	sst s3  }
0xc: {  	[smem:$0x3FA7] =	sst s4  }
0xd: {  	[smem:$0x3FA8] =	sst s5  }
0xe: {  	[smem:$0x3FA9] =	sst s6  }
0xf: {  	[smem:$0x3FAA] =	sst s7  }
0x10: {  	[smem:$0x3FAB] =	sst s8  }
0x11: {  	[smem:$0x3FAC] =	sst s9;
	s0 =	simm.s32 @!p0 $0x0  }
0x12: {  	s1 =	sld [smem:$0x3F92];
	s0 =	simm.s32 @p0 $0x1  }
0x13: {  	[smem:$0x3FAD] =	sst s0;
	s0 =	simm.s32 @!p1 $0x0  }
0x14: {  	s2 =	sld [smem:$0x3F91];
	s0 =	simm.s32 @p1 $0x1  }
0x15: {  	[smem:$0x3FAE] =	sst s0;
	s0 =	simm.s32 @!p2 $0x0  }
0x16: {  	s3 =	sld [smem:$0x3FDB];
	s0 =	simm.s32 @p2 $0x1  }
0x17: {  	s4 =	simm.s32 $0x1BF5;
	[smem:$0x3FB0] =	sst s0  }
0x18: {  	s0 =	sld [smem:$0x3F93];
	_ =	swait.ge [sflag:s4], $0x0  }
0x19: {  	s7 =	sld [smem:$0x3F94]  }
0x1a: {  	s8 =	sadd.s32 $0xFFFFE003, lr  }
0x1b: {  	s9 =	sadd.s32 $0xFFFFFEF7, lr;
	s5 =	simm.s32 $0xFFFFFFFF;
	p2 =	slt.u32 s8, $0xFFFFF086  }
0x1c: {  	p1 =	slt.u32 s9, $0xF7A;
	s5 =	simm.s32 @!p2 $0x0  }
0x1d: {  	s5 =	simm.s32 @p1 $0x1;
	p0 =	seq.s32 s7, s2  }
0x1e: {  	s7 =	smul.u32 @!p0 $0xF7A, s2;
	p2 =	seq.s32 @!p0 s5, $0x0  }
0x1f: {  	s9 =	smul.u32 $0xF7A, s1;
	s8 =	simm.s32 @!p0 $0x1BF5;
	p2 =	por !p2, p0  }
0x20: {  	[sflag:s8] =	ssyncset.s32 @!p0 $0xFFFFF086;
	s6 =	sadd.s32 @!p0 s3, s7;
	s7 =	simm.s32 @!p0 $0x108  }
0x21: {  	s3 =	sadd.s32 s3, s9;
	s6 =	sadd.s32 @!p0 $0x88, s6;
	s7 =	simm.s32 @p2 $0x1082  }
0x22: {  	[simem:s7], [sflag:s8] =	dma.local @!p0 [hbm:s6], $0xF7A  }
0x23: {  	s9 =	sor.u32 $0xD0000000, s2;
	s6 =	simm.s32 $0x108;
	_ =	swait.ge @!p0 [sflag:s8], $0x0  }
0x24: {  	s3 =	sadd.s32 $0x88, s3;
	s6 =	simm.s32 @!p1 $0x1082;
	[sflag:s4] =	ssyncset.s32 $0xFFFFF086  }
0x25: {  	[simem:s6], [sflag:s4] =	dma.local [hbm:s3], $0xF7A  }
0x26: {  	[smem:$0x3F94] =	sst s1;
	(tag) =	ssettag s2;
	_ =	strace s9  }
0x27: {  	s1 =	sld [smem:$0x3FA4]  }
0x28: {  	s2 =	sld [smem:$0x3FA5]  }
0x29: {  	s4 =	sld [smem:$0x3FA7]  }
0x2a: {  	p0 =	seq.s32 s5, $0x0;
	s5 =	sld [smem:$0x3FA8]  }
0x2b: {  	s6 =	sld [smem:$0x3FA9]  }
0x2c: {  	s7 =	sld [smem:$0x3FAA]  }
0x2d: {  	s3 =	simm.s32 $0x108;
	s8 =	sld [smem:$0x3FAB]  }
0x2e: {  	s3 =	simm.s32 @!p0 $0x1082;
	s9 =	sld [smem:$0x3FAC]  }
0x2f: {  	lr =	sadd.s32 s0, s3;
	s0 =	sld [smem:$0x3FA3]  }
0x30: {  	s3 =	sld [smem:$0x3FA6]  }
0x31: {  	[smem:$0x3FAF] =	sst s10  }
0x32: {  	s10 =	sld [smem:$0x3FAD];
	_ =	sdelay $0x3  }
0x33: {  	p0 =	seq.s32 s10, $0x1;
	s10 =	sld [smem:$0x3FAF];
	_ =	sdelay $0x3  }
0x34: {  	[smem:$0x3FAF] =	sst s10  }
0x35: {  	s10 =	sld [smem:$0x3FAE];
	_ =	sdelay $0x3  }
0x36: {  	p1 =	seq.s32 s10, $0x1;
	s10 =	sld [smem:$0x3FAF];
	_ =	sdelay $0x3  }
0x37: {  	[smem:$0x3FAF] =	sst s10  }
0x38: {  	s10 =	sld [smem:$0x3FB0]  }
0x39: {  	_ = 	snop;
	(pc) =	sbr.ind lr, $3  }
0x3a: {  	_ = 	snop  }
0x3b: {  	_ = 	snop  }
0x3c: {  	p2 =	seq.s32 s10, $0x1;
	s10 =	sld [smem:$0x3FAF]  }
0x3d: {  	_ =	shalt  }
0x3e: {  	_ =	shalt  }
0x3f: {  	_ =	shalt  }
0x40: {  	_ =	shalt  }
0x41: {  	_ =	shalt  }
0x42: {  	_ =	shalt  }
0x43: {  	_ =	shalt  }
0x44: {  	_ =	shalt  }
0x45: {  	_ =	shalt  }
0x46: {  	_ =	shalt  }
0x47: {  	_ =	shalt  }
0x48: {  	_ =	shalt  }
0x49: {  	_ =	shalt  }
0x4a: {  	_ =	shalt  }
0x4b: {  	_ =	shalt  }
0x4c: {  	_ =	shalt  }
0x4d: {  	_ =	shalt  }
0x4e: {  	_ =	shalt  }
0x4f: {  	_ =	shalt  }
0x50: {  	_ =	shalt  }
0x51: {  	_ =	shalt  }
0x52: {  	_ =	shalt  }
0x53: {  	_ =	shalt  }
0x54: {  	_ =	shalt  }
0x55: {  	_ =	shalt  }
0x56: {  	_ =	shalt  }
0x57: {  	_ =	shalt  }
0x58: {  	_ =	shalt  }
0x59: {  	_ =	shalt  }
0x5a: {  	_ =	shalt  }
0x5b: {  	_ =	shalt  }
0x5c: {  	_ =	shalt  }
0x5d: {  	_ =	shalt  }
0x5e: {  	_ =	shalt  }
0x5f: {  	_ =	shalt  }
0x60: {  	_ =	shalt  }
0x61: {  	_ =	shalt  }
0x62: {  	_ =	shalt  }
0x63: {  	_ =	shalt  }
0x64: {  	_ =	shalt  }
0x65: {  	_ =	shalt  }
0x66: {  	_ =	shalt  }
0x67: {  	_ =	shalt  }
0x68: {  	_ =	shalt  }
0x69: {  	_ =	shalt  }
0x6a: {  	_ =	shalt  }
0x6b: {  	_ =	shalt  }
0x6c: {  	_ =	shalt  }
0x6d: {  	_ =	shalt  }
0x6e: {  	_ =	shalt  }
0x6f: {  	_ =	shalt  }
0x70: {  	_ =	shalt  }
0x71: {  	_ =	shalt  }
0x72: {  	_ =	shalt  }
0x73: {  	_ =	shalt  }
0x74: {  	_ =	shalt  }
0x75: {  	_ =	shalt  }
0x76: {  	_ =	shalt  }
0x77: {  	_ =	shalt  }
0x78: {  	_ =	shalt  }
0x79: {  	_ =	shalt  }
0x7a: {  	_ =	shalt  }
0x7b: {  	_ =	shalt  }
0x7c: {  	_ =	shalt  }
0x7d: {  	_ =	shalt  }
0x7e: {  	_ =	shalt  }
0x7f: {  	_ =	shalt  }
0x80: {  	_ =	shalt  }
0x81: {  	_ =	shalt  }
0x82: {  	_ =	shalt  }
0x83: {  	_ =	shalt  }
0x84: {  	_ =	shalt  }
0x85: {  	_ =	shalt  }
0x86: {  	_ =	shalt  }
0x87: {  	_ =	shalt  }
.Lfunc_end0:
.L_simem_size_0:
called_computation_lowered:
.L_overlay_start_0:
0x88: {  	s2 =	sld [smem:$0x3FD9]  }
0x89: {  	s3 =	sld [smem:$0x3FFE];
	_ =	sdelay $0x1  }
0x8a: {  	s1 =	srdreg.scid  }
0x8b: {  	s0 =	sand.u32 $0x1, s1  }
0x8c: {  	s17 =	sshll.u32 s0, $0xA;
	s2 =	sadd.s32 s3, s2  }
0x8d: {  	s2 =	sadd.s32 s2, s17  }
0x8e: {  	[smem:$0x3FBB] =	sst s2  }
0x8f: {  	_ = 	snop  }
0x90: {  	s18 =	sld [smem:$0x3FC9];
	(tm) =	ssettm $0x1  }
0x91: {  	s19 =	sld [smem:$0x3FFB];
	_ =	sdelay $0x3  }
0x92: {  	_ =	strace s19  }
0x93: {  	s2 =	sld [smem:$0x3FFC];
	_ =	sdelay $0x3  }
0x94: {  	_ =	strace s2  }
0x95: {  	s2 =	sld [smem:$0x3FFD];
	_ =	sdelay $0x3  }
0x96: {  	_ =	strace s2  }
0x97: {  	_ =	strace $0x8FFFFFFF  }
0x98: {  	s20 =	sld [smem:$0x3FDB];
	_ =	sdelay $0x1  }
0x99: {  	s4 =	simm.s32 $_scs_section_size  }
0x9a: {  	s5 =	simm.s32 $_size__tile_overlayer_lowered;
	s6 =	simm.s32 $_tile_overlayer_lowered  }
0x9b: {  	s7 =	simm.s32 $0x1BFF;
	s21 =	sshll.u32 s6, $0x1;
	s4 =	sadd.s32 s4, s20  }
0x9c: {  	s22 =	simm.s32 $0x0;
	s5 =	sshll.u32 s5, $0x1;
	s6 =	sadd.s32 s21, s4  }
0x9d: {  	[timem:s22], [sflag:s7] =	dma.local [hbm:s6], s5  }
0x9e: {  	_ =	swait.ge [sflag:s7], s5  }
0x9f: {  	s5 =	ssub.s32 $0x0, s5;
	[sflag:s7] =	ssyncset.done $0x0  }
0xa0: {  	[sflag:s7] =	ssyncadd.s32 s5;
	_ =	sdelay $0x1  }
0xa1: {  	s23 =	simm.s32 $0x1B8B  }
0xa2: {  	_ =	swait.ge [sflag:s23], $0x1  }
0xa3: {  	[sflag:s23] =	ssyncset.done $0x0  }
0xa4: {  	[sflag:s23] =	ssyncadd.s32 $0xFFFFFFFF  }
0xa5: {  	s5 =	sld [smem:$0x0]  }
0xa6: {  	s6 =	sand.u32 $0xFFFFFFFE, s1  }
0xa7: {  	p0 =	sne.s32 s1, s6  }
0xa8: {  	s6 =	sshll.u32 @p0 s6, $0xE  }
0xa9: {  	s6 =	sadd.s32 @p0 $0x11B8D, s6;
	s7 =	sshll.u32 @p0 s5, $0x11  }
0xaa: {  	s6 =	sor.u32 @p0 s7, s6  }
0xab: {  	[sflag:s6] =	ssyncadd.remote.s32 @p0 $0x1;
	_ =	sdelay $0x1  }
0xac: {  	s6 =	simm.s32 @p0 $0x1B8D  }
0xad: {  	_ =	swait.eq @p0 [sflag:s6], $0x1  }
0xae: {  	[sflag:s6] =	ssyncadd.s32 @p0 $0xFFFFFFFF  }
0xaf: {  	s7 =	sshll.u32 @!p0 s1, $0xE  }
0xb0: {  	s7 =	sor.u32 @!p0 $0x4000, s7;
	s6 =	simm.s32 @!p0 $0x1B8D  }
0xb1: {  	s5 =	sshll.u32 @!p0 s5, $0x11;
	s7 =	sadd.s32 @!p0 $0x11B8D, s7;
	_ =	swait.eq @!p0 [sflag:s6], $0x1  }
0xb2: {  	s5 =	sor.u32 @!p0 s5, s7;
	[sflag:s6] =	ssyncadd.s32 @!p0 $0xFFFFFFFF  }
0xb3: {  	s25 =	simm.s32 $0x1B8E;
	s24 =	sld [smem:$0x3FFE];
	[sflag:s5] =	ssyncadd.remote.s32 @!p0 $0x1  }
0xb4: {  	s26 =	simm.s32 $execute0_lowered;
	[smem:$0x3FD2] =	sst s25  }
0xb5: {  	s6 =	sshll.u32 s26, $0x1;
	_ =	strace $0x80000049;
	[dreg:$0x1] =	wrdreg $0xFFFFFFFF  }
0xb6: {  	s28 =	simm.s32 $_size_execute0_lowered;
	s4 =	sadd.s32 s4, s6;
	[dreg:$0x0] =	wrdreg $0x0  }
0xb7: {  	s6 =	sshll.u32 s28, $0x1;
	[dreg:$0x2] =	wrdreg s4  }
0xb8: {  	[dreg:$0x3] =	wrdreg s6  }
0xb9: {  	[dreg:$0x4] =	wrdreg $0xC0  }
0xba: {  	_ =	task [dreg:s22], $0x5FFFF  }
0xbb: {  	[dreg:$0x1] =	wrdreg $0xFFFFFFFF  }
0xbc: {  	[dreg:$0x0] =	wrdreg $0x60  }
0xbd: {  	[dreg:$0x2] =	wrdreg s18  }
0xbe: {  	[dreg:$0x3] =	wrdreg s24  }
0xbf: {  	[dreg:$0x4] =	wrdreg $0x9  }
0xc0: {  	_ =	task.clear_ibuf [dreg:s22], $0x5FFFF;
	_ =	strace $0x90000049  }
0xc1: {  	s29 =	simm.s32 $0x9;
	_ =	strace $0x8000004B  }
0xc2: {  	_ =	swait.ge [sflag:s29], $0x1  }
0xc3: {  	[sflag:s29] =	ssyncadd.s32 $0xFFFFFFFF  }
0xc4: {  	_ =	strace $0x9000004B  }
0xc5: {  	_ =	sfence  }
0xc6: {  	s30 =	sld [smem:$0x0];
	_ =	sdelay $0x2  }
0xc7: {  	s31 =	sshll.u32 s1, $0xD;
	s1 =	sshrl.u32 s1, $0x2  }
0xc8: {  	s4 =	sand.u32 $0x4000, s31;
	s1 =	sadd.s32 s1, s30  }
0xc9: {  	s0 =	sor.u32 s4, s0;
	s1 =	sshll.u32 s1, $0x11  }
0xca: {  	s0 =	sor.u32 s1, s0  }
0xcb: {  	s0 =	sadd.s32 $0x8F2B, s0  }
0xcc: {  	[sflag:s0] =	ssyncadd.remote.s32 $0x1  }
0xcd: {  	_ =	sfence.sel $0xFFFF  }
0xce: {  	[dreg:$0x0] =	wrdreg $0xFFFFFFFF;
	(pc) =	sbr.abs _section_cstart, $3  }
0xcf: {  	[dreg:$0x1] =	wrdreg $0xFFFFFFFF  }
0xd0: {  	_ =	task.clear_ibuf [dreg:s22], $0x2FFFF;
	_ =	strace $0x9FFFFFFF  }
0xd1: {  	(tm) =	ssettm $0x7FFFFFFF  }
tec
execute0_lowered:
.L_overlay_start_1:
0x0: {  	(tag) =	ssettag $0x1  }
0x1: {  	s2 =	rddreg [dreg:$0x0];
	s1 =	srdreg.scid  }
0x2: {  	s0 =	stileid.u32;
	s4 =	rddreg [dreg:$0x1];
	s3 =	simm.s32 $0x0  }
0x3: {  	s10 =	simm.s32 $0x1;
	s11 =	simm.s32 $0x0;
	s6 =	smul.u32 $0x2710, s0  }
0x4: {  	s5 =	sand.u32 $0x1, s1;
	s1 =	rddreg [dreg:$0x2];
	s8 =	smul.u32 $0x27100, s0  }
0x5: {  	[smem:$0x7FF] =	sst s3;
	s7 =	smul.u32 $0x1388, s5;
	s9 =	ssub.s32 $0x2, s5  }
0x6: {  	_ =	strace $0x8000004A;
	s5 =	smul.u32 $0x13880, s5;
	s31 =	sshrl.u32 s9, $0x1  }
0x7: {  	s30 =	sadd.s32 s8, s4;
	s6 =	sadd.s32 s7, s6;
	s8 =	ssub.s32 s9, s31  }
0x8: {  	s5 =	sadd.s32 s5, s30;
	s7 =	simm.s32 $0x2;
	s6 =	sshrl.u32 s6, $0x3  }
0x9: {  	s9 =	simm.s32 $0x100;
	s5 =	sadd.s32 $0x28D200, s5;
	s6 =	sadd.s32 s6, s4  }
0xa: {  	s4 =	smax.u32 s8, $0x1;
	s8 =	simm.s32 $0xC8;
	s6 =	sadd.s32 $0x288200, s6  }
.LBB2_1:
0xb: {  	s12 =	sadd.s32 $0x0, s6  }
0xc: {  	[tilespmem:s3], [sflag:$0x2] =	stream.linear.gather [hbm4b:s12+s3], $0xC8, $0x38;
	[tilespmem:$0x6500] =	vst v63  }
0xd: {  	_ =	swait.ge [sflag:s7], $0xC8  }
0xe: {  	[sflag:s7] =	ssyncset.done $0x0  }
0xf: {  	[sflag:s7] =	ssyncadd.s32 $0xFFFFFF38  }
0x10: {  	[tilespmem:s9], [sflag:$0x1] =	stream.indirect.gather [hbm4b:s2+s8], $0x80, s3, s8, $0xb8;
	[tilespmem:$0x6500] =	vst v63  }
0x11: {  	_ =	swait.ge [sflag:s10], $0x6400  }
0x12: {  	[sflag:s10] =	ssyncset.done $0x0  }
0x13: {  	[sflag:s10] =	ssyncadd.s32 $0xFFFF9C00  }
0x14: {  	[hbm4b:s5+s3] =	stream.linear.scatter [tilespmem:s9], [sflag:$0x2], $0x6400, $0x38;
	[tilespmem:$0x6500] =	vst v63  }
0x15: {  	s13 =	simm.s32 $0x19;
	_ =	swait.ge [sflag:s7], $0x6400  }
0x16: {  	s14 =	simm.s32 $0x32;
	s12 =	sadd.s32 $0xC80, s5;
	[sflag:s7] =	ssyncset.done $0x0  }
.LBB2_2:
0x17: {  	s15 =	sadd.s32 s13, s6  }
0x18: {  	[sflag:s7] =	ssyncadd.s32 $0xFFFF9C00;
	s13 =	smov.u32 s14;
	s16 =	sadd.s32 $0x19, s14  }
0x19: {  	[tilespmem:s3], [sflag:$0x2] =	stream.linear.gather [hbm4b:s15+s3], $0xC8, $0x38;
	[tilespmem:$0x6500] =	vst v63  }
0x1a: {  	p0 =	sne.s32 s14, $0x258;
	_ =	swait.ge [sflag:s7], $0xC8  }
0x1b: {  	[sflag:s7] =	ssyncset.done $0x0  }
0x1c: {  	[sflag:s7] =	ssyncadd.s32 $0xFFFFFF38  }
0x1d: {  	[tilespmem:s9], [sflag:$0x1] =	stream.indirect.gather [hbm4b:s2+s8], $0x80, s3, s8, $0xb8;
	[tilespmem:$0x6500] =	vst v63  }
0x1e: {  	_ =	swait.ge [sflag:s10], $0x6400  }
.Ltmp0:
0x1f: {  	[sflag:s10] =	ssyncset.done $0x0;
	(pc) =	sbr.rel @p0 .LBB2_2-.Ltmp0, $4  }
0x20: {  	[sflag:s10] =	ssyncadd.s32 $0xFFFF9C00  }
0x21: {  	[hbm4b:s12+s3] =	stream.linear.scatter [tilespmem:s9], [sflag:$0x2], $0x6400, $0x38;
	[tilespmem:$0x6500] =	vst v63  }
0x22: {  	_ =	swait.ge [sflag:s7], $0x6400  }
0x23: {  	s14 =	smov.u32 s16;
	s12 =	sadd.s32 $0xC80, s12;
	[sflag:s7] =	ssyncset.done $0x0  }
0x24: {  	s13 =	sadd.s32 s13, s6;
	[sflag:s7] =	ssyncadd.s32 $0xFFFF9C00  }
0x25: {  	[tilespmem:s3], [sflag:$0x2] =	stream.linear.gather [hbm4b:s13+s3], $0xC8, $0x38;
	[tilespmem:$0x6500] =	vst v63  }
0x26: {  	_ =	swait.ge [sflag:s7], $0xC8  }
0x27: {  	[sflag:s7] =	ssyncset.done $0x0  }
0x28: {  	[sflag:s7] =	ssyncadd.s32 $0xFFFFFF38  }
0x29: {  	[tilespmem:s9], [sflag:$0x1] =	stream.indirect.gather [hbm4b:s2+s8], $0x80, s3, s8, $0xb8;
	[tilespmem:$0x6500] =	vst v63  }
0x2a: {  	s11 =	sadd.s32 $0x1, s11;
	_ =	swait.ge [sflag:s10], $0x6400  }
0x2b: {  	p0 =	sne.s32 s11, s4;
	[sflag:s10] =	ssyncset.done $0x0  }
.Ltmp1:
0x2c: {  	[sflag:s10] =	ssyncadd.s32 $0xFFFF9C00;
	(pc) =	sbr.rel @p0 .LBB2_1-.Ltmp1, $4  }
0x2d: {  	[hbm4b:s12+s3] =	stream.linear.scatter [tilespmem:s9], [sflag:$0x2], $0x6400, $0x38;
	[tilespmem:$0x6500] =	vst v63  }
0x2e: {  	_ =	swait.ge [sflag:s7], $0x6400  }
0x2f: {  	[sflag:s7] =	ssyncset.done $0x0  }
0x30: {  	[sflag:s7] =	ssyncadd.s32 $0xFFFF9C00  }
0x31: {  	_ =	sfence.sel $0x180000  }
0x32: {  	[bflag:$0x0] =	sbarrier.arrive $0xFFFF  }
0x33: {  	p0 =	sne.s32 s0, $0x0;
	_ =	strace $0x9000004A  }
0x34: {  	s0 =	sadd.s32 @!p0 $0x100000, s1;
	[bflag:$0x2] =	sbarrier.arrive $0xFFFF  }
0x35: {  	[sflag:s0] =	ssyncadd.tile.s32 @!p0 $0x1;
	_ =	shalt  }
.Lfunc_end2:
_tile_overlayer_lowered:
.L_overlay_start_2:
0x36: {  	(tag) =	ssettag $0x2  }
0x37: {  	s0 =	rddreg [dreg:$0x0];
	s2 =	stileid.u32  }
0x38: {  	s1 =	rddreg [dreg:$0x1];
	p0 =	sne.s32 s2, $0x0  }
0x39: {  	s3 =	rddreg [dreg:$0x2];
	[bflag:$0x3] =	sbarrier.arrive $0xFFFF;
	s2 =	simm.s32 @!p0 $0x1C02  }
0x3a: {  	[timem:s3], [sflag:s2] =	dma.local @!p0 [hbm:s0], s1  }
0x3b: {  	s0 =	simm.s32 @!p0 $0x2  }
0x3c: {  	_ =	swait.ge @!p0 [sflag:s0], s1  }
0x3d: {  	s1 =	ssub.s32 @!p0 $0x0, s1;
	[sflag:s0] =	ssyncset.done @!p0 $0x0  }
0x3e: {  	[sflag:s0] =	ssyncadd.s32 @!p0 s1  }
0x3f: {  	[bflag:$0x3] =	sbarrier.arrive $0xFFFF  }
0x40: {  	_ =	shalt  }

// kernel: kernel.16.cloned.1.call-start
scs
__scs_entry_jumppad:
0x0: {  	(pc) =	sbr.rel $0x88, $3  }
0x1: {  	(tag) =	ssettag $0x0;
	lr =	simm.s32 $0x1  }
0x2: {  	[smem:$0x3F94] =	sst lr;
	_ =	strace $0xD0000000  }
0x3: {  	_ = 	snop  }
0x4: {  	_ = 	snop  }
0x5: {  	_ = 	snop  }
0x6: {  	_ = 	snop  }
0x7: {  	_ = 	snop  }
__scs_overlays_trampoline_lowered:
0x8: {  	[smem:$0x3FA3] =	sst s0  }
0x9: {  	[smem:$0x3FA4] =	sst s1  }
0xa: {  	[smem:$0x3FA5] =	sst s2  }
0xb: {  	[smem:$0x3FA6] =	sst s3  }
0xc: {  	[smem:$0x3FA7] =	sst s4  }
0xd: {  	[smem:$0x3FA8] =	sst s5  }
0xe: {  	[smem:$0x3FA9] =	sst s6  }
0xf: {  	[smem:$0x3FAA] =	sst s7  }
0x10: {  	[smem:$0x3FAB] =	sst s8  }
0x11: {  	[smem:$0x3FAC] =	sst s9;
	s0 =	simm.s32 @!p0 $0x0  }
0x12: {  	s1 =	sld [smem:$0x3F92];
	s0 =	simm.s32 @p0 $0x1  }
0x13: {  	[smem:$0x3FAD] =	sst s0;
	s0 =	simm.s32 @!p1 $0x0  }
0x14: {  	s2 =	sld [smem:$0x3F91];
	s0 =	simm.s32 @p1 $0x1  }
0x15: {  	[smem:$0x3FAE] =	sst s0;
	s0 =	simm.s32 @!p2 $0x0  }
0x16: {  	s3 =	sld [smem:$0x3FDB];
	s0 =	simm.s32 @p2 $0x1  }
0x17: {  	s4 =	simm.s32 $0x1BF5;
	[smem:$0x3FB0] =	sst s0  }
0x18: {  	s0 =	sld [smem:$0x3F93];
	_ =	swait.ge [sflag:s4], $0x0  }
0x19: {  	s7 =	sld [smem:$0x3F94]  }
0x1a: {  	s8 =	sadd.s32 $0xFFFFE003, lr  }
0x1b: {  	s9 =	sadd.s32 $0xFFFFFEF7, lr;
	s5 =	simm.s32 $0xFFFFFFFF;
	p2 =	slt.u32 s8, $0xFFFFF086  }
0x1c: {  	p1 =	slt.u32 s9, $0xF7A;
	s5 =	simm.s32 @!p2 $0x0  }
0x1d: {  	s5 =	simm.s32 @p1 $0x1;
	p0 =	seq.s32 s7, s2  }
0x1e: {  	s7 =	smul.u32 @!p0 $0xF7A, s2;
	p2 =	seq.s32 @!p0 s5, $0x0  }
0x1f: {  	s9 =	smul.u32 $0xF7A, s1;
	s8 =	simm.s32 @!p0 $0x1BF5;
	p2 =	por !p2, p0  }
0x20: {  	[sflag:s8] =	ssyncset.s32 @!p0 $0xFFFFF086;
	s6 =	sadd.s32 @!p0 s3, s7;
	s7 =	simm.s32 @!p0 $0x108  }
0x21: {  	s3 =	sadd.s32 s3, s9;
	s6 =	sadd.s32 @!p0 $0x88, s6;
	s7 =	simm.s32 @p2 $0x1082  }
0x22: {  	[simem:s7], [sflag:s8] =	dma.local @!p0 [hbm:s6], $0xF7A  }
0x23: {  	s9 =	sor.u32 $0xD0000000, s2;
	s6 =	simm.s32 $0x108;
	_ =	swait.ge @!p0 [sflag:s8], $0x0  }
0x24: {  	s3 =	sadd.s32 $0x88, s3;
	s6 =	simm.s32 @!p1 $0x1082;
	[sflag:s4] =	ssyncset.s32 $0xFFFFF086  }
0x25: {  	[simem:s6], [sflag:s4] =	dma.local [hbm:s3], $0xF7A  }
0x26: {  	[smem:$0x3F94] =	sst s1;
	(tag) =	ssettag s2;
	_ =	strace s9  }
0x27: {  	s1 =	sld [smem:$0x3FA4]  }
0x28: {  	s2 =	sld [smem:$0x3FA5]  }
0x29: {  	s4 =	sld [smem:$0x3FA7]  }
0x2a: {  	p0 =	seq.s32 s5, $0x0;
	s5 =	sld [smem:$0x3FA8]  }
0x2b: {  	s6 =	sld [smem:$0x3FA9]  }
0x2c: {  	s7 =	sld [smem:$0x3FAA]  }
0x2d: {  	s3 =	simm.s32 $0x108;
	s8 =	sld [smem:$0x3FAB]  }
0x2e: {  	s3 =	simm.s32 @!p0 $0x1082;
	s9 =	sld [smem:$0x3FAC]  }
0x2f: {  	lr =	sadd.s32 s0, s3;
	s0 =	sld [smem:$0x3FA3]  }
0x30: {  	s3 =	sld [smem:$0x3FA6]  }
0x31: {  	[smem:$0x3FAF] =	sst s10  }
0x32: {  	s10 =	sld [smem:$0x3FAD];
	_ =	sdelay $0x3  }
0x33: {  	p0 =	seq.s32 s10, $0x1;
	s10 =	sld [smem:$0x3FAF];
	_ =	sdelay $0x3  }
0x34: {  	[smem:$0x3FAF] =	sst s10  }
0x35: {  	s10 =	sld [smem:$0x3FAE];
	_ =	sdelay $0x3  }
0x36: {  	p1 =	seq.s32 s10, $0x1;
	s10 =	sld [smem:$0x3FAF];
	_ =	sdelay $0x3  }
0x37: {  	[smem:$0x3FAF] =	sst s10  }
0x38: {  	s10 =	sld [smem:$0x3FB0]  }
0x39: {  	_ = 	snop;
	(pc) =	sbr.ind lr, $3  }
0x3a: {  	_ = 	snop  }
0x3b: {  	_ = 	snop  }
0x3c: {  	p2 =	seq.s32 s10, $0x1;
	s10 =	sld [smem:$0x3FAF]  }
0x3d: {  	_ =	shalt  }
0x3e: {  	_ =	shalt  }
0x3f: {  	_ =	shalt  }
0x40: {  	_ =	shalt  }
0x41: {  	_ =	shalt  }
0x42: {  	_ =	shalt  }
0x43: {  	_ =	shalt  }
0x44: {  	_ =	shalt  }
0x45: {  	_ =	shalt  }
0x46: {  	_ =	shalt  }
0x47: {  	_ =	shalt  }
0x48: {  	_ =	shalt  }
0x49: {  	_ =	shalt  }
0x4a: {  	_ =	shalt  }
0x4b: {  	_ =	shalt  }
0x4c: {  	_ =	shalt  }
0x4d: {  	_ =	shalt  }
0x4e: {  	_ =	shalt  }
0x4f: {  	_ =	shalt  }
0x50: {  	_ =	shalt  }
0x51: {  	_ =	shalt  }
0x52: {  	_ =	shalt  }
0x53: {  	_ =	shalt  }
0x54: {  	_ =	shalt  }
0x55: {  	_ =	shalt  }
0x56: {  	_ =	shalt  }
0x57: {  	_ =	shalt  }
0x58: {  	_ =	shalt  }
0x59: {  	_ =	shalt  }
0x5a: {  	_ =	shalt  }
0x5b: {  	_ =	shalt  }
0x5c: {  	_ =	shalt  }
0x5d: {  	_ =	shalt  }
0x5e: {  	_ =	shalt  }
0x5f: {  	_ =	shalt  }
0x60: {  	_ =	shalt  }
0x61: {  	_ =	shalt  }
0x62: {  	_ =	shalt  }
0x63: {  	_ =	shalt  }
0x64: {  	_ =	shalt  }
0x65: {  	_ =	shalt  }
0x66: {  	_ =	shalt  }
0x67: {  	_ =	shalt  }
0x68: {  	_ =	shalt  }
0x69: {  	_ =	shalt  }
0x6a: {  	_ =	shalt  }
0x6b: {  	_ =	shalt  }
0x6c: {  	_ =	shalt  }
0x6d: {  	_ =	shalt  }
0x6e: {  	_ =	shalt  }
0x6f: {  	_ =	shalt  }
0x70: {  	_ =	shalt  }
0x71: {  	_ =	shalt  }
0x72: {  	_ =	shalt  }
0x73: {  	_ =	shalt  }
0x74: {  	_ =	shalt  }
0x75: {  	_ =	shalt  }
0x76: {  	_ =	shalt  }
0x77: {  	_ =	shalt  }
0x78: {  	_ =	shalt  }
0x79: {  	_ =	shalt  }
0x7a: {  	_ =	shalt  }
0x7b: {  	_ =	shalt  }
0x7c: {  	_ =	shalt  }
0x7d: {  	_ =	shalt  }
0x7e: {  	_ =	shalt  }
0x7f: {  	_ =	shalt  }
0x80: {  	_ =	shalt  }
0x81: {  	_ =	shalt  }
0x82: {  	_ =	shalt  }
0x83: {  	_ =	shalt  }
0x84: {  	_ =	shalt  }
0x85: {  	_ =	shalt  }
0x86: {  	_ =	shalt  }
0x87: {  	_ =	shalt  }
.Lfunc_end0:
.L_simem_size_0:
called_computation.1_lowered:
.L_overlay_start_0:
0x88: {  	s2 =	sld [smem:$0x3FD9]  }
0x89: {  	s3 =	sld [smem:$0x3FFE];
	_ =	sdelay $0x1  }
0x8a: {  	s1 =	srdreg.scid  }
0x8b: {  	s0 =	sand.u32 $0x1, s1  }
0x8c: {  	s17 =	sshll.u32 s0, $0xA;
	s2 =	sadd.s32 s3, s2  }
0x8d: {  	s2 =	sadd.s32 s2, s17  }
0x8e: {  	[smem:$0x3FBB] =	sst s2  }
0x8f: {  	_ = 	snop  }
0x90: {  	s18 =	sld [smem:$0x3FD0];
	(tm) =	ssettm $0x1  }
0x91: {  	s19 =	sld [smem:$0x3FFB];
	_ =	sdelay $0x3  }
0x92: {  	_ =	strace s19  }
0x93: {  	s2 =	sld [smem:$0x3FFC];
	_ =	sdelay $0x3  }
0x94: {  	_ =	strace s2  }
0x95: {  	s2 =	sld [smem:$0x3FFD];
	_ =	sdelay $0x3  }
0x96: {  	_ =	strace s2  }
0x97: {  	_ =	strace $0x8FFFFFFF  }
0x98: {  	s20 =	sld [smem:$0x3FDB];
	_ =	sdelay $0x1  }
0x99: {  	s4 =	simm.s32 $_scs_section_size  }
0x9a: {  	s5 =	simm.s32 $_size__tile_overlayer_lowered;
	s6 =	simm.s32 $_tile_overlayer_lowered  }
0x9b: {  	s7 =	simm.s32 $0x1BFF;
	s21 =	sshll.u32 s6, $0x1;
	s4 =	sadd.s32 s4, s20  }
0x9c: {  	s22 =	simm.s32 $0x0;
	s5 =	sshll.u32 s5, $0x1;
	s6 =	sadd.s32 s21, s4  }
0x9d: {  	[timem:s22], [sflag:s7] =	dma.local [hbm:s6], s5  }
0x9e: {  	_ =	swait.ge [sflag:s7], s5  }
0x9f: {  	s5 =	ssub.s32 $0x0, s5;
	[sflag:s7] =	ssyncset.done $0x0  }
0xa0: {  	[sflag:s7] =	ssyncadd.s32 s5;
	_ =	sdelay $0x1  }
0xa1: {  	s23 =	simm.s32 $0x1B8B  }
0xa2: {  	_ =	swait.ge [sflag:s23], $0x1  }
0xa3: {  	[sflag:s23] =	ssyncset.done $0x0  }
0xa4: {  	[sflag:s23] =	ssyncadd.s32 $0xFFFFFFFF  }
0xa5: {  	s5 =	sld [smem:$0x0]  }
0xa6: {  	s6 =	sand.u32 $0xFFFFFFFE, s1  }
0xa7: {  	p0 =	sne.s32 s1, s6  }
0xa8: {  	s6 =	sshll.u32 @p0 s6, $0xE  }
0xa9: {  	s6 =	sadd.s32 @p0 $0x11B8D, s6;
	s7 =	sshll.u32 @p0 s5, $0x11  }
0xaa: {  	s6 =	sor.u32 @p0 s7, s6  }
0xab: {  	[sflag:s6] =	ssyncadd.remote.s32 @p0 $0x1;
	_ =	sdelay $0x1  }
0xac: {  	s6 =	simm.s32 @p0 $0x1B8D  }
0xad: {  	_ =	swait.eq @p0 [sflag:s6], $0x1  }
0xae: {  	[sflag:s6] =	ssyncadd.s32 @p0 $0xFFFFFFFF  }
0xaf: {  	s7 =	sshll.u32 @!p0 s1, $0xE  }
0xb0: {  	s7 =	sor.u32 @!p0 $0x4000, s7;
	s6 =	simm.s32 @!p0 $0x1B8D  }
0xb1: {  	s5 =	sshll.u32 @!p0 s5, $0x11;
	s7 =	sadd.s32 @!p0 $0x11B8D, s7;
	_ =	swait.eq @!p0 [sflag:s6], $0x1  }
0xb2: {  	s5 =	sor.u32 @!p0 s5, s7;
	[sflag:s6] =	ssyncadd.s32 @!p0 $0xFFFFFFFF  }
0xb3: {  	s25 =	simm.s32 $0x1B8E;
	s24 =	sld [smem:$0x3FFE];
	[sflag:s5] =	ssyncadd.remote.s32 @!p0 $0x1  }
0xb4: {  	s26 =	simm.s32 $execute0_lowered;
	[smem:$0x3FD2] =	sst s25  }
0xb5: {  	s6 =	sshll.u32 s26, $0x1;
	_ =	strace $0x8000004F;
	[dreg:$0x1] =	wrdreg $0xFFFFFFFF  }
0xb6: {  	s28 =	simm.s32 $_size_execute0_lowered;
	s4 =	sadd.s32 s4, s6;
	[dreg:$0x0] =	wrdreg $0x0  }
0xb7: {  	s6 =	sshll.u32 s28, $0x1;
	[dreg:$0x2] =	wrdreg s4  }
0xb8: {  	[dreg:$0x3] =	wrdreg s6  }
0xb9: {  	[dreg:$0x4] =	wrdreg $0xC0  }
0xba: {  	_ =	task [dreg:s22], $0x5FFFF  }
0xbb: {  	[dreg:$0x1] =	wrdreg $0xFFFFFFFF  }
0xbc: {  	[dreg:$0x0] =	wrdreg $0x60  }
0xbd: {  	[dreg:$0x2] =	wrdreg s24  }
0xbe: {  	[dreg:$0x3] =	wrdreg s18  }
0xbf: {  	[dreg:$0x4] =	wrdreg $0x65000  }
0xc0: {  	[dreg:$0x5] =	wrdreg $0x9  }
0xc1: {  	_ =	task.clear_ibuf [dreg:s22], $0x6FFFF;
	_ =	strace $0x9000004F  }
0xc2: {  	s29 =	simm.s32 $0x9;
	_ =	strace $0x80000051  }
0xc3: {  	_ =	swait.ge [sflag:s29], $0x1  }
0xc4: {  	[sflag:s29] =	ssyncadd.s32 $0xFFFFFFFF  }
0xc5: {  	_ =	strace $0x90000051  }
0xc6: {  	_ =	sfence  }
0xc7: {  	s30 =	sld [smem:$0x0];
	_ =	sdelay $0x2  }
0xc8: {  	s31 =	sshll.u32 s1, $0xD;
	s1 =	sshrl.u32 s1, $0x2  }
0xc9: {  	s4 =	sand.u32 $0x4000, s31;
	s1 =	sadd.s32 s1, s30  }
0xca: {  	s0 =	sor.u32 s4, s0;
	s1 =	sshll.u32 s1, $0x11  }
0xcb: {  	s0 =	sor.u32 s1, s0  }
0xcc: {  	s0 =	sadd.s32 $0x8F2B, s0  }
0xcd: {  	[sflag:s0] =	ssyncadd.remote.s32 $0x1  }
0xce: {  	_ =	sfence.sel $0xFFFF  }
0xcf: {  	[dreg:$0x0] =	wrdreg $0xFFFFFFFF;
	(pc) =	sbr.abs _section_cstart, $3  }
0xd0: {  	[dreg:$0x1] =	wrdreg $0xFFFFFFFF  }
0xd1: {  	_ =	task.clear_ibuf [dreg:s22], $0x2FFFF;
	_ =	strace $0x9FFFFFFF  }
0xd2: {  	(tm) =	ssettm $0x7FFFFFFF  }
0xd3: {  	_ =	shalt  }
tec
execute0_lowered:
.L_overlay_start_1:
0x0: {  	(tag) =	ssettag $0x1  }
0x1: {  	s2 =	stileid.u32  }
0x2: {  	s4 =	rddreg [dreg:$0x0];
	s7 =	smul.u32 $0x1388, s2  }
0x3: {  	s15 =	rddreg [dreg:$0x1];
	s11 =	smul.u32 $0x280, s2  }
0x4: {  	s0 =	srdreg.scid;
	s14 =	smul.u32 $0x50000, s2  }
0x5: {  	s1 =	rddreg [dreg:$0x2];
	s3 =	simm.s32 $0x0;
	s9 =	smul.u32 $0x2800, s2  }
0x6: {  	s8 =	sand.u32 $0x1, s0;
	s0 =	rddreg [dreg:$0x3];
	s31 =	smul.u32 $0x13880, s2  }
0x7: {  	[smem:$0x7FF] =	sst s3;
	s10 =	sadd.s32 $0x12200, s4;
	s5 =	smul.u32 $0x138800, s8  }
0x8: {  	s6 =	smul.u32 $0x13880, s8;
	_ =	strace $0x80000050;
	s13 =	ssub.s32 $0x2, s8  }
0x9: {  	s19 =	sshrl.u32 s13, $0x1;
	s20 =	sshrl.u32 s14, $0x2;
	s17 =	sadd.s32 s5, s4  }
0xa: {  	s12 =	sadd.s32 s7, s6;
	s16 =	ssub.s32 s13, s19;
	s13 =	sadd.s32 $0x140, s11  }
0xb: {  	s19 =	sadd.s32 $0x1E0, s11;
	s5 =	sshrl.u32 s12, $0x3;
	s12 =	sadd.s32 $0xA0, s11  }
0xc: {  	s23 =	sshll.u32 s13, $0x4;
	s14 =	sshll.u32 s13, $0x7;
	s24 =	sshll.u32 s19, $0x4  }
0xd: {  	s25 =	sshll.u32 s19, $0x7;
	s16 =	smax.u32 s16, $0x1;
	s17 =	sadd.s32 s31, s17  }
0xe: {  	s18 =	sadd.s32 s5, s4;
	s4 =	sadd.s32 s10, s9;
	s5 =	sadd.s32 s20, s1  }
0xf: {  	s21 =	sshll.u32 s12, $0x4;
	s22 =	sshll.u32 s12, $0x7;
	s20 =	smul.u32 $0x2800, s8  }
0x10: {  	s8 =	sadd.s32 s10, s23;
	s9 =	sadd.s32 s14, s1;
	s17 =	sadd.s32 $0x9E0200, s17  }
0x11: {  	s6 =	sadd.s32 s10, s21;
	s7 =	sadd.s32 s22, s1;
	s10 =	sadd.s32 s10, s24  }
0x12: {  	s18 =	sadd.s32 $0x283200, s18;
	s22 =	simm.s32 $0x0;
	s21 =	sadd.s32 s11, s20  }
0x13: {  	s11 =	sadd.s32 s25, s1;
	s28 =	sadd.s32 s20, s12;
	s13 =	sadd.s32 s20, s13  }
0x14: {  	s19 =	sadd.s32 s20, s19;
	s20 =	simm.s32 $0x1;
	s26 =	sshll.u32 s21, $0x4  }
0x15: {  	s29 =	sshll.u32 s28, $0x4;
	s30 =	sshll.u32 s13, $0x4;
	s19 =	sshll.u32 s19, $0x4  }
0x16: {  	s21 =	simm.s32 $0xC8;
	s12 =	sadd.s32 s15, s26;
	s13 =	sadd.s32 s15, s29  }
0x17: {  	s14 =	sadd.s32 s15, s30;
	s15 =	sadd.s32 s15, s19;
	s19 =	simm.s32 $0x100  }
.LBB2_1:
0x18: {  	[tilespmem:s19], [sflag:$0x1] =	stream.linear.gather [hbm4b:s4+s3], $0x5000, $0x38;
	[tilespmem:$0x1A500] =	vst v63  }
0x19: {  	_ =	swait.ge [sflag:s20], $0x5000  }
0x1a: {  	[sflag:s20] =	ssyncset.done $0x0  }
0x1b: {  	[sflag:s20] =	ssyncadd.s32 $0xFFFFB000  }
0x1c: {  	[spmem:s5] =	stream.linear.scatter [tilespmem:s19], [sflag:$0x1], $0x5000, $0x38;
	[tilespmem:$0x1A500] =	vst v63  }
0x1d: {  	_ =	swait.ge [sflag:s20], $0x5000  }
0x1e: {  	[sflag:s20] =	ssyncset.done $0x0  }
0x1f: {  	[sflag:s20] =	ssyncadd.s32 $0xFFFFB000  }
0x20: {  	[tilespmem:s19], [sflag:$0x1] =	stream.linear.gather [hbm4b:s6+s3], $0x5000, $0x38;
	[tilespmem:$0x1A500] =	vst v63  }
0x21: {  	_ =	swait.ge [sflag:s20], $0x5000  }
0x22: {  	[sflag:s20] =	ssyncset.done $0x0  }
0x23: {  	[sflag:s20] =	ssyncadd.s32 $0xFFFFB000  }
0x24: {  	[spmem:s7] =	stream.linear.scatter [tilespmem:s19], [sflag:$0x1], $0x5000, $0x38;
	[tilespmem:$0x1A500] =	vst v63  }
0x25: {  	_ =	swait.ge [sflag:s20], $0x5000  }
0x26: {  	[sflag:s20] =	ssyncset.done $0x0  }
0x27: {  	[sflag:s20] =	ssyncadd.s32 $0xFFFFB000  }
0x28: {  	[tilespmem:s19], [sflag:$0x1] =	stream.linear.gather [hbm4b:s8+s3], $0x5000, $0x38;
	[tilespmem:$0x1A500] =	vst v63  }
0x29: {  	_ =	swait.ge [sflag:s20], $0x5000  }
0x2a: {  	[sflag:s20] =	ssyncset.done $0x0  }
0x2b: {  	[sflag:s20] =	ssyncadd.s32 $0xFFFFB000  }
0x2c: {  	[spmem:s9] =	stream.linear.scatter [tilespmem:s19], [sflag:$0x1], $0x5000, $0x38;
	[tilespmem:$0x1A500] =	vst v63  }
0x2d: {  	_ =	swait.ge [sflag:s20], $0x5000  }
0x2e: {  	[sflag:s20] =	ssyncset.done $0x0  }
0x2f: {  	[sflag:s20] =	ssyncadd.s32 $0xFFFFB000  }
0x30: {  	[tilespmem:s19], [sflag:$0x1] =	stream.linear.gather [hbm4b:s10+s3], $0x5000, $0x38;
	[tilespmem:$0x1A500] =	vst v63  }
0x31: {  	_ =	swait.ge [sflag:s20], $0x5000  }
0x32: {  	[sflag:s20] =	ssyncset.done $0x0  }
0x33: {  	[sflag:s20] =	ssyncadd.s32 $0xFFFFB000  }
0x34: {  	[spmem:s11] =	stream.linear.scatter [tilespmem:s19], [sflag:$0x1], $0x5000, $0x38;
	[tilespmem:$0x1A500] =	vst v63  }
0x35: {  	_ =	swait.ge [sflag:s20], $0x5000  }
0x36: {  	[sflag:s20] =	ssyncset.done $0x0  }
0x37: {  	[sflag:s20] =	ssyncadd.s32 $0xFFFFB000  }
0x38: {  	s23 =	sadd.s32 $0x0, s18;
	[bflag:$0x0] =	sbarrier.arrive $0xFFFF  }
0x39: {  	[tilespmem:s3], [sflag:$0x1] =	stream.linear.gather [hbm4b:s23+s3], $0xC8, $0x38;
	[tilespmem:$0x1A500] =	vst v63  }
0x3a: {  	_ =	swait.ge [sflag:s20], $0xC8  }
0x3b: {  	[sflag:s20] =	ssyncset.done $0x0  }
0x3c: {  	[sflag:s20] =	ssyncadd.s32 $0xFFFFFF38  }
0x3d: {  	[tilespmem:s19], [sflag:$0x1] =	stream.linear.gather [hbm4b:s17+s3], $0x6400, $0x38;
	[tilespmem:$0x1A500] =	vst v63  }
0x3e: {  	_ =	swait.ge [sflag:s20], $0x6400  }
0x3f: {  	[sflag:s20] =	ssyncset.done $0x0  }
0x40: {  	[sflag:s20] =	ssyncadd.s32 $0xFFFF9C00  }
0x41: {  	[spmem:s1] =	stream.indirect.scatter.add.f32 [tilespmem:s19], [sflag:$0x1], $0x80, s3, s21, $0xb8;
	[tilespmem:$0x1A500] =	vst v63  }
0x42: {  	s24 =	simm.s32 $0x19;
	_ =	swait.ge [sflag:s20], $0x6400  }
0x43: {  	s25 =	simm.s32 $0x32;
	s23 =	sadd.s32 $0xC80, s17;
	[sflag:s20] =	ssyncset.done $0x0  }
.LBB2_2:
0x44: {  	s26 =	sadd.s32 s24, s18  }
0x45: {  	[sflag:s20] =	ssyncadd.s32 $0xFFFF9C00;
	s24 =	smov.u32 s25;
	s28 =	sadd.s32 $0x19, s25  }
0x46: {  	[tilespmem:s3], [sflag:$0x1] =	stream.linear.gather [hbm4b:s26+s3], $0xC8, $0x38;
	[tilespmem:$0x1A500] =	vst v63  }
0x47: {  	p0 =	sne.s32 s25, $0x258;
	_ =	swait.ge [sflag:s20], $0xC8  }
0x48: {  	[sflag:s20] =	ssyncset.done $0x0  }
0x49: {  	[sflag:s20] =	ssyncadd.s32 $0xFFFFFF38  }
0x4a: {  	[tilespmem:s19], [sflag:$0x1] =	stream.linear.gather [hbm4b:s23+s3], $0x6400, $0x38;
	[tilespmem:$0x1A500] =	vst v63  }
0x4b: {  	_ =	swait.ge [sflag:s20], $0x6400  }
.Ltmp0:
0x4c: {  	[sflag:s20] =	ssyncset.done $0x0;
	(pc) =	sbr.rel @p0 .LBB2_2-.Ltmp0, $4  }
0x4d: {  	[sflag:s20] =	ssyncadd.s32 $0xFFFF9C00  }
0x4e: {  	[spmem:s1] =	stream.indirect.scatter.add.f32 [tilespmem:s19], [sflag:$0x1], $0x80, s3, s21, $0xb8;
	[tilespmem:$0x1A500] =	vst v63  }
0x4f: {  	_ =	swait.ge [sflag:s20], $0x6400  }
0x50: {  	s25 =	smov.u32 s28;
	s23 =	sadd.s32 $0xC80, s23;
	[sflag:s20] =	ssyncset.done $0x0  }
0x51: {  	s24 =	sadd.s32 s24, s18;
	[sflag:s20] =	ssyncadd.s32 $0xFFFF9C00  }
0x52: {  	[tilespmem:s3], [sflag:$0x1] =	stream.linear.gather [hbm4b:s24+s3], $0xC8, $0x38;
	[tilespmem:$0x1A500] =	vst v63  }
0x53: {  	_ =	swait.ge [sflag:s20], $0xC8  }
0x54: {  	[sflag:s20] =	ssyncset.done $0x0  }
0x55: {  	[sflag:s20] =	ssyncadd.s32 $0xFFFFFF38  }
0x56: {  	[tilespmem:s19], [sflag:$0x1] =	stream.linear.gather [hbm4b:s23+s3], $0x6400, $0x38;
	[tilespmem:$0x1A500] =	vst v63  }
0x57: {  	_ =	swait.ge [sflag:s20], $0x6400  }
0x58: {  	[sflag:s20] =	ssyncset.done $0x0  }
0x59: {  	[sflag:s20] =	ssyncadd.s32 $0xFFFF9C00  }
0x5a: {  	[spmem:s1] =	stream.indirect.scatter.add.f32 [tilespmem:s19], [sflag:$0x1], $0x80, s3, s21, $0xb8;
	[tilespmem:$0x1A500] =	vst v63  }
0x5b: {  	_ =	swait.ge [sflag:s20], $0x6400  }
0x5c: {  	[sflag:s20] =	ssyncset.done $0x0  }
0x5d: {  	[sflag:s20] =	ssyncadd.s32 $0xFFFF9C00  }
0x5e: {  	[bflag:$0x0] =	sbarrier.arrive $0xFFFF  }
0x5f: {  	[tilespmem:s19], [sflag:$0x1] =	stream.linear.gather [spmem:s5], $0x5000, $0x38;
	[tilespmem:$0x1A500] =	vst v63  }
0x60: {  	_ =	swait.ge [sflag:s20], $0x5000  }
0x61: {  	[sflag:s20] =	ssyncset.done $0x0  }
0x62: {  	[sflag:s20] =	ssyncadd.s32 $0xFFFFB000  }
0x63: {  	[hbm4b:s12+s3] =	stream.linear.scatter [tilespmem:s19], [sflag:$0x1], $0x5000, $0x38;
	[tilespmem:$0x1A500] =	vst v63  }
0x64: {  	_ =	swait.ge [sflag:s20], $0x5000  }
0x65: {  	[sflag:s20] =	ssyncset.done $0x0  }
0x66: {  	[sflag:s20] =	ssyncadd.s32 $0xFFFFB000  }
0x67: {  	[tilespmem:s19], [sflag:$0x1] =	stream.linear.gather [spmem:s7], $0x5000, $0x38;
	[tilespmem:$0x1A500] =	vst v63  }
0x68: {  	_ =	swait.ge [sflag:s20], $0x5000  }
0x69: {  	[sflag:s20] =	ssyncset.done $0x0  }
0x6a: {  	[sflag:s20] =	ssyncadd.s32 $0xFFFFB000  }
0x6b: {  	[hbm4b:s13+s3] =	stream.linear.scatter [tilespmem:s19], [sflag:$0x1], $0x5000, $0x38;
	[tilespmem:$0x1A500] =	vst v63  }
0x6c: {  	_ =	swait.ge [sflag:s20], $0x5000  }
0x6d: {  	[sflag:s20] =	ssyncset.done $0x0  }
0x6e: {  	[sflag:s20] =	ssyncadd.s32 $0xFFFFB000  }
0x6f: {  	[tilespmem:s19], [sflag:$0x1] =	stream.linear.gather [spmem:s9], $0x5000, $0x38;
	[tilespmem:$0x1A500] =	vst v63  }
0x70: {  	_ =	swait.ge [sflag:s20], $0x5000  }
0x71: {  	[sflag:s20] =	ssyncset.done $0x0  }
0x72: {  	[sflag:s20] =	ssyncadd.s32 $0xFFFFB000  }
0x73: {  	[hbm4b:s14+s3] =	stream.linear.scatter [tilespmem:s19], [sflag:$0x1], $0x5000, $0x38;
	[tilespmem:$0x1A500] =	vst v63  }
0x74: {  	_ =	swait.ge [sflag:s20], $0x5000  }
0x75: {  	[sflag:s20] =	ssyncset.done $0x0  }
0x76: {  	[sflag:s20] =	ssyncadd.s32 $0xFFFFB000  }
0x77: {  	[tilespmem:s19], [sflag:$0x1] =	stream.linear.gather [spmem:s11], $0x5000, $0x38;
	[tilespmem:$0x1A500] =	vst v63  }
0x78: {  	s22 =	sadd.s32 $0x1, s22;
	_ =	swait.ge [sflag:s20], $0x5000  }
0x79: {  	p0 =	sne.s32 s22, s16;
	[sflag:s20] =	ssyncset.done $0x0  }
.Ltmp1:
0x7a: {  	[sflag:s20] =	ssyncadd.s32 $0xFFFFB000;
	(pc) =	sbr.rel @p0 .LBB2_1-.Ltmp1, $4  }
0x7b: {  	[hbm4b:s15+s3] =	stream.linear.scatter [tilespmem:s19], [sflag:$0x1], $0x5000, $0x38;
	[tilespmem:$0x1A500] =	vst v63  }
0x7c: {  	_ =	swait.ge [sflag:s20], $0x5000  }
0x7d: {  	[sflag:s20] =	ssyncset.done $0x0  }
0x7e: {  	[sflag:s20] =	ssyncadd.s32 $0xFFFFB000  }
0x7f: {  	_ =	sfence.sel $0x180000  }
0x80: {  	[bflag:$0x0] =	sbarrier.arrive $0xFFFF  }
0x81: {  	p0 =	sne.s32 s2, $0x0;
	_ =	strace $0x90000050  }
0x82: {  	s0 =	sadd.s32 @!p0 $0x100000, s0;
	[bflag:$0x2] =	sbarrier.arrive $0xFFFF  }
0x83: {  	[sflag:s0] =	ssyncadd.tile.s32 @!p0 $0x1;
	_ =	shalt  }
.Lfunc_end2:
_tile_overlayer_lowered:
.L_overlay_start_2:
0x84: {  	(tag) =	ssettag $0x2  }
0x85: {  	s0 =	rddreg [dreg:$0x0];
	s2 =	stileid.u32  }
0x86: {  	s1 =	rddreg [dreg:$0x1];
	p0 =	sne.s32 s2, $0x0  }
0x87: {  	s3 =	rddreg [dreg:$0x2];
	[bflag:$0x3] =	sbarrier.arrive $0xFFFF;
	s2 =	simm.s32 @!p0 $0x1C01  }
0x88: {  	[timem:s3], [sflag:s2] =	dma.local @!p0 [hbm:s0], s1  }
0x89: {  	s0 =	simm.s32 @!p0 $0x1  }
0x8a: {  	_ =	swait.ge @!p0 [sflag:s0], s1  }
0x8b: {  	s1 =	ssub.s32 @!p0 $0x0, s1;
	[sflag:s0] =	ssyncset.done @!p0 $0x0  }
0x8c: {  	[sflag:s0] =	ssyncadd.s32 @!p0 s1  }
0x8d: {  	[bflag:$0x3] =	sbarrier.arrive $0xFFFF  }
0x8e: {  	_ =	shalt  }

// kernel: kernel.19.cloned.1.call-start
scs
__scs_entry_jumppad:
0x0: {  	(pc) =	sbr.rel $0x88, $3  }
0x1: {  	(tag) =	ssettag $0x0;
	lr =	simm.s32 $0x1  }
0x2: {  	[smem:$0x3F94] =	sst lr;
	_ =	strace $0xD0000000  }
0x3: {  	_ = 	snop  }
0x4: {  	_ = 	snop  }
0x5: {  	_ = 	snop  }
0x6: {  	_ = 	snop  }
0x7: {  	_ = 	snop  }
__scs_overlays_trampoline_lowered:
0x8: {  	[smem:$0x3FA3] =	sst s0  }
0x9: {  	[smem:$0x3FA4] =	sst s1  }
0xa: {  	[smem:$0x3FA5] =	sst s2  }
0xb: {  	[smem:$0x3FA6] =	sst s3  }
0xc: {  	[smem:$0x3FA7] =	sst s4  }
0xd: {  	[smem:$0x3FA8] =	sst s5  }
0xe: {  	[smem:$0x3FA9] =	sst s6  }
0xf: {  	[smem:$0x3FAA] =	sst s7  }
0x10: {  	[smem:$0x3FAB] =	sst s8  }
0x11: {  	[smem:$0x3FAC] =	sst s9;
	s0 =	simm.s32 @!p0 $0x0  }
0x12: {  	s1 =	sld [smem:$0x3F92];
	s0 =	simm.s32 @p0 $0x1  }
0x13: {  	[smem:$0x3FAD] =	sst s0;
	s0 =	simm.s32 @!p1 $0x0  }
0x14: {  	s2 =	sld [smem:$0x3F91];
	s0 =	simm.s32 @p1 $0x1  }
0x15: {  	[smem:$0x3FAE] =	sst s0;
	s0 =	simm.s32 @!p2 $0x0  }
0x16: {  	s3 =	sld [smem:$0x3FDB];
	s0 =	simm.s32 @p2 $0x1  }
0x17: {  	s4 =	simm.s32 $0x1BF5;
	[smem:$0x3FB0] =	sst s0  }
0x18: {  	s0 =	sld [smem:$0x3F93];
	_ =	swait.ge [sflag:s4], $0x0  }
0x19: {  	s7 =	sld [smem:$0x3F94]  }
0x1a: {  	s8 =	sadd.s32 $0xFFFFE003, lr  }
0x1b: {  	s9 =	sadd.s32 $0xFFFFFEF7, lr;
	s5 =	simm.s32 $0xFFFFFFFF;
	p2 =	slt.u32 s8, $0xFFFFF086  }
0x1c: {  	p1 =	slt.u32 s9, $0xF7A;
	s5 =	simm.s32 @!p2 $0x0  }
0x1d: {  	s5 =	simm.s32 @p1 $0x1;
	p0 =	seq.s32 s7, s2  }
0x1e: {  	s7 =	smul.u32 @!p0 $0xF7A, s2;
	p2 =	seq.s32 @!p0 s5, $0x0  }
0x1f: {  	s9 =	smul.u32 $0xF7A, s1;
	s8 =	simm.s32 @!p0 $0x1BF5;
	p2 =	por !p2, p0  }
0x20: {  	[sflag:s8] =	ssyncset.s32 @!p0 $0xFFFFF086;
	s6 =	sadd.s32 @!p0 s3, s7;
	s7 =	simm.s32 @!p0 $0x108  }
0x21: {  	s3 =	sadd.s32 s3, s9;
	s6 =	sadd.s32 @!p0 $0x88, s6;
	s7 =	simm.s32 @p2 $0x1082  }
0x22: {  	[simem:s7], [sflag:s8] =	dma.local @!p0 [hbm:s6], $0xF7A  }
0x23: {  	s9 =	sor.u32 $0xD0000000, s2;
	s6 =	simm.s32 $0x108;
	_ =	swait.ge @!p0 [sflag:s8], $0x0  }
0x24: {  	s3 =	sadd.s32 $0x88, s3;
	s6 =	simm.s32 @!p1 $0x1082;
	[sflag:s4] =	ssyncset.s32 $0xFFFFF086  }
0x25: {  	[simem:s6], [sflag:s4] =	dma.local [hbm:s3], $0xF7A  }
0x26: {  	[smem:$0x3F94] =	sst s1;
	(tag) =	ssettag s2;
	_ =	strace s9  }
0x27: {  	s1 =	sld [smem:$0x3FA4]  }
0x28: {  	s2 =	sld [smem:$0x3FA5]  }
0x29: {  	s4 =	sld [smem:$0x3FA7]  }
0x2a: {  	p0 =	seq.s32 s5, $0x0;
	s5 =	sld [smem:$0x3FA8]  }
0x2b: {  	s6 =	sld [smem:$0x3FA9]  }
0x2c: {  	s7 =	sld [smem:$0x3FAA]  }
0x2d: {  	s3 =	simm.s32 $0x108;
	s8 =	sld [smem:$0x3FAB]  }
0x2e: {  	s3 =	simm.s32 @!p0 $0x1082;
	s9 =	sld [smem:$0x3FAC]  }
0x2f: {  	lr =	sadd.s32 s0, s3;
	s0 =	sld [smem:$0x3FA3]  }
0x30: {  	s3 =	sld [smem:$0x3FA6]  }
0x31: {  	[smem:$0x3FAF] =	sst s10  }
0x32: {  	s10 =	sld [smem:$0x3FAD];
	_ =	sdelay $0x3  }
0x33: {  	p0 =	seq.s32 s10, $0x1;
	s10 =	sld [smem:$0x3FAF];
	_ =	sdelay $0x3  }
0x34: {  	[smem:$0x3FAF] =	sst s10  }
0x35: {  	s10 =	sld [smem:$0x3FAE];
	_ =	sdelay $0x3  }
0x36: {  	p1 =	seq.s32 s10, $0x1;
	s10 =	sld [smem:$0x3FAF];
	_ =	sdelay $0x3  }
0x37: {  	[smem:$0x3FAF] =	sst s10  }
0x38: {  	s10 =	sld [smem:$0x3FB0]  }
0x39: {  	_ = 	snop;
	(pc) =	sbr.ind lr, $3  }
0x3a: {  	_ = 	snop  }
0x3b: {  	_ = 	snop  }
0x3c: {  	p2 =	seq.s32 s10, $0x1;
	s10 =	sld [smem:$0x3FAF]  }
0x3d: {  	_ =	shalt  }
0x3e: {  	_ =	shalt  }
0x3f: {  	_ =	shalt  }
0x40: {  	_ =	shalt  }
0x41: {  	_ =	shalt  }
0x42: {  	_ =	shalt  }
0x43: {  	_ =	shalt  }
0x44: {  	_ =	shalt  }
0x45: {  	_ =	shalt  }
0x46: {  	_ =	shalt  }
0x47: {  	_ =	shalt  }
0x48: {  	_ =	shalt  }
0x49: {  	_ =	shalt  }
0x4a: {  	_ =	shalt  }
0x4b: {  	_ =	shalt  }
0x4c: {  	_ =	shalt  }
0x4d: {  	_ =	shalt  }
0x4e: {  	_ =	shalt  }
0x4f: {  	_ =	shalt  }
0x50: {  	_ =	shalt  }
0x51: {  	_ =	shalt  }
0x52: {  	_ =	shalt  }
0x53: {  	_ =	shalt  }
0x54: {  	_ =	shalt  }
0x55: {  	_ =	shalt  }
0x56: {  	_ =	shalt  }
0x57: {  	_ =	shalt  }
0x58: {  	_ =	shalt  }
0x59: {  	_ =	shalt  }
0x5a: {  	_ =	shalt  }
0x5b: {  	_ =	shalt  }
0x5c: {  	_ =	shalt  }
0x5d: {  	_ =	shalt  }
0x5e: {  	_ =	shalt  }
0x5f: {  	_ =	shalt  }
0x60: {  	_ =	shalt  }
0x61: {  	_ =	shalt  }
0x62: {  	_ =	shalt  }
0x63: {  	_ =	shalt  }
0x64: {  	_ =	shalt  }
0x65: {  	_ =	shalt  }
0x66: {  	_ =	shalt  }
0x67: {  	_ =	shalt  }
0x68: {  	_ =	shalt  }
0x69: {  	_ =	shalt  }
0x6a: {  	_ =	shalt  }
0x6b: {  	_ =	shalt  }
0x6c: {  	_ =	shalt  }
0x6d: {  	_ =	shalt  }
0x6e: {  	_ =	shalt  }
0x6f: {  	_ =	shalt  }
0x70: {  	_ =	shalt  }
0x71: {  	_ =	shalt  }
0x72: {  	_ =	shalt  }
0x73: {  	_ =	shalt  }
0x74: {  	_ =	shalt  }
0x75: {  	_ =	shalt  }
0x76: {  	_ =	shalt  }
0x77: {  	_ =	shalt  }
0x78: {  	_ =	shalt  }
0x79: {  	_ =	shalt  }
0x7a: {  	_ =	shalt  }
0x7b: {  	_ =	shalt  }
0x7c: {  	_ =	shalt  }
0x7d: {  	_ =	shalt  }
0x7e: {  	_ =	shalt  }
0x7f: {  	_ =	shalt  }
0x80: {  	_ =	shalt  }
0x81: {  	_ =	shalt  }
0x82: {  	_ =	shalt  }
0x83: {  	_ =	shalt  }
0x84: {  	_ =	shalt  }
0x85: {  	_ =	shalt  }
0x86: {  	_ =	shalt  }
0x87: {  	_ =	shalt  }
.Lfunc_end0:
.L_simem_size_0:
called_computation.2_lowered:
.L_overlay_start_0:
0x88: {  	s2 =	sld [smem:$0x3FD9]  }
0x89: {  	s3 =	sld [smem:$0x3FFE];
	_ =	sdelay $0x1  }
0x8a: {  	s1 =	srdreg.scid  }
0x8b: {  	s0 =	sand.u32 $0x1, s1  }
0x8c: {  	s17 =	sshll.u32 s0, $0xA;
	s2 =	sadd.s32 s3, s2  }
0x8d: {  	s2 =	sadd.s32 s2, s17  }
0x8e: {  	[smem:$0x3FBB] =	sst s2  }
0x8f: {  	_ = 	snop  }
0x90: {  	s2 =	sld [smem:$0x3FC9];
	(tm) =	ssettm $0x1  }
0x91: {  	s18 =	sld [smem:$0x3FFB];
	_ =	sdelay $0x3  }
0x92: {  	_ =	strace s18  }
0x93: {  	s3 =	sld [smem:$0x3FFC];
	_ =	sdelay $0x3  }
0x94: {  	_ =	strace s3  }
0x95: {  	s3 =	sld [smem:$0x3FFD];
	_ =	sdelay $0x3  }
0x96: {  	_ =	strace s3  }
0x97: {  	_ =	strace $0x8FFFFFFF  }
0x98: {  	s19 =	sld [smem:$0x3FDB];
	_ =	sdelay $0x1  }
0x99: {  	s4 =	simm.s32 $_scs_section_size  }
0x9a: {  	s5 =	simm.s32 $_size__tile_overlayer_lowered;
	s6 =	simm.s32 $_tile_overlayer_lowered  }
0x9b: {  	s22 =	simm.s32 $0x1BFF;
	s21 =	sshll.u32 s6, $0x1;
	s3 =	sadd.s32 s4, s19  }
0x9c: {  	s7 =	simm.s32 $0x0;
	s20 =	sshll.u32 s5, $0x1;
	s5 =	sadd.s32 s21, s3  }
0x9d: {  	[timem:s7], [sflag:s22] =	dma.local [hbm:s5], s20  }
0x9e: {  	_ =	swait.ge [sflag:s22], s20  }
0x9f: {  	s4 =	ssub.s32 $0x0, s20;
	[sflag:s22] =	ssyncset.done $0x0  }
0xa0: {  	[sflag:s22] =	ssyncadd.s32 s4;
	_ =	sdelay $0x1  }
0xa1: {  	s23 =	simm.s32 $0x1B8B  }
0xa2: {  	_ =	swait.ge [sflag:s23], $0x1  }
0xa3: {  	[sflag:s23] =	ssyncset.done $0x0  }
0xa4: {  	s25 =	simm.s32 $0x1B8E;
	s24 =	sld [smem:$0x3FFE];
	[sflag:s23] =	ssyncadd.s32 $0xFFFFFFFF  }
0xa5: {  	s26 =	simm.s32 $execute0_lowered;
	[smem:$0x3FD2] =	sst s25  }
0xa6: {  	s5 =	sshll.u32 s26, $0x1;
	_ =	strace $0x80000046;
	[dreg:$0x1] =	wrdreg $0xFFFFFFFF  }
0xa7: {  	s28 =	simm.s32 $_size_execute0_lowered;
	s3 =	sadd.s32 s3, s5;
	[dreg:$0x0] =	wrdreg $0x0  }
0xa8: {  	s5 =	sshll.u32 s28, $0x1;
	[dreg:$0x2] =	wrdreg s3  }
0xa9: {  	[dreg:$0x3] =	wrdreg s5  }
0xaa: {  	[dreg:$0x4] =	wrdreg $0xC0  }
0xab: {  	_ =	task [dreg:s7], $0x5FFFF  }
0xac: {  	[dreg:$0x1] =	wrdreg $0xFFFFFFFF  }
0xad: {  	[dreg:$0x0] =	wrdreg $0x60  }
0xae: {  	[dreg:$0x2] =	wrdreg s2  }
0xaf: {  	[dreg:$0x3] =	wrdreg s24  }
0xb0: {  	[dreg:$0x4] =	wrdreg $0xA  }
0xb1: {  	_ =	task.clear_ibuf [dreg:s7], $0x5FFFF;
	_ =	strace $0x90000046  }
0xb2: {  	s29 =	simm.s32 $0xA;
	_ =	strace $0x80000048  }
0xb3: {  	_ =	swait.ge [sflag:s29], $0x1  }
0xb4: {  	[sflag:s29] =	ssyncadd.s32 $0xFFFFFFFF  }
0xb5: {  	_ =	strace $0x90000048  }
0xb6: {  	_ =	sfence  }
0xb7: {  	s30 =	sld [smem:$0x0];
	_ =	sdelay $0x2  }
0xb8: {  	s31 =	sshll.u32 s1, $0xD;
	s1 =	sshrl.u32 s1, $0x2  }
0xb9: {  	s3 =	sand.u32 $0x4000, s31;
	s1 =	sadd.s32 s1, s30  }
0xba: {  	s0 =	sor.u32 s3, s0;
	s1 =	sshll.u32 s1, $0x11  }
0xbb: {  	s0 =	sor.u32 s1, s0  }
0xbc: {  	s0 =	sadd.s32 $0x8F2B, s0  }
0xbd: {  	[sflag:s0] =	ssyncadd.remote.s32 $0x1  }
0xbe: {  	_ =	sfence.sel $0xFFFF  }
0xbf: {  	[dreg:$0x0] =	wrdreg $0xFFFFFFFF;
	(pc) =	sbr.abs _section_cstart, $3  }
0xc0: {  	[dreg:$0x1] =	wrdreg $0xFFFFFFFF  }
0xc1: {  	_ =	task.clear_ibuf [dreg:s7], $0x2FFFF;
	_ =	strace $0x9FFFFFFF  }
0xc2: {  	(tm) =	ssettm $0x7FFFFFFF  }
0xc3: {  	_ =	shalt  }
tec
execute0_lowered:
.L_overlay_start_1:
0x0: {  	(tag) =	ssettag $0x1  }
0x1: {  	s2 =	rddreg [dreg:$0x0];
	s1 =	srdreg.scid  }
0x2: {  	s0 =	stileid.u32;
	s4 =	rddreg [dreg:$0x1];
	s3 =	simm.s32 $0x0  }
0x3: {  	s10 =	simm.s32 $0x1;
	s11 =	simm.s32 $0x0;
	s6 =	smul.u32 $0x2710, s0  }
0x4: {  	s5 =	sand.u32 $0x1, s1;
	s1 =	rddreg [dreg:$0x2];
	s8 =	smul.u32 $0x27100, s0  }
0x5: {  	[smem:$0x7FF] =	sst s3;
	s7 =	smul.u32 $0x1388, s5;
	s9 =	ssub.s32 $0x2, s5  }
0x6: {  	_ =	strace $0x80000047;
	s5 =	smul.u32 $0x13880, s5;
	s31 =	sshrl.u32 s9, $0x1  }
0x7: {  	s30 =	sadd.s32 s8, s4;
	s6 =	sadd.s32 s7, s6;
	s8 =	ssub.s32 s9, s31  }
0x8: {  	s5 =	sadd.s32 s5, s30;
	s7 =	simm.s32 $0x2;
	s6 =	sshrl.u32 s6, $0x3  }
0x9: {  	s9 =	simm.s32 $0x100;
	s5 =	sadd.s32 $0x12200, s5;
	s6 =	sadd.s32 s6, s4  }
0xa: {  	s4 =	smax.u32 s8, $0x1;
	s8 =	simm.s32 $0xC8;
	s6 =	sadd.s32 $0xD200, s6  }
.LBB2_1:
0xb: {  	s12 =	sadd.s32 $0x0, s6  }
0xc: {  	[tilespmem:s3], [sflag:$0x2] =	stream.linear.gather [hbm4b:s12+s3], $0xC8, $0x38;
	[tilespmem:$0x6500] =	vst v63  }
0xd: {  	_ =	swait.ge [sflag:s7], $0xC8  }
0xe: {  	[sflag:s7] =	ssyncset.done $0x0  }
0xf: {  	[sflag:s7] =	ssyncadd.s32 $0xFFFFFF38  }
0x10: {  	[tilespmem:s9], [sflag:$0x1] =	stream.indirect.gather [hbm4b:s2+s8], $0x80, s3, s8, $0xb8;
	[tilespmem:$0x6500] =	vst v63  }
0x11: {  	_ =	swait.ge [sflag:s10], $0x6400  }
0x12: {  	[sflag:s10] =	ssyncset.done $0x0  }
0x13: {  	[sflag:s10] =	ssyncadd.s32 $0xFFFF9C00  }
0x14: {  	[hbm4b:s5+s3] =	stream.linear.scatter [tilespmem:s9], [sflag:$0x2], $0x6400, $0x38;
	[tilespmem:$0x6500] =	vst v63  }
0x15: {  	s13 =	simm.s32 $0x19;
	_ =	swait.ge [sflag:s7], $0x6400  }
0x16: {  	s14 =	simm.s32 $0x32;
	s12 =	sadd.s32 $0xC80, s5;
	[sflag:s7] =	ssyncset.done $0x0  }
.LBB2_2:
0x17: {  	s15 =	sadd.s32 s13, s6  }
0x18: {  	[sflag:s7] =	ssyncadd.s32 $0xFFFF9C00;
	s13 =	smov.u32 s14;
	s16 =	sadd.s32 $0x19, s14  }
0x19: {  	[tilespmem:s3], [sflag:$0x2] =	stream.linear.gather [hbm4b:s15+s3], $0xC8, $0x38;
	[tilespmem:$0x6500] =	vst v63  }
0x1a: {  	p0 =	sne.s32 s14, $0x258;
	_ =	swait.ge [sflag:s7], $0xC8  }
0x1b: {  	[sflag:s7] =	ssyncset.done $0x0  }
0x1c: {  	[sflag:s7] =	ssyncadd.s32 $0xFFFFFF38  }
0x1d: {  	[tilespmem:s9], [sflag:$0x1] =	stream.indirect.gather [hbm4b:s2+s8], $0x80, s3, s8, $0xb8;
	[tilespmem:$0x6500] =	vst v63  }
0x1e: {  	_ =	swait.ge [sflag:s10], $0x6400  }
.Ltmp0:
0x1f: {  	[sflag:s10] =	ssyncset.done $0x0;
	(pc) =	sbr.rel @p0 .LBB2_2-.Ltmp0, $4  }
0x20: {  	[sflag:s10] =	ssyncadd.s32 $0xFFFF9C00  }
0x21: {  	[hbm4b:s12+s3] =	stream.linear.scatter [tilespmem:s9], [sflag:$0x2], $0x6400, $0x38;
	[tilespmem:$0x6500] =	vst v63  }
0x22: {  	_ =	swait.ge [sflag:s7], $0x6400  }
0x23: {  	s14 =	smov.u32 s16;
	s12 =	sadd.s32 $0xC80, s12;
	[sflag:s7] =	ssyncset.done $0x0  }
0x24: {  	s13 =	sadd.s32 s13, s6;
	[sflag:s7] =	ssyncadd.s32 $0xFFFF9C00  }
0x25: {  	[tilespmem:s3], [sflag:$0x2] =	stream.linear.gather [hbm4b:s13+s3], $0xC8, $0x38;
	[tilespmem:$0x6500] =	vst v63  }
0x26: {  	_ =	swait.ge [sflag:s7], $0xC8  }
0x27: {  	[sflag:s7] =	ssyncset.done $0x0  }
0x28: {  	[sflag:s7] =	ssyncadd.s32 $0xFFFFFF38  }
0x29: {  	[tilespmem:s9], [sflag:$0x1] =	stream.indirect.gather [hbm4b:s2+s8], $0x80, s3, s8, $0xb8;
	[tilespmem:$0x6500] =	vst v63  }
0x2a: {  	s11 =	sadd.s32 $0x1, s11;
	_ =	swait.ge [sflag:s10], $0x6400  }
0x2b: {  	p0 =	sne.s32 s11, s4;
	[sflag:s10] =	ssyncset.done $0x0  }
.Ltmp1:
0x2c: {  	[sflag:s10] =	ssyncadd.s32 $0xFFFF9C00;
	(pc) =	sbr.rel @p0 .LBB2_1-.Ltmp1, $4  }
0x2d: {  	[hbm4b:s12+s3] =	stream.linear.scatter [tilespmem:s9], [sflag:$0x2], $0x6400, $0x38;
	[tilespmem:$0x6500] =	vst v63  }
0x2e: {  	_ =	swait.ge [sflag:s7], $0x6400  }
0x2f: {  	[sflag:s7] =	ssyncset.done $0x0  }
0x30: {  	[sflag:s7] =	ssyncadd.s32 $0xFFFF9C00  }
0x31: {  	_ =	sfence.sel $0x180000  }
0x32: {  	[bflag:$0x0] =	sbarrier.arrive $0xFFFF  }
0x33: {  	p0 =	sne.s32 s0, $0x0;
	_ =	strace $0x90000047  }
0x34: {  	s0 =	sadd.s32 @!p0 $0x100000, s1;
	[bflag:$0x2] =	sbarrier.arrive $0xFFFF  }
0x35: {  	[sflag:s0] =	ssyncadd.tile.s32 @!p0 $0x1;
	_ =	shalt  }
.Lfunc_end2:
_tile_overlayer_lowered:
.L_overlay_start_2:
0x36: {  	(tag) =	ssettag $0x2  }
0x37: {  	s0 =	rddreg [dreg:$0x0];
	s2 =	stileid.u32  }
0x38: {  	s1 =	rddreg [dreg:$0x1];
	p0 =	sne.s32 s2, $0x0  }
0x39: {  	s3 =	rddreg [dreg:$0x2];
	[bflag:$0x3] =	sbarrier.arrive $0xFFFF;
	s2 =	simm.s32 @!p0 $0x1C02  }
0x3a: {  	[timem:s3], [sflag:s2] =	dma.local @!p0 [hbm:s0], s1  }
0x3b: {  	s0 =	simm.s32 @!p0 $0x2  }
0x3c: {  	_ =	swait.ge @!p0 [sflag:s0], s1  }
0x3d: {  	s1 =	ssub.s32 @!p0 $0x0, s1;
	[sflag:s0] =	ssyncset.done @!p0 $0x0  }
0x3e: {  	[sflag:s0] =	ssyncadd.s32 @!p0 s1  }
0x3f: {  	[bflag:$0x3] =	sbarrier.arrive $0xFFFF  }
0x40: {  	_ =	shalt  }

// kernel: kernel.22.cloned.1.call-start
scs
__scs_entry_jumppad:
0x0: {  	(pc) =	sbr.rel $0x88, $3  }
0x1: {  	(tag) =	ssettag $0x0;
	lr =	simm.s32 $0x1  }
0x2: {  	[smem:$0x3F94] =	sst lr;
	_ =	strace $0xD0000000  }
0x3: {  	_ = 	snop  }
0x4: {  	_ = 	snop  }
0x5: {  	_ = 	snop  }
0x6: {  	_ = 	snop  }
0x7: {  	_ = 	snop  }
__scs_overlays_trampoline_lowered:
0x8: {  	[smem:$0x3FA3] =	sst s0  }
0x9: {  	[smem:$0x3FA4] =	sst s1  }
0xa: {  	[smem:$0x3FA5] =	sst s2  }
0xb: {  	[smem:$0x3FA6] =	sst s3  }
0xc: {  	[smem:$0x3FA7] =	sst s4  }
0xd: {  	[smem:$0x3FA8] =	sst s5  }
0xe: {  	[smem:$0x3FA9] =	sst s6  }
0xf: {  	[smem:$0x3FAA] =	sst s7  }
0x10: {  	[smem:$0x3FAB] =	sst s8  }
0x11: {  	[smem:$0x3FAC] =	sst s9;
	s0 =	simm.s32 @!p0 $0x0  }
0x12: {  	s1 =	sld [smem:$0x3F92];
	s0 =	simm.s32 @p0 $0x1  }
0x13: {  	[smem:$0x3FAD] =	sst s0;
	s0 =	simm.s32 @!p1 $0x0  }
0x14: {  	s2 =	sld [smem:$0x3F91];
	s0 =	simm.s32 @p1 $0x1  }
0x15: {  	[smem:$0x3FAE] =	sst s0;
	s0 =	simm.s32 @!p2 $0x0  }
0x16: {  	s3 =	sld [smem:$0x3FDB];
	s0 =	simm.s32 @p2 $0x1  }
0x17: {  	s4 =	simm.s32 $0x1BF5;
	[smem:$0x3FB0] =	sst s0  }
0x18: {  	s0 =	sld [smem:$0x3F93];
	_ =	swait.ge [sflag:s4], $0x0  }
0x19: {  	s7 =	sld [smem:$0x3F94]  }
0x1a: {  	s8 =	sadd.s32 $0xFFFFE003, lr  }
0x1b: {  	s9 =	sadd.s32 $0xFFFFFEF7, lr;
	s5 =	simm.s32 $0xFFFFFFFF;
	p2 =	slt.u32 s8, $0xFFFFF086  }
0x1c: {  	p1 =	slt.u32 s9, $0xF7A;
	s5 =	simm.s32 @!p2 $0x0  }
0x1d: {  	s5 =	simm.s32 @p1 $0x1;
	p0 =	seq.s32 s7, s2  }
0x1e: {  	s7 =	smul.u32 @!p0 $0xF7A, s2;
	p2 =	seq.s32 @!p0 s5, $0x0  }
0x1f: {  	s9 =	smul.u32 $0xF7A, s1;
	s8 =	simm.s32 @!p0 $0x1BF5;
	p2 =	por !p2, p0  }
0x20: {  	[sflag:s8] =	ssyncset.s32 @!p0 $0xFFFFF086;
	s6 =	sadd.s32 @!p0 s3, s7;
	s7 =	simm.s32 @!p0 $0x108  }
0x21: {  	s3 =	sadd.s32 s3, s9;
	s6 =	sadd.s32 @!p0 $0x88, s6;
	s7 =	simm.s32 @p2 $0x1082  }
0x22: {  	[simem:s7], [sflag:s8] =	dma.local @!p0 [hbm:s6], $0xF7A  }
0x23: {  	s9 =	sor.u32 $0xD0000000, s2;
	s6 =	simm.s32 $0x108;
	_ =	swait.ge @!p0 [sflag:s8], $0x0  }
0x24: {  	s3 =	sadd.s32 $0x88, s3;
	s6 =	simm.s32 @!p1 $0x1082;
	[sflag:s4] =	ssyncset.s32 $0xFFFFF086  }
0x25: {  	[simem:s6], [sflag:s4] =	dma.local [hbm:s3], $0xF7A  }
0x26: {  	[smem:$0x3F94] =	sst s1;
	(tag) =	ssettag s2;
	_ =	strace s9  }
0x27: {  	s1 =	sld [smem:$0x3FA4]  }
0x28: {  	s2 =	sld [smem:$0x3FA5]  }
0x29: {  	s4 =	sld [smem:$0x3FA7]  }
0x2a: {  	p0 =	seq.s32 s5, $0x0;
	s5 =	sld [smem:$0x3FA8]  }
0x2b: {  	s6 =	sld [smem:$0x3FA9]  }
0x2c: {  	s7 =	sld [smem:$0x3FAA]  }
0x2d: {  	s3 =	simm.s32 $0x108;
	s8 =	sld [smem:$0x3FAB]  }
0x2e: {  	s3 =	simm.s32 @!p0 $0x1082;
	s9 =	sld [smem:$0x3FAC]  }
0x2f: {  	lr =	sadd.s32 s0, s3;
	s0 =	sld [smem:$0x3FA3]  }
0x30: {  	s3 =	sld [smem:$0x3FA6]  }
0x31: {  	[smem:$0x3FAF] =	sst s10  }
0x32: {  	s10 =	sld [smem:$0x3FAD];
	_ =	sdelay $0x3  }
0x33: {  	p0 =	seq.s32 s10, $0x1;
	s10 =	sld [smem:$0x3FAF];
	_ =	sdelay $0x3  }
0x34: {  	[smem:$0x3FAF] =	sst s10  }
0x35: {  	s10 =	sld [smem:$0x3FAE];
	_ =	sdelay $0x3  }
0x36: {  	p1 =	seq.s32 s10, $0x1;
	s10 =	sld [smem:$0x3FAF];
	_ =	sdelay $0x3  }
0x37: {  	[smem:$0x3FAF] =	sst s10  }
0x38: {  	s10 =	sld [smem:$0x3FB0]  }
0x39: {  	_ = 	snop;
	(pc) =	sbr.ind lr, $3  }
0x3a: {  	_ = 	snop  }
0x3b: {  	_ = 	snop  }
0x3c: {  	p2 =	seq.s32 s10, $0x1;
	s10 =	sld [smem:$0x3FAF]  }
0x3d: {  	_ =	shalt  }
0x3e: {  	_ =	shalt  }
0x3f: {  	_ =	shalt  }
0x40: {  	_ =	shalt  }
0x41: {  	_ =	shalt  }
0x42: {  	_ =	shalt  }
0x43: {  	_ =	shalt  }
0x44: {  	_ =	shalt  }
0x45: {  	_ =	shalt  }
0x46: {  	_ =	shalt  }
0x47: {  	_ =	shalt  }
0x48: {  	_ =	shalt  }
0x49: {  	_ =	shalt  }
0x4a: {  	_ =	shalt  }
0x4b: {  	_ =	shalt  }
0x4c: {  	_ =	shalt  }
0x4d: {  	_ =	shalt  }
0x4e: {  	_ =	shalt  }
0x4f: {  	_ =	shalt  }
0x50: {  	_ =	shalt  }
0x51: {  	_ =	shalt  }
0x52: {  	_ =	shalt  }
0x53: {  	_ =	shalt  }
0x54: {  	_ =	shalt  }
0x55: {  	_ =	shalt  }
0x56: {  	_ =	shalt  }
0x57: {  	_ =	shalt  }
0x58: {  	_ =	shalt  }
0x59: {  	_ =	shalt  }
0x5a: {  	_ =	shalt  }
0x5b: {  	_ =	shalt  }
0x5c: {  	_ =	shalt  }
0x5d: {  	_ =	shalt  }
0x5e: {  	_ =	shalt  }
0x5f: {  	_ =	shalt  }
0x60: {  	_ =	shalt  }
0x61: {  	_ =	shalt  }
0x62: {  	_ =	shalt  }
0x63: {  	_ =	shalt  }
0x64: {  	_ =	shalt  }
0x65: {  	_ =	shalt  }
0x66: {  	_ =	shalt  }
0x67: {  	_ =	shalt  }
0x68: {  	_ =	shalt  }
0x69: {  	_ =	shalt  }
0x6a: {  	_ =	shalt  }
0x6b: {  	_ =	shalt  }
0x6c: {  	_ =	shalt  }
0x6d: {  	_ =	shalt  }
0x6e: {  	_ =	shalt  }
0x6f: {  	_ =	shalt  }
0x70: {  	_ =	shalt  }
0x71: {  	_ =	shalt  }
0x72: {  	_ =	shalt  }
0x73: {  	_ =	shalt  }
0x74: {  	_ =	shalt  }
0x75: {  	_ =	shalt  }
0x76: {  	_ =	shalt  }
0x77: {  	_ =	shalt  }
0x78: {  	_ =	shalt  }
0x79: {  	_ =	shalt  }
0x7a: {  	_ =	shalt  }
0x7b: {  	_ =	shalt  }
0x7c: {  	_ =	shalt  }
0x7d: {  	_ =	shalt  }
0x7e: {  	_ =	shalt  }
0x7f: {  	_ =	shalt  }
0x80: {  	_ =	shalt  }
0x81: {  	_ =	shalt  }
0x82: {  	_ =	shalt  }
0x83: {  	_ =	shalt  }
0x84: {  	_ =	shalt  }
0x85: {  	_ =	shalt  }
0x86: {  	_ =	shalt  }
0x87: {  	_ =	shalt  }
.Lfunc_end0:
.L_simem_size_0:
called_computation.3_lowered:
.L_overlay_start_0:
0x88: {  	s2 =	sld [smem:$0x3FD9]  }
0x89: {  	s3 =	sld [smem:$0x3FFE];
	_ =	sdelay $0x1  }
0x8a: {  	s1 =	srdreg.scid  }
0x8b: {  	s0 =	sand.u32 $0x1, s1  }
0x8c: {  	s17 =	sshll.u32 s0, $0xA;
	s2 =	sadd.s32 s3, s2  }
0x8d: {  	s2 =	sadd.s32 s2, s17  }
0x8e: {  	[smem:$0x3FBB] =	sst s2  }
0x8f: {  	_ = 	snop  }
0x90: {  	(tm) =	ssettm $0x1  }
0x91: {  	s18 =	sld [smem:$0x3FFB];
	_ =	sdelay $0x3  }
0x92: {  	_ =	strace s18  }
0x93: {  	s2 =	sld [smem:$0x3FFC];
	_ =	sdelay $0x3  }
0x94: {  	_ =	strace s2  }
0x95: {  	s2 =	sld [smem:$0x3FFD];
	_ =	sdelay $0x3  }
0x96: {  	_ =	strace s2  }
0x97: {  	_ =	strace $0x8FFFFFFF  }
0x98: {  	s19 =	sld [smem:$0x3FDB];
	_ =	sdelay $0x1  }
0x99: {  	s20 =	simm.s32 $_scs_section_size  }
0x9a: {  	s4 =	simm.s32 $_size__tile_overlayer_lowered;
	s5 =	simm.s32 $_tile_overlayer_lowered  }
0x9b: {  	s6 =	simm.s32 $0x1BFF;
	s21 =	sshll.u32 s5, $0x1;
	s3 =	sadd.s32 s20, s19  }
0x9c: {  	s22 =	simm.s32 $0x0;
	s4 =	sshll.u32 s4, $0x1;
	s5 =	sadd.s32 s21, s3  }
0x9d: {  	[timem:s22], [sflag:s6] =	dma.local [hbm:s5], s4  }
0x9e: {  	_ =	swait.ge [sflag:s6], s4  }
0x9f: {  	s4 =	ssub.s32 $0x0, s4;
	[sflag:s6] =	ssyncset.done $0x0  }
0xa0: {  	[sflag:s6] =	ssyncadd.s32 s4;
	_ =	sdelay $0x1  }
0xa1: {  	s23 =	simm.s32 $0x1B8B  }
0xa2: {  	_ =	swait.ge [sflag:s23], $0x1  }
0xa3: {  	[sflag:s23] =	ssyncset.done $0x0  }
0xa4: {  	[sflag:s23] =	ssyncadd.s32 $0xFFFFFFFF  }
0xa5: {  	s4 =	sld [smem:$0x0]  }
0xa6: {  	s5 =	sand.u32 $0xFFFFFFFE, s1  }
0xa7: {  	p0 =	sne.s32 s1, s5  }
0xa8: {  	s5 =	sshll.u32 @p0 s5, $0xE  }
0xa9: {  	s5 =	sadd.s32 @p0 $0x11B8D, s5;
	s6 =	sshll.u32 @p0 s4, $0x11  }
0xaa: {  	s5 =	sor.u32 @p0 s6, s5  }
0xab: {  	[sflag:s5] =	ssyncadd.remote.s32 @p0 $0x1;
	_ =	sdelay $0x1  }
0xac: {  	s5 =	simm.s32 @p0 $0x1B8D  }
0xad: {  	_ =	swait.eq @p0 [sflag:s5], $0x1  }
0xae: {  	[sflag:s5] =	ssyncadd.s32 @p0 $0xFFFFFFFF  }
0xaf: {  	s6 =	sshll.u32 @!p0 s1, $0xE  }
0xb0: {  	s6 =	sor.u32 @!p0 $0x4000, s6;
	s5 =	simm.s32 @!p0 $0x1B8D  }
0xb1: {  	s4 =	sshll.u32 @!p0 s4, $0x11;
	s6 =	sadd.s32 @!p0 $0x11B8D, s6;
	_ =	swait.eq @!p0 [sflag:s5], $0x1  }
0xb2: {  	s4 =	sor.u32 @!p0 s4, s6;
	[sflag:s5] =	ssyncadd.s32 @!p0 $0xFFFFFFFF  }
0xb3: {  	s25 =	simm.s32 $0x1B8E;
	s24 =	sld [smem:$0x3FFE];
	[sflag:s4] =	ssyncadd.remote.s32 @!p0 $0x1  }
0xb4: {  	s26 =	simm.s32 $execute0_lowered;
	[smem:$0x3FD2] =	sst s25  }
0xb5: {  	s5 =	sshll.u32 s26, $0x1;
	_ =	strace $0x8000004C;
	[dreg:$0x1] =	wrdreg $0xFFFFFFFF  }
0xb6: {  	s28 =	simm.s32 $_size_execute0_lowered;
	s3 =	sadd.s32 s3, s5;
	[dreg:$0x0] =	wrdreg $0x0  }
0xb7: {  	s5 =	sshll.u32 s28, $0x1;
	[dreg:$0x2] =	wrdreg s3  }
0xb8: {  	[dreg:$0x3] =	wrdreg s5  }
0xb9: {  	[dreg:$0x4] =	wrdreg $0xC0  }
0xba: {  	_ =	task [dreg:s22], $0x5FFFF  }
0xbb: {  	[dreg:$0x1] =	wrdreg $0xFFFFFFFF  }
0xbc: {  	[dreg:$0x0] =	wrdreg $0x60  }
0xbd: {  	[dreg:$0x2] =	wrdreg s24  }
0xbe: {  	[dreg:$0x3] =	wrdreg $0x65000  }
0xbf: {  	[dreg:$0x4] =	wrdreg $0xA  }
0xc0: {  	_ =	task.clear_ibuf [dreg:s22], $0x5FFFF;
	_ =	strace $0x9000004C  }
0xc1: {  	s29 =	simm.s32 $0xA;
	_ =	strace $0x8000004E  }
0xc2: {  	_ =	swait.ge [sflag:s29], $0x1  }
0xc3: {  	[sflag:s29] =	ssyncadd.s32 $0xFFFFFFFF  }
0xc4: {  	_ =	strace $0x9000004E  }
0xc5: {  	_ =	sfence  }
0xc6: {  	s30 =	sld [smem:$0x0];
	_ =	sdelay $0x2  }
0xc7: {  	s31 =	sshll.u32 s1, $0xD;
	s1 =	sshrl.u32 s1, $0x2  }
0xc8: {  	s4 =	sand.u32 $0x4000, s31;
	s1 =	sadd.s32 s1, s30  }
0xc9: {  	s0 =	sor.u32 s4, s0;
	s1 =	sshll.u32 s1, $0x11  }
0xca: {  	s0 =	sor.u32 s1, s0  }
0xcb: {  	s0 =	sadd.s32 $0x8F2B, s0  }
0xcc: {  	[sflag:s0] =	ssyncadd.remote.s32 $0x1  }
0xcd: {  	_ =	sfence.sel $0xFFFF  }
0xce: {  	[dreg:$0x0] =	wrdreg $0xFFFFFFFF;
	(pc) =	sbr.abs _section_cstart, $3  }
0xcf: {  	[dreg:$0x1] =	wrdreg $0xFFFFFFFF  }
0xd0: {  	_ =	task.clear_ibuf [dreg:s22], $0x2FFFF;
	_ =	strace $0x9FFFFFFF  }
0xd1: {  	(tm) =	ssettm $0x7FFFFFFF  }
tec
execute0_lowered:
.L_overlay_start_1:
0x0: {  	(tag) =	ssettag $0x1  }
0x1: {  	s1 =	stileid.u32  }
0x2: {  	s4 =	rddreg [dreg:$0x0];
	s6 =	smul.u32 $0x1388, s1  }
0x3: {  	s0 =	srdreg.scid;
	s11 =	smul.u32 $0x280, s1  }
0x4: {  	s2 =	rddreg [dreg:$0x1];
	s3 =	simm.s32 $0x0;
	s14 =	smul.u32 $0x50000, s1  }
0x5: {  	s8 =	sand.u32 $0x1, s0;
	s0 =	rddreg [dreg:$0x2];
	s9 =	smul.u32 $0x2800, s1  }
0x6: {  	[smem:$0x7FF] =	sst s3;
	s31 =	smul.u32 $0x13880, s1  }
0x7: {  	s10 =	sadd.s32 $0x12200, s4;
	s15 =	sadd.s32 $0x3A200, s4;
	s5 =	smul.u32 $0x13880, s8  }
0x8: {  	s7 =	smul.u32 $0x138800, s8;
	_ =	strace $0x8000004D;
	s13 =	ssub.s32 $0x2, s8  }
0x9: {  	s19 =	sshrl.u32 s13, $0x1;
	s20 =	sshrl.u32 s14, $0x2;
	s12 =	sadd.s32 $0xA0, s11  }
0xa: {  	s5 =	sadd.s32 s6, s5;
	s17 =	sadd.s32 s7, s4;
	s16 =	ssub.s32 s13, s19  }
0xb: {  	s21 =	sshll.u32 s12, $0x4;
	s22 =	sshll.u32 s12, $0x7;
	s13 =	sadd.s32 $0x140, s11  }
0xc: {  	s19 =	sadd.s32 $0x1E0, s11;
	s5 =	sshrl.u32 s5, $0x3;
	s6 =	sadd.s32 s10, s21  }
0xd: {  	s7 =	sadd.s32 s22, s2;
	s23 =	sshll.u32 s13, $0x4;
	s14 =	sshll.u32 s13, $0x7  }
0xe: {  	s24 =	sshll.u32 s19, $0x4;
	s25 =	sshll.u32 s19, $0x7;
	s16 =	smax.u32 s16, $0x1  }
0xf: {  	s17 =	sadd.s32 s31, s17;
	s22 =	simm.s32 $0x0;
	s18 =	sadd.s32 s5, s4  }
0x10: {  	s4 =	sadd.s32 s10, s9;
	s5 =	sadd.s32 s20, s2;
	s20 =	smul.u32 $0x2800, s8  }
0x11: {  	s8 =	sadd.s32 s10, s23;
	s9 =	sadd.s32 s14, s2;
	s10 =	sadd.s32 s10, s24  }
0x12: {  	s17 =	sadd.s32 $0x76F200, s17;
	s18 =	sadd.s32 $0x3400, s18;
	s21 =	sadd.s32 s11, s20  }
0x13: {  	s11 =	sadd.s32 s25, s2;
	s28 =	sadd.s32 s20, s12;
	s13 =	sadd.s32 s20, s13  }
0x14: {  	s19 =	sadd.s32 s20, s19;
	s20 =	simm.s32 $0x1;
	s26 =	sshll.u32 s21, $0x4  }
0x15: {  	s29 =	sshll.u32 s28, $0x4;
	s30 =	sshll.u32 s13, $0x4;
	s19 =	sshll.u32 s19, $0x4  }
0x16: {  	s21 =	simm.s32 $0xC8;
	s12 =	sadd.s32 s15, s26;
	s13 =	sadd.s32 s15, s29  }
0x17: {  	s14 =	sadd.s32 s15, s30;
	s15 =	sadd.s32 s15, s19;
	s19 =	simm.s32 $0x100  }
.LBB2_1:
0x18: {  	[tilespmem:s19], [sflag:$0x1] =	stream.linear.gather [hbm4b:s4+s3], $0x5000, $0x38;
	[tilespmem:$0x1A500] =	vst v63  }
0x19: {  	_ =	swait.ge [sflag:s20], $0x5000  }
0x1a: {  	[sflag:s20] =	ssyncset.done $0x0  }
0x1b: {  	[sflag:s20] =	ssyncadd.s32 $0xFFFFB000  }
0x1c: {  	[spmem:s5] =	stream.linear.scatter [tilespmem:s19], [sflag:$0x1], $0x5000, $0x38;
	[tilespmem:$0x1A500] =	vst v63  }
0x1d: {  	_ =	swait.ge [sflag:s20], $0x5000  }
0x1e: {  	[sflag:s20] =	ssyncset.done $0x0  }
0x1f: {  	[sflag:s20] =	ssyncadd.s32 $0xFFFFB000  }
0x20: {  	[tilespmem:s19], [sflag:$0x1] =	stream.linear.gather [hbm4b:s6+s3], $0x5000, $0x38;
	[tilespmem:$0x1A500] =	vst v63  }
0x21: {  	_ =	swait.ge [sflag:s20], $0x5000  }
0x22: {  	[sflag:s20] =	ssyncset.done $0x0  }
0x23: {  	[sflag:s20] =	ssyncadd.s32 $0xFFFFB000  }
0x24: {  	[spmem:s7] =	stream.linear.scatter [tilespmem:s19], [sflag:$0x1], $0x5000, $0x38;
	[tilespmem:$0x1A500] =	vst v63  }
0x25: {  	_ =	swait.ge [sflag:s20], $0x5000  }
0x26: {  	[sflag:s20] =	ssyncset.done $0x0  }
0x27: {  	[sflag:s20] =	ssyncadd.s32 $0xFFFFB000  }
0x28: {  	[tilespmem:s19], [sflag:$0x1] =	stream.linear.gather [hbm4b:s8+s3], $0x5000, $0x38;
	[tilespmem:$0x1A500] =	vst v63  }
0x29: {  	_ =	swait.ge [sflag:s20], $0x5000  }
0x2a: {  	[sflag:s20] =	ssyncset.done $0x0  }
0x2b: {  	[sflag:s20] =	ssyncadd.s32 $0xFFFFB000  }
0x2c: {  	[spmem:s9] =	stream.linear.scatter [tilespmem:s19], [sflag:$0x1], $0x5000, $0x38;
	[tilespmem:$0x1A500] =	vst v63  }
0x2d: {  	_ =	swait.ge [sflag:s20], $0x5000  }
0x2e: {  	[sflag:s20] =	ssyncset.done $0x0  }
0x2f: {  	[sflag:s20] =	ssyncadd.s32 $0xFFFFB000  }
0x30: {  	[tilespmem:s19], [sflag:$0x1] =	stream.linear.gather [hbm4b:s10+s3], $0x5000, $0x38;
	[tilespmem:$0x1A500] =	vst v63  }
0x31: {  	_ =	swait.ge [sflag:s20], $0x5000  }
0x32: {  	[sflag:s20] =	ssyncset.done $0x0  }
0x33: {  	[sflag:s20] =	ssyncadd.s32 $0xFFFFB000  }
0x34: {  	[spmem:s11] =	stream.linear.scatter [tilespmem:s19], [sflag:$0x1], $0x5000, $0x38;
	[tilespmem:$0x1A500] =	vst v63  }
0x35: {  	_ =	swait.ge [sflag:s20], $0x5000  }
0x36: {  	[sflag:s20] =	ssyncset.done $0x0  }
0x37: {  	[sflag:s20] =	ssyncadd.s32 $0xFFFFB000  }
0x38: {  	s23 =	sadd.s32 $0x0, s18;
	[bflag:$0x0] =	sbarrier.arrive $0xFFFF  }
0x39: {  	[tilespmem:s3], [sflag:$0x1] =	stream.linear.gather [hbm4b:s23+s3], $0xC8, $0x38;
	[tilespmem:$0x1A500] =	vst v63  }
0x3a: {  	_ =	swait.ge [sflag:s20], $0xC8  }
0x3b: {  	[sflag:s20] =	ssyncset.done $0x0  }
0x3c: {  	[sflag:s20] =	ssyncadd.s32 $0xFFFFFF38  }
0x3d: {  	[tilespmem:s19], [sflag:$0x1] =	stream.linear.gather [hbm4b:s17+s3], $0x6400, $0x38;
	[tilespmem:$0x1A500] =	vst v63  }
0x3e: {  	_ =	swait.ge [sflag:s20], $0x6400  }
0x3f: {  	[sflag:s20] =	ssyncset.done $0x0  }
0x40: {  	[sflag:s20] =	ssyncadd.s32 $0xFFFF9C00  }
0x41: {  	[spmem:s2] =	stream.indirect.scatter.add.f32 [tilespmem:s19], [sflag:$0x1], $0x80, s3, s21, $0xb8;
	[tilespmem:$0x1A500] =	vst v63  }
0x42: {  	s24 =	simm.s32 $0x19;
	_ =	swait.ge [sflag:s20], $0x6400  }
0x43: {  	s25 =	simm.s32 $0x32;
	s23 =	sadd.s32 $0xC80, s17;
	[sflag:s20] =	ssyncset.done $0x0  }
.LBB2_2:
0x44: {  	s26 =	sadd.s32 s24, s18  }
0x45: {  	[sflag:s20] =	ssyncadd.s32 $0xFFFF9C00;
	s24 =	smov.u32 s25;
	s28 =	sadd.s32 $0x19, s25  }
0x46: {  	[tilespmem:s3], [sflag:$0x1] =	stream.linear.gather [hbm4b:s26+s3], $0xC8, $0x38;
	[tilespmem:$0x1A500] =	vst v63  }
0x47: {  	p0 =	sne.s32 s25, $0x258;
	_ =	swait.ge [sflag:s20], $0xC8  }
0x48: {  	[sflag:s20] =	ssyncset.done $0x0  }
0x49: {  	[sflag:s20] =	ssyncadd.s32 $0xFFFFFF38  }
0x4a: {  	[tilespmem:s19], [sflag:$0x1] =	stream.linear.gather [hbm4b:s23+s3], $0x6400, $0x38;
	[tilespmem:$0x1A500] =	vst v63  }
0x4b: {  	_ =	swait.ge [sflag:s20], $0x6400  }
.Ltmp0:
0x4c: {  	[sflag:s20] =	ssyncset.done $0x0;
	(pc) =	sbr.rel @p0 .LBB2_2-.Ltmp0, $4  }
0x4d: {  	[sflag:s20] =	ssyncadd.s32 $0xFFFF9C00  }
0x4e: {  	[spmem:s2] =	stream.indirect.scatter.add.f32 [tilespmem:s19], [sflag:$0x1], $0x80, s3, s21, $0xb8;
	[tilespmem:$0x1A500] =	vst v63  }
0x4f: {  	_ =	swait.ge [sflag:s20], $0x6400  }
0x50: {  	s25 =	smov.u32 s28;
	s23 =	sadd.s32 $0xC80, s23;
	[sflag:s20] =	ssyncset.done $0x0  }
0x51: {  	s24 =	sadd.s32 s24, s18;
	[sflag:s20] =	ssyncadd.s32 $0xFFFF9C00  }
0x52: {  	[tilespmem:s3], [sflag:$0x1] =	stream.linear.gather [hbm4b:s24+s3], $0xC8, $0x38;
	[tilespmem:$0x1A500] =	vst v63  }
0x53: {  	_ =	swait.ge [sflag:s20], $0xC8  }
0x54: {  	[sflag:s20] =	ssyncset.done $0x0  }
0x55: {  	[sflag:s20] =	ssyncadd.s32 $0xFFFFFF38  }
0x56: {  	[tilespmem:s19], [sflag:$0x1] =	stream.linear.gather [hbm4b:s23+s3], $0x6400, $0x38;
	[tilespmem:$0x1A500] =	vst v63  }
0x57: {  	_ =	swait.ge [sflag:s20], $0x6400  }
0x58: {  	[sflag:s20] =	ssyncset.done $0x0  }
0x59: {  	[sflag:s20] =	ssyncadd.s32 $0xFFFF9C00  }
0x5a: {  	[spmem:s2] =	stream.indirect.scatter.add.f32 [tilespmem:s19], [sflag:$0x1], $0x80, s3, s21, $0xb8;
	[tilespmem:$0x1A500] =	vst v63  }
0x5b: {  	_ =	swait.ge [sflag:s20], $0x6400  }
0x5c: {  	[sflag:s20] =	ssyncset.done $0x0  }
0x5d: {  	[sflag:s20] =	ssyncadd.s32 $0xFFFF9C00  }
0x5e: {  	[bflag:$0x0] =	sbarrier.arrive $0xFFFF  }
0x5f: {  	[tilespmem:s19], [sflag:$0x1] =	stream.linear.gather [spmem:s5], $0x5000, $0x38;
	[tilespmem:$0x1A500] =	vst v63  }
0x60: {  	_ =	swait.ge [sflag:s20], $0x5000  }
0x61: {  	[sflag:s20] =	ssyncset.done $0x0  }
0x62: {  	[sflag:s20] =	ssyncadd.s32 $0xFFFFB000  }
0x63: {  	[hbm4b:s12+s3] =	stream.linear.scatter [tilespmem:s19], [sflag:$0x1], $0x5000, $0x38;
	[tilespmem:$0x1A500] =	vst v63  }
0x64: {  	_ =	swait.ge [sflag:s20], $0x5000  }
0x65: {  	[sflag:s20] =	ssyncset.done $0x0  }
0x66: {  	[sflag:s20] =	ssyncadd.s32 $0xFFFFB000  }
0x67: {  	[tilespmem:s19], [sflag:$0x1] =	stream.linear.gather [spmem:s7], $0x5000, $0x38;
	[tilespmem:$0x1A500] =	vst v63  }
0x68: {  	_ =	swait.ge [sflag:s20], $0x5000  }
0x69: {  	[sflag:s20] =	ssyncset.done $0x0  }
0x6a: {  	[sflag:s20] =	ssyncadd.s32 $0xFFFFB000  }
0x6b: {  	[hbm4b:s13+s3] =	stream.linear.scatter [tilespmem:s19], [sflag:$0x1], $0x5000, $0x38;
	[tilespmem:$0x1A500] =	vst v63  }
0x6c: {  	_ =	swait.ge [sflag:s20], $0x5000  }
0x6d: {  	[sflag:s20] =	ssyncset.done $0x0  }
0x6e: {  	[sflag:s20] =	ssyncadd.s32 $0xFFFFB000  }
0x6f: {  	[tilespmem:s19], [sflag:$0x1] =	stream.linear.gather [spmem:s9], $0x5000, $0x38;
	[tilespmem:$0x1A500] =	vst v63  }
0x70: {  	_ =	swait.ge [sflag:s20], $0x5000  }
0x71: {  	[sflag:s20] =	ssyncset.done $0x0  }
0x72: {  	[sflag:s20] =	ssyncadd.s32 $0xFFFFB000  }
0x73: {  	[hbm4b:s14+s3] =	stream.linear.scatter [tilespmem:s19], [sflag:$0x1], $0x5000, $0x38;
	[tilespmem:$0x1A500] =	vst v63  }
0x74: {  	_ =	swait.ge [sflag:s20], $0x5000  }
0x75: {  	[sflag:s20] =	ssyncset.done $0x0  }
0x76: {  	[sflag:s20] =	ssyncadd.s32 $0xFFFFB000  }
0x77: {  	[tilespmem:s19], [sflag:$0x1] =	stream.linear.gather [spmem:s11], $0x5000, $0x38;
	[tilespmem:$0x1A500] =	vst v63  }
0x78: {  	s22 =	sadd.s32 $0x1, s22;
	_ =	swait.ge [sflag:s20], $0x5000  }
0x79: {  	p0 =	sne.s32 s22, s16;
	[sflag:s20] =	ssyncset.done $0x0  }
.Ltmp1:
0x7a: {  	[sflag:s20] =	ssyncadd.s32 $0xFFFFB000;
	(pc) =	sbr.rel @p0 .LBB2_1-.Ltmp1, $4  }
0x7b: {  	[hbm4b:s15+s3] =	stream.linear.scatter [tilespmem:s19], [sflag:$0x1], $0x5000, $0x38;
	[tilespmem:$0x1A500] =	vst v63  }
0x7c: {  	_ =	swait.ge [sflag:s20], $0x5000  }
0x7d: {  	[sflag:s20] =	ssyncset.done $0x0  }
0x7e: {  	[sflag:s20] =	ssyncadd.s32 $0xFFFFB000  }
0x7f: {  	_ =	sfence.sel $0x180000  }
0x80: {  	[bflag:$0x0] =	sbarrier.arrive $0xFFFF  }
0x81: {  	p0 =	sne.s32 s1, $0x0;
	_ =	strace $0x9000004D  }
0x82: {  	s0 =	sadd.s32 @!p0 $0x100000, s0;
	[bflag:$0x2] =	sbarrier.arrive $0xFFFF  }
0x83: {  	[sflag:s0] =	ssyncadd.tile.s32 @!p0 $0x1;
	_ =	shalt  }
.Lfunc_end2:
_tile_overlayer_lowered:
.L_overlay_start_2:
0x84: {  	(tag) =	ssettag $0x2  }
0x85: {  	s0 =	rddreg [dreg:$0x0];
	s2 =	stileid.u32  }
0x86: {  	s1 =	rddreg [dreg:$0x1];
	p0 =	sne.s32 s2, $0x0  }
0x87: {  	s3 =	rddreg [dreg:$0x2];
	[bflag:$0x3] =	sbarrier.arrive $0xFFFF;
	s2 =	simm.s32 @!p0 $0x1C01  }
0x88: {  	[timem:s3], [sflag:s2] =	dma.local @!p0 [hbm:s0], s1  }
0x89: {  	s0 =	simm.s32 @!p0 $0x1  }
0x8a: {  	_ =	swait.ge @!p0 [sflag:s0], s1  }
0x8b: {  	s1 =	ssub.s32 @!p0 $0x0, s1;
	[sflag:s0] =	ssyncset.done @!p0 $0x0  }
0x8c: {  	[sflag:s0] =	ssyncadd.s32 @!p0 s1  }
0x8d: {  	[bflag:$0x3] =	sbarrier.arrive $0xFFFF  }
0x8e: {  	_ =	shalt  }

// kernel: kernel.25.cloned.1.call-start
scs
__scs_entry_jumppad:
0x0: {  	(pc) =	sbr.rel $0x88, $3  }
0x1: {  	(tag) =	ssettag $0x0;
	lr =	simm.s32 $0x1  }
0x2: {  	[smem:$0x3F94] =	sst lr;
	_ =	strace $0xD0000000  }
0x3: {  	_ = 	snop  }
0x4: {  	_ = 	snop  }
0x5: {  	_ = 	snop  }
0x6: {  	_ = 	snop  }
0x7: {  	_ = 	snop  }
__scs_overlays_trampoline_lowered:
0x8: {  	[smem:$0x3FA3] =	sst s0  }
0x9: {  	[smem:$0x3FA4] =	sst s1  }
0xa: {  	[smem:$0x3FA5] =	sst s2  }
0xb: {  	[smem:$0x3FA6] =	sst s3  }
0xc: {  	[smem:$0x3FA7] =	sst s4  }
0xd: {  	[smem:$0x3FA8] =	sst s5  }
0xe: {  	[smem:$0x3FA9] =	sst s6  }
0xf: {  	[smem:$0x3FAA] =	sst s7  }
0x10: {  	[smem:$0x3FAB] =	sst s8  }
0x11: {  	[smem:$0x3FAC] =	sst s9;
	s0 =	simm.s32 @!p0 $0x0  }
0x12: {  	s1 =	sld [smem:$0x3F92];
	s0 =	simm.s32 @p0 $0x1  }
0x13: {  	[smem:$0x3FAD] =	sst s0;
	s0 =	simm.s32 @!p1 $0x0  }
0x14: {  	s2 =	sld [smem:$0x3F91];
	s0 =	simm.s32 @p1 $0x1  }
0x15: {  	[smem:$0x3FAE] =	sst s0;
	s0 =	simm.s32 @!p2 $0x0  }
0x16: {  	s3 =	sld [smem:$0x3FDB];
	s0 =	simm.s32 @p2 $0x1  }
0x17: {  	s4 =	simm.s32 $0x1BF5;
	[smem:$0x3FB0] =	sst s0  }
0x18: {  	s0 =	sld [smem:$0x3F93];
	_ =	swait.ge [sflag:s4], $0x0  }
0x19: {  	s7 =	sld [smem:$0x3F94]  }
0x1a: {  	s8 =	sadd.s32 $0xFFFFE003, lr  }
0x1b: {  	s9 =	sadd.s32 $0xFFFFFEF7, lr;
	s5 =	simm.s32 $0xFFFFFFFF;
	p2 =	slt.u32 s8, $0xFFFFF086  }
0x1c: {  	p1 =	slt.u32 s9, $0xF7A;
	s5 =	simm.s32 @!p2 $0x0  }
0x1d: {  	s5 =	simm.s32 @p1 $0x1;
	p0 =	seq.s32 s7, s2  }
0x1e: {  	s7 =	smul.u32 @!p0 $0xF7A, s2;
	p2 =	seq.s32 @!p0 s5, $0x0  }
0x1f: {  	s9 =	smul.u32 $0xF7A, s1;
	s8 =	simm.s32 @!p0 $0x1BF5;
	p2 =	por !p2, p0  }
0x20: {  	[sflag:s8] =	ssyncset.s32 @!p0 $0xFFFFF086;
	s6 =	sadd.s32 @!p0 s3, s7;
	s7 =	simm.s32 @!p0 $0x108  }
0x21: {  	s3 =	sadd.s32 s3, s9;
	s6 =	sadd.s32 @!p0 $0x88, s6;
	s7 =	simm.s32 @p2 $0x1082  }
0x22: {  	[simem:s7], [sflag:s8] =	dma.local @!p0 [hbm:s6], $0xF7A  }
0x23: {  	s9 =	sor.u32 $0xD0000000, s2;
	s6 =	simm.s32 $0x108;
	_ =	swait.ge @!p0 [sflag:s8], $0x0  }
0x24: {  	s3 =	sadd.s32 $0x88, s3;
	s6 =	simm.s32 @!p1 $0x1082;
	[sflag:s4] =	ssyncset.s32 $0xFFFFF086  }
0x25: {  	[simem:s6], [sflag:s4] =	dma.local [hbm:s3], $0xF7A  }
0x26: {  	[smem:$0x3F94] =	sst s1;
	(tag) =	ssettag s2;
	_ =	strace s9  }
0x27: {  	s1 =	sld [smem:$0x3FA4]  }
0x28: {  	s2 =	sld [smem:$0x3FA5]  }
0x29: {  	s4 =	sld [smem:$0x3FA7]  }
0x2a: {  	p0 =	seq.s32 s5, $0x0;
	s5 =	sld [smem:$0x3FA8]  }
0x2b: {  	s6 =	sld [smem:$0x3FA9]  }
0x2c: {  	s7 =	sld [smem:$0x3FAA]  }
0x2d: {  	s3 =	simm.s32 $0x108;
	s8 =	sld [smem:$0x3FAB]  }
0x2e: {  	s3 =	simm.s32 @!p0 $0x1082;
	s9 =	sld [smem:$0x3FAC]  }
0x2f: {  	lr =	sadd.s32 s0, s3;
	s0 =	sld [smem:$0x3FA3]  }
0x30: {  	s3 =	sld [smem:$0x3FA6]  }
0x31: {  	[smem:$0x3FAF] =	sst s10  }
0x32: {  	s10 =	sld [smem:$0x3FAD];
	_ =	sdelay $0x3  }
0x33: {  	p0 =	seq.s32 s10, $0x1;
	s10 =	sld [smem:$0x3FAF];
	_ =	sdelay $0x3  }
0x34: {  	[smem:$0x3FAF] =	sst s10  }
0x35: {  	s10 =	sld [smem:$0x3FAE];
	_ =	sdelay $0x3  }
0x36: {  	p1 =	seq.s32 s10, $0x1;
	s10 =	sld [smem:$0x3FAF];
	_ =	sdelay $0x3  }
0x37: {  	[smem:$0x3FAF] =	sst s10  }
0x38: {  	s10 =	sld [smem:$0x3FB0]  }
0x39: {  	_ = 	snop;
	(pc) =	sbr.ind lr, $3  }
0x3a: {  	_ = 	snop  }
0x3b: {  	_ = 	snop  }
0x3c: {  	p2 =	seq.s32 s10, $0x1;
	s10 =	sld [smem:$0x3FAF]  }
0x3d: {  	_ =	shalt  }
0x3e: {  	_ =	shalt  }
0x3f: {  	_ =	shalt  }
0x40: {  	_ =	shalt  }
0x41: {  	_ =	shalt  }
0x42: {  	_ =	shalt  }
0x43: {  	_ =	shalt  }
0x44: {  	_ =	shalt  }
0x45: {  	_ =	shalt  }
0x46: {  	_ =	shalt  }
0x47: {  	_ =	shalt  }
0x48: {  	_ =	shalt  }
0x49: {  	_ =	shalt  }
0x4a: {  	_ =	shalt  }
0x4b: {  	_ =	shalt  }
0x4c: {  	_ =	shalt  }
0x4d: {  	_ =	shalt  }
0x4e: {  	_ =	shalt  }
0x4f: {  	_ =	shalt  }
0x50: {  	_ =	shalt  }
0x51: {  	_ =	shalt  }
0x52: {  	_ =	shalt  }
0x53: {  	_ =	shalt  }
0x54: {  	_ =	shalt  }
0x55: {  	_ =	shalt  }
0x56: {  	_ =	shalt  }
0x57: {  	_ =	shalt  }
0x58: {  	_ =	shalt  }
0x59: {  	_ =	shalt  }
0x5a: {  	_ =	shalt  }
0x5b: {  	_ =	shalt  }
0x5c: {  	_ =	shalt  }
0x5d: {  	_ =	shalt  }
0x5e: {  	_ =	shalt  }
0x5f: {  	_ =	shalt  }
0x60: {  	_ =	shalt  }
0x61: {  	_ =	shalt  }
0x62: {  	_ =	shalt  }
0x63: {  	_ =	shalt  }
0x64: {  	_ =	shalt  }
0x65: {  	_ =	shalt  }
0x66: {  	_ =	shalt  }
0x67: {  	_ =	shalt  }
0x68: {  	_ =	shalt  }
0x69: {  	_ =	shalt  }
0x6a: {  	_ =	shalt  }
0x6b: {  	_ =	shalt  }
0x6c: {  	_ =	shalt  }
0x6d: {  	_ =	shalt  }
0x6e: {  	_ =	shalt  }
0x6f: {  	_ =	shalt  }
0x70: {  	_ =	shalt  }
0x71: {  	_ =	shalt  }
0x72: {  	_ =	shalt  }
0x73: {  	_ =	shalt  }
0x74: {  	_ =	shalt  }
0x75: {  	_ =	shalt  }
0x76: {  	_ =	shalt  }
0x77: {  	_ =	shalt  }
0x78: {  	_ =	shalt  }
0x79: {  	_ =	shalt  }
0x7a: {  	_ =	shalt  }
0x7b: {  	_ =	shalt  }
0x7c: {  	_ =	shalt  }
0x7d: {  	_ =	shalt  }
0x7e: {  	_ =	shalt  }
0x7f: {  	_ =	shalt  }
0x80: {  	_ =	shalt  }
0x81: {  	_ =	shalt  }
0x82: {  	_ =	shalt  }
0x83: {  	_ =	shalt  }
0x84: {  	_ =	shalt  }
0x85: {  	_ =	shalt  }
0x86: {  	_ =	shalt  }
0x87: {  	_ =	shalt  }
.Lfunc_end0:
.L_simem_size_0:
called_computation.4_lowered:
.L_overlay_start_0:
0x88: {  	s2 =	sld [smem:$0x3FD9]  }
0x89: {  	s3 =	sld [smem:$0x3FFE];
	_ =	sdelay $0x1  }
0x8a: {  	s1 =	srdreg.scid  }
0x8b: {  	s0 =	sand.u32 $0x1, s1  }
0x8c: {  	s17 =	sshll.u32 s0, $0xA;
	s2 =	sadd.s32 s3, s2  }
0x8d: {  	s2 =	sadd.s32 s2, s17  }
0x8e: {  	[smem:$0x3FBB] =	sst s2  }
0x8f: {  	_ = 	snop  }
0x90: {  	s2 =	sld [smem:$0x3FD0];
	(tm) =	ssettm $0x1  }
0x91: {  	s18 =	sld [smem:$0x3FFB];
	_ =	sdelay $0x3  }
0x92: {  	_ =	strace s18  }
0x93: {  	s3 =	sld [smem:$0x3FFC];
	_ =	sdelay $0x3  }
0x94: {  	_ =	strace s3  }
0x95: {  	s3 =	sld [smem:$0x3FFD];
	_ =	sdelay $0x3  }
0x96: {  	_ =	strace s3  }
0x97: {  	_ =	strace $0x8FFFFFFF  }
0x98: {  	s19 =	sld [smem:$0x3FDB];
	_ =	sdelay $0x1  }
0x99: {  	s4 =	simm.s32 $_scs_section_size  }
0x9a: {  	s5 =	simm.s32 $_size__tile_overlayer_lowered;
	s6 =	simm.s32 $_tile_overlayer_lowered  }
0x9b: {  	s22 =	simm.s32 $0x1BFF;
	s21 =	sshll.u32 s6, $0x1;
	s3 =	sadd.s32 s4, s19  }
0x9c: {  	s7 =	simm.s32 $0x0;
	s20 =	sshll.u32 s5, $0x1;
	s5 =	sadd.s32 s21, s3  }
0x9d: {  	[timem:s7], [sflag:s22] =	dma.local [hbm:s5], s20  }
0x9e: {  	_ =	swait.ge [sflag:s22], s20  }
0x9f: {  	s4 =	ssub.s32 $0x0, s20;
	[sflag:s22] =	ssyncset.done $0x0  }
0xa0: {  	[sflag:s22] =	ssyncadd.s32 s4;
	_ =	sdelay $0x1  }
0xa1: {  	s23 =	simm.s32 $0x1B8B  }
0xa2: {  	_ =	swait.ge [sflag:s23], $0x1  }
0xa3: {  	[sflag:s23] =	ssyncset.done $0x0  }
0xa4: {  	s25 =	simm.s32 $0x1B8E;
	s24 =	sld [smem:$0x3FFE];
	[sflag:s23] =	ssyncadd.s32 $0xFFFFFFFF  }
0xa5: {  	s26 =	simm.s32 $execute0_lowered;
	[smem:$0x3FD2] =	sst s25  }
0xa6: {  	s5 =	sshll.u32 s26, $0x1;
	_ =	strace $0x80000052;
	[dreg:$0x1] =	wrdreg $0xFFFFFFFF  }
0xa7: {  	s28 =	simm.s32 $_size_execute0_lowered;
	s3 =	sadd.s32 s3, s5;
	[dreg:$0x0] =	wrdreg $0x0  }
0xa8: {  	s5 =	sshll.u32 s28, $0x1;
	[dreg:$0x2] =	wrdreg s3  }
0xa9: {  	[dreg:$0x3] =	wrdreg s5  }
0xaa: {  	[dreg:$0x4] =	wrdreg $0xC0  }
0xab: {  	_ =	task [dreg:s7], $0x5FFFF  }
0xac: {  	[dreg:$0x1] =	wrdreg $0xFFFFFFFF  }
0xad: {  	[dreg:$0x0] =	wrdreg $0x60  }
0xae: {  	[dreg:$0x2] =	wrdreg s2  }
0xaf: {  	[dreg:$0x3] =	wrdreg s24  }
0xb0: {  	[dreg:$0x4] =	wrdreg $0x9  }
0xb1: {  	_ =	task.clear_ibuf [dreg:s7], $0x5FFFF;
	_ =	strace $0x90000052  }
0xb2: {  	s29 =	simm.s32 $0x9;
	_ =	strace $0x80000054  }
0xb3: {  	_ =	swait.ge [sflag:s29], $0x1  }
0xb4: {  	[sflag:s29] =	ssyncadd.s32 $0xFFFFFFFF  }
0xb5: {  	_ =	strace $0x90000054  }
0xb6: {  	_ =	sfence  }
0xb7: {  	s30 =	sld [smem:$0x0];
	_ =	sdelay $0x2  }
0xb8: {  	s31 =	sshll.u32 s1, $0xD;
	s1 =	sshrl.u32 s1, $0x2  }
0xb9: {  	s3 =	sand.u32 $0x4000, s31;
	s1 =	sadd.s32 s1, s30  }
0xba: {  	s0 =	sor.u32 s3, s0;
	s1 =	sshll.u32 s1, $0x11  }
0xbb: {  	s0 =	sor.u32 s1, s0  }
0xbc: {  	s0 =	sadd.s32 $0x8F2B, s0  }
0xbd: {  	[sflag:s0] =	ssyncadd.remote.s32 $0x1  }
0xbe: {  	_ =	sfence.sel $0xFFFF  }
0xbf: {  	[dreg:$0x0] =	wrdreg $0xFFFFFFFF;
	(pc) =	sbr.abs _section_cstart, $3  }
0xc0: {  	[dreg:$0x1] =	wrdreg $0xFFFFFFFF  }
0xc1: {  	_ =	task.clear_ibuf [dreg:s7], $0x2FFFF;
	_ =	strace $0x9FFFFFFF  }
0xc2: {  	(tm) =	ssettm $0x7FFFFFFF  }
0xc3: {  	_ =	shalt  }
tec
execute0_lowered:
.L_overlay_start_1:
0x0: {  	(tag) =	ssettag $0x1  }
0x1: {  	s2 =	rddreg [dreg:$0x0];
	s1 =	srdreg.scid  }
0x2: {  	s0 =	stileid.u32;
	s4 =	rddreg [dreg:$0x1]  }
0x3: {  	s3 =	simm.s32 $0x0;
	s10 =	simm.s32 $0x100;
	s11 =	simm.s32 $0xC8  }
0x4: {  	s12 =	simm.s32 $0x200;
	s13 =	simm.s32 $0x6600;
	s6 =	smul.u32 $0x2710, s0  }
0x5: {  	s14 =	simm.s32 $0x1;
	s5 =	sand.u32 $0x1, s1;
	s8 =	smul.u32 $0x27100, s0  }
0x6: {  	s15 =	simm.s32 $0x2;
	s1 =	rddreg [dreg:$0x2];
	s7 =	smul.u32 $0x1388, s5  }
0x7: {  	s16 =	simm.s32 $0x0;
	[smem:$0x7FF] =	sst s3;
	s9 =	smul.u32 $0x13880, s5  }
0x8: {  	_ =	strace $0x80000053;
	s5 =	ssub.s32 $0x2, s5;
	s29 =	sadd.s32 s8, s4  }
0x9: {  	s30 =	sshrl.u32 s5, $0x1;
	s6 =	sadd.s32 s7, s6;
	s7 =	sadd.s32 s9, s29  }
0xa: {  	s5 =	ssub.s32 s5, s30;
	s9 =	simm.s32 $0x3;
	s6 =	sshrl.u32 s6, $0x3  }
0xb: {  	s31 =	sadd.s32 s6, s4;
	s4 =	sadd.s32 $0x12200, s7;
	s6 =	sadd.s32 $0x28D200, s7  }
0xc: {  	s5 =	smax.u32 s5, $0x1;
	s7 =	sadd.s32 $0x283200, s31;
	s8 =	sadd.s32 $0x288200, s31  }
.LBB2_1:
0xd: {  	s17 =	sadd.s32 $0x0, s8  }
0xe: {  	[tilespmem:s3], [sflag:$0x3] =	stream.linear.gather [hbm4b:s17+s3], $0xC8, $0x38;
	[tilespmem:$0xCA00] =	vst v63  }
0xf: {  	_ =	swait.ge [sflag:s9], $0xC8  }
0x10: {  	[sflag:s9] =	ssyncset.done $0x0  }
0x11: {  	s31 =	sadd.s32 $0x0, s7;
	[sflag:s9] =	ssyncadd.s32 $0xFFFFFF38  }
0x12: {  	[tilespmem:s10], [sflag:$0x3] =	stream.linear.gather [hbm4b:s31+s3], $0xC8, $0x38;
	[tilespmem:$0xCA00] =	vst v63  }
0x13: {  	_ =	swait.ge [sflag:s9], $0xC8  }
0x14: {  	[sflag:s9] =	ssyncset.done $0x0  }
0x15: {  	[sflag:s9] =	ssyncadd.s32 $0xFFFFFF38  }
0x16: {  	[tilespmem:s12], [sflag:$0x1] =	stream.indirect.gather [hbm4b:s2+s11], $0x80, s3, s11, $0xb8;
	[tilespmem:$0xCA00] =	vst v63  }
0x17: {  	_ = 	snop  }
0x18: {  	[tilespmem:s13], [sflag:$0x2] =	stream.indirect.gather [hbm4b:s2+s11], $0x80, s10, s11, $0xb8;
	[tilespmem:$0xCA00] =	vst v63  }
0x19: {  	_ =	swait.ge [sflag:s14], $0x6400  }
0x1a: {  	[sflag:s14] =	ssyncset.done $0x0  }
0x1b: {  	[sflag:s14] =	ssyncadd.s32 $0xFFFF9C00  }
0x1c: {  	[hbm4b:s4+s3] =	stream.linear.scatter [tilespmem:s12], [sflag:$0x3], $0x6400, $0x38;
	[tilespmem:$0xCA00] =	vst v63  }
0x1d: {  	_ =	swait.ge [sflag:s9], $0x6400  }
0x1e: {  	[sflag:s9] =	ssyncset.done $0x0  }
0x1f: {  	[sflag:s9] =	ssyncadd.s32 $0xFFFF9C00  }
0x20: {  	_ =	swait.ge [sflag:s15], $0x6400  }
0x21: {  	[sflag:s15] =	ssyncset.done $0x0  }
0x22: {  	[sflag:s15] =	ssyncadd.s32 $0xFFFF9C00  }
0x23: {  	[hbm4b:s6+s3] =	stream.linear.scatter [tilespmem:s13], [sflag:$0x3], $0x6400, $0x38;
	[tilespmem:$0xCA00] =	vst v63  }
0x24: {  	s19 =	simm.s32 $0x19;
	s20 =	simm.s32 $0x32;
	_ =	swait.ge [sflag:s9], $0x6400  }
0x25: {  	s18 =	sadd.s32 $0xC80, s4;
	s17 =	sadd.s32 $0xC80, s6;
	[sflag:s9] =	ssyncset.done $0x0  }
.LBB2_2:
0x26: {  	s21 =	sadd.s32 s19, s8  }
0x27: {  	[sflag:s9] =	ssyncadd.s32 $0xFFFF9C00;
	s22 =	smov.u32 s20;
	s23 =	sadd.s32 $0x19, s20  }
0x28: {  	[tilespmem:s3], [sflag:$0x3] =	stream.linear.gather [hbm4b:s21+s3], $0xC8, $0x38;
	[tilespmem:$0xCA00] =	vst v63  }
0x29: {  	p0 =	sne.s32 s20, $0x258;
	_ =	swait.ge [sflag:s9], $0xC8  }
0x2a: {  	[sflag:s9] =	ssyncset.done $0x0  }
0x2b: {  	s20 =	sadd.s32 s19, s7;
	s19 =	smov.u32 s22;
	[sflag:s9] =	ssyncadd.s32 $0xFFFFFF38  }
0x2c: {  	[tilespmem:s10], [sflag:$0x3] =	stream.linear.gather [hbm4b:s20+s3], $0xC8, $0x38;
	[tilespmem:$0xCA00] =	vst v63  }
0x2d: {  	_ =	swait.ge [sflag:s9], $0xC8  }
0x2e: {  	[sflag:s9] =	ssyncset.done $0x0  }
0x2f: {  	[sflag:s9] =	ssyncadd.s32 $0xFFFFFF38  }
0x30: {  	[tilespmem:s12], [sflag:$0x1] =	stream.indirect.gather [hbm4b:s2+s11], $0x80, s3, s11, $0xb8;
	[tilespmem:$0xCA00] =	vst v63  }
0x31: {  	_ = 	snop  }
0x32: {  	[tilespmem:s13], [sflag:$0x2] =	stream.indirect.gather [hbm4b:s2+s11], $0x80, s10, s11, $0xb8;
	[tilespmem:$0xCA00] =	vst v63  }
0x33: {  	_ =	swait.ge [sflag:s14], $0x6400  }
0x34: {  	[sflag:s14] =	ssyncset.done $0x0  }
0x35: {  	[sflag:s14] =	ssyncadd.s32 $0xFFFF9C00  }
0x36: {  	[hbm4b:s18+s3] =	stream.linear.scatter [tilespmem:s12], [sflag:$0x3], $0x6400, $0x38;
	[tilespmem:$0xCA00] =	vst v63  }
0x37: {  	_ =	swait.ge [sflag:s9], $0x6400  }
0x38: {  	[sflag:s9] =	ssyncset.done $0x0  }
0x39: {  	[sflag:s9] =	ssyncadd.s32 $0xFFFF9C00  }
0x3a: {  	_ =	swait.ge [sflag:s15], $0x6400  }
.Ltmp0:
0x3b: {  	[sflag:s15] =	ssyncset.done $0x0;
	(pc) =	sbr.rel @p0 .LBB2_2-.Ltmp0, $4  }
0x3c: {  	[sflag:s15] =	ssyncadd.s32 $0xFFFF9C00  }
0x3d: {  	[hbm4b:s17+s3] =	stream.linear.scatter [tilespmem:s13], [sflag:$0x3], $0x6400, $0x38;
	[tilespmem:$0xCA00] =	vst v63  }
0x3e: {  	s20 =	smov.u32 s23;
	_ =	swait.ge [sflag:s9], $0x6400  }
0x3f: {  	s18 =	sadd.s32 $0xC80, s18;
	s17 =	sadd.s32 $0xC80, s17;
	[sflag:s9] =	ssyncset.done $0x0  }
0x40: {  	s20 =	sadd.s32 s19, s8;
	[sflag:s9] =	ssyncadd.s32 $0xFFFF9C00  }
0x41: {  	[tilespmem:s3], [sflag:$0x3] =	stream.linear.gather [hbm4b:s20+s3], $0xC8, $0x38;
	[tilespmem:$0xCA00] =	vst v63  }
0x42: {  	_ =	swait.ge [sflag:s9], $0xC8  }
0x43: {  	[sflag:s9] =	ssyncset.done $0x0  }
0x44: {  	s31 =	sadd.s32 s19, s7;
	[sflag:s9] =	ssyncadd.s32 $0xFFFFFF38  }
0x45: {  	[tilespmem:s10], [sflag:$0x3] =	stream.linear.gather [hbm4b:s31+s3], $0xC8, $0x38;
	[tilespmem:$0xCA00] =	vst v63  }
0x46: {  	_ =	swait.ge [sflag:s9], $0xC8  }
0x47: {  	[sflag:s9] =	ssyncset.done $0x0  }
0x48: {  	[sflag:s9] =	ssyncadd.s32 $0xFFFFFF38  }
0x49: {  	[tilespmem:s12], [sflag:$0x1] =	stream.indirect.gather [hbm4b:s2+s11], $0x80, s3, s11, $0xb8;
	[tilespmem:$0xCA00] =	vst v63  }
0x4a: {  	_ = 	snop  }
0x4b: {  	[tilespmem:s13], [sflag:$0x2] =	stream.indirect.gather [hbm4b:s2+s11], $0x80, s10, s11, $0xb8;
	[tilespmem:$0xCA00] =	vst v63  }
0x4c: {  	_ =	swait.ge [sflag:s14], $0x6400  }
0x4d: {  	[sflag:s14] =	ssyncset.done $0x0  }
0x4e: {  	[sflag:s14] =	ssyncadd.s32 $0xFFFF9C00  }
0x4f: {  	[hbm4b:s18+s3] =	stream.linear.scatter [tilespmem:s12], [sflag:$0x3], $0x6400, $0x38;
	[tilespmem:$0xCA00] =	vst v63  }
0x50: {  	_ =	swait.ge [sflag:s9], $0x6400  }
0x51: {  	[sflag:s9] =	ssyncset.done $0x0  }
0x52: {  	[sflag:s9] =	ssyncadd.s32 $0xFFFF9C00  }
0x53: {  	s16 =	sadd.s32 $0x1, s16;
	_ =	swait.ge [sflag:s15], $0x6400  }
0x54: {  	p0 =	sne.s32 s16, s5;
	[sflag:s15] =	ssyncset.done $0x0  }
.Ltmp1:
0x55: {  	[sflag:s15] =	ssyncadd.s32 $0xFFFF9C00;
	(pc) =	sbr.rel @p0 .LBB2_1-.Ltmp1, $4  }
0x56: {  	[hbm4b:s17+s3] =	stream.linear.scatter [tilespmem:s13], [sflag:$0x3], $0x6400, $0x38;
	[tilespmem:$0xCA00] =	vst v63  }
0x57: {  	_ =	swait.ge [sflag:s9], $0x6400  }
0x58: {  	[sflag:s9] =	ssyncset.done $0x0  }
0x59: {  	[sflag:s9] =	ssyncadd.s32 $0xFFFF9C00  }
0x5a: {  	_ =	sfence.sel $0x180000  }
0x5b: {  	[bflag:$0x0] =	sbarrier.arrive $0xFFFF  }
0x5c: {  	p0 =	sne.s32 s0, $0x0;
	_ =	strace $0x90000053  }
0x5d: {  	s0 =	sadd.s32 @!p0 $0x100000, s1;
	[bflag:$0x2] =	sbarrier.arrive $0xFFFF  }
0x5e: {  	[sflag:s0] =	ssyncadd.tile.s32 @!p0 $0x1;
	_ =	shalt  }
.Lfunc_end2:
_tile_overlayer_lowered:
.L_overlay_start_2:
0x5f: {  	(tag) =	ssettag $0x2  }
0x60: {  	s0 =	rddreg [dreg:$0x0];
	s2 =	stileid.u32  }
0x61: {  	s1 =	rddreg [dreg:$0x1];
	p0 =	sne.s32 s2, $0x0  }
0x62: {  	s3 =	rddreg [dreg:$0x2];
	[bflag:$0x3] =	sbarrier.arrive $0xFFFF;
	s2 =	simm.s32 @!p0 $0x1C03  }
0x63: {  	[timem:s3], [sflag:s2] =	dma.local @!p0 [hbm:s0], s1  }
0x64: {  	s0 =	simm.s32 @!p0 $0x3  }
0x65: {  	_ =	swait.ge @!p0 [sflag:s0], s1  }
0x66: {  	s1 =	ssub.s32 @!p0 $0x0, s1;
	[sflag:s0] =	ssyncset.done @!p0 $0x0  }
0x67: {  	[sflag:s0] =	ssyncadd.s32 @!p0 s1  }
0x68: {  	[bflag:$0x3] =	sbarrier.arrive $0xFFFF  }
0x69: {  	_ =	shalt  }

// kernel: kernel.28.cloned.1.call-start
scs
__scs_entry_jumppad:
0x0: {  	(pc) =	sbr.rel $0x88, $3  }
0x1: {  	(tag) =	ssettag $0x0;
	lr =	simm.s32 $0x1  }
0x2: {  	[smem:$0x3F94] =	sst lr;
	_ =	strace $0xD0000000  }
0x3: {  	_ = 	snop  }
0x4: {  	_ = 	snop  }
0x5: {  	_ = 	snop  }
0x6: {  	_ = 	snop  }
0x7: {  	_ = 	snop  }
__scs_overlays_trampoline_lowered:
0x8: {  	[smem:$0x3FA3] =	sst s0  }
0x9: {  	[smem:$0x3FA4] =	sst s1  }
0xa: {  	[smem:$0x3FA5] =	sst s2  }
0xb: {  	[smem:$0x3FA6] =	sst s3  }
0xc: {  	[smem:$0x3FA7] =	sst s4  }
0xd: {  	[smem:$0x3FA8] =	sst s5  }
0xe: {  	[smem:$0x3FA9] =	sst s6  }
0xf: {  	[smem:$0x3FAA] =	sst s7  }
0x10: {  	[smem:$0x3FAB] =	sst s8  }
0x11: {  	[smem:$0x3FAC] =	sst s9;
	s0 =	simm.s32 @!p0 $0x0  }
0x12: {  	s1 =	sld [smem:$0x3F92];
	s0 =	simm.s32 @p0 $0x1  }
0x13: {  	[smem:$0x3FAD] =	sst s0;
	s0 =	simm.s32 @!p1 $0x0  }
0x14: {  	s2 =	sld [smem:$0x3F91];
	s0 =	simm.s32 @p1 $0x1  }
0x15: {  	[smem:$0x3FAE] =	sst s0;
	s0 =	simm.s32 @!p2 $0x0  }
0x16: {  	s3 =	sld [smem:$0x3FDB];
	s0 =	simm.s32 @p2 $0x1  }
0x17: {  	s4 =	simm.s32 $0x1BF5;
	[smem:$0x3FB0] =	sst s0  }
0x18: {  	s0 =	sld [smem:$0x3F93];
	_ =	swait.ge [sflag:s4], $0x0  }
0x19: {  	s7 =	sld [smem:$0x3F94]  }
0x1a: {  	s8 =	sadd.s32 $0xFFFFE003, lr  }
0x1b: {  	s9 =	sadd.s32 $0xFFFFFEF7, lr;
	s5 =	simm.s32 $0xFFFFFFFF;
	p2 =	slt.u32 s8, $0xFFFFF086  }
0x1c: {  	p1 =	slt.u32 s9, $0xF7A;
	s5 =	simm.s32 @!p2 $0x0  }
0x1d: {  	s5 =	simm.s32 @p1 $0x1;
	p0 =	seq.s32 s7, s2  }
0x1e: {  	s7 =	smul.u32 @!p0 $0xF7A, s2;
	p2 =	seq.s32 @!p0 s5, $0x0  }
0x1f: {  	s9 =	smul.u32 $0xF7A, s1;
	s8 =	simm.s32 @!p0 $0x1BF5;
	p2 =	por !p2, p0  }
0x20: {  	[sflag:s8] =	ssyncset.s32 @!p0 $0xFFFFF086;
	s6 =	sadd.s32 @!p0 s3, s7;
	s7 =	simm.s32 @!p0 $0x108  }
0x21: {  	s3 =	sadd.s32 s3, s9;
	s6 =	sadd.s32 @!p0 $0x88, s6;
	s7 =	simm.s32 @p2 $0x1082  }
0x22: {  	[simem:s7], [sflag:s8] =	dma.local @!p0 [hbm:s6], $0xF7A  }
0x23: {  	s9 =	sor.u32 $0xD0000000, s2;
	s6 =	simm.s32 $0x108;
	_ =	swait.ge @!p0 [sflag:s8], $0x0  }
0x24: {  	s3 =	sadd.s32 $0x88, s3;
	s6 =	simm.s32 @!p1 $0x1082;
	[sflag:s4] =	ssyncset.s32 $0xFFFFF086  }
0x25: {  	[simem:s6], [sflag:s4] =	dma.local [hbm:s3], $0xF7A  }
0x26: {  	[smem:$0x3F94] =	sst s1;
	(tag) =	ssettag s2;
	_ =	strace s9  }
0x27: {  	s1 =	sld [smem:$0x3FA4]  }
0x28: {  	s2 =	sld [smem:$0x3FA5]  }
0x29: {  	s4 =	sld [smem:$0x3FA7]  }
0x2a: {  	p0 =	seq.s32 s5, $0x0;
	s5 =	sld [smem:$0x3FA8]  }
0x2b: {  	s6 =	sld [smem:$0x3FA9]  }
0x2c: {  	s7 =	sld [smem:$0x3FAA]  }
0x2d: {  	s3 =	simm.s32 $0x108;
	s8 =	sld [smem:$0x3FAB]  }
0x2e: {  	s3 =	simm.s32 @!p0 $0x1082;
	s9 =	sld [smem:$0x3FAC]  }
0x2f: {  	lr =	sadd.s32 s0, s3;
	s0 =	sld [smem:$0x3FA3]  }
0x30: {  	s3 =	sld [smem:$0x3FA6]  }
0x31: {  	[smem:$0x3FAF] =	sst s10  }
0x32: {  	s10 =	sld [smem:$0x3FAD];
	_ =	sdelay $0x3  }
0x33: {  	p0 =	seq.s32 s10, $0x1;
	s10 =	sld [smem:$0x3FAF];
	_ =	sdelay $0x3  }
0x34: {  	[smem:$0x3FAF] =	sst s10  }
0x35: {  	s10 =	sld [smem:$0x3FAE];
	_ =	sdelay $0x3  }
0x36: {  	p1 =	seq.s32 s10, $0x1;
	s10 =	sld [smem:$0x3FAF];
	_ =	sdelay $0x3  }
0x37: {  	[smem:$0x3FAF] =	sst s10  }
0x38: {  	s10 =	sld [smem:$0x3FB0]  }
0x39: {  	_ = 	snop;
	(pc) =	sbr.ind lr, $3  }
0x3a: {  	_ = 	snop  }
0x3b: {  	_ = 	snop  }
0x3c: {  	p2 =	seq.s32 s10, $0x1;
	s10 =	sld [smem:$0x3FAF]  }
0x3d: {  	_ =	shalt  }
0x3e: {  	_ =	shalt  }
0x3f: {  	_ =	shalt  }
0x40: {  	_ =	shalt  }
0x41: {  	_ =	shalt  }
0x42: {  	_ =	shalt  }
0x43: {  	_ =	shalt  }
0x44: {  	_ =	shalt  }
0x45: {  	_ =	shalt  }
0x46: {  	_ =	shalt  }
0x47: {  	_ =	shalt  }
0x48: {  	_ =	shalt  }
0x49: {  	_ =	shalt  }
0x4a: {  	_ =	shalt  }
0x4b: {  	_ =	shalt  }
0x4c: {  	_ =	shalt  }
0x4d: {  	_ =	shalt  }
0x4e: {  	_ =	shalt  }
0x4f: {  	_ =	shalt  }
0x50: {  	_ =	shalt  }
0x51: {  	_ =	shalt  }
0x52: {  	_ =	shalt  }
0x53: {  	_ =	shalt  }
0x54: {  	_ =	shalt  }
0x55: {  	_ =	shalt  }
0x56: {  	_ =	shalt  }
0x57: {  	_ =	shalt  }
0x58: {  	_ =	shalt  }
0x59: {  	_ =	shalt  }
0x5a: {  	_ =	shalt  }
0x5b: {  	_ =	shalt  }
0x5c: {  	_ =	shalt  }
0x5d: {  	_ =	shalt  }
0x5e: {  	_ =	shalt  }
0x5f: {  	_ =	shalt  }
0x60: {  	_ =	shalt  }
0x61: {  	_ =	shalt  }
0x62: {  	_ =	shalt  }
0x63: {  	_ =	shalt  }
0x64: {  	_ =	shalt  }
0x65: {  	_ =	shalt  }
0x66: {  	_ =	shalt  }
0x67: {  	_ =	shalt  }
0x68: {  	_ =	shalt  }
0x69: {  	_ =	shalt  }
0x6a: {  	_ =	shalt  }
0x6b: {  	_ =	shalt  }
0x6c: {  	_ =	shalt  }
0x6d: {  	_ =	shalt  }
0x6e: {  	_ =	shalt  }
0x6f: {  	_ =	shalt  }
0x70: {  	_ =	shalt  }
0x71: {  	_ =	shalt  }
0x72: {  	_ =	shalt  }
0x73: {  	_ =	shalt  }
0x74: {  	_ =	shalt  }
0x75: {  	_ =	shalt  }
0x76: {  	_ =	shalt  }
0x77: {  	_ =	shalt  }
0x78: {  	_ =	shalt  }
0x79: {  	_ =	shalt  }
0x7a: {  	_ =	shalt  }
0x7b: {  	_ =	shalt  }
0x7c: {  	_ =	shalt  }
0x7d: {  	_ =	shalt  }
0x7e: {  	_ =	shalt  }
0x7f: {  	_ =	shalt  }
0x80: {  	_ =	shalt  }
0x81: {  	_ =	shalt  }
0x82: {  	_ =	shalt  }
0x83: {  	_ =	shalt  }
0x84: {  	_ =	shalt  }
0x85: {  	_ =	shalt  }
0x86: {  	_ =	shalt  }
0x87: {  	_ =	shalt  }
.Lfunc_end0:
.L_simem_size_0:
called_computation.5_lowered:
.L_overlay_start_0:
0x88: {  	s2 =	sld [smem:$0x3FD9]  }
0x89: {  	s3 =	sld [smem:$0x3FFE];
	_ =	sdelay $0x1  }
0x8a: {  	s1 =	srdreg.scid  }
0x8b: {  	s0 =	sand.u32 $0x1, s1  }
0x8c: {  	s17 =	sshll.u32 s0, $0xA;
	s2 =	sadd.s32 s3, s2  }
0x8d: {  	s2 =	sadd.s32 s2, s17  }
0x8e: {  	[smem:$0x3FBB] =	sst s2  }
0x8f: {  	_ = 	snop  }
0x90: {  	s18 =	sld [smem:$0x3FD0];
	(tm) =	ssettm $0x1  }
0x91: {  	s19 =	sld [smem:$0x3FFB];
	_ =	sdelay $0x3  }
0x92: {  	_ =	strace s19  }
0x93: {  	s2 =	sld [smem:$0x3FFC];
	_ =	sdelay $0x3  }
0x94: {  	_ =	strace s2  }
0x95: {  	s2 =	sld [smem:$0x3FFD];
	_ =	sdelay $0x3  }
0x96: {  	_ =	strace s2  }
0x97: {  	_ =	strace $0x8FFFFFFF  }
0x98: {  	s20 =	sld [smem:$0x3FDB];
	_ =	sdelay $0x1  }
0x99: {  	s4 =	simm.s32 $_scs_section_size  }
0x9a: {  	s5 =	simm.s32 $_size__tile_overlayer_lowered;
	s6 =	simm.s32 $_tile_overlayer_lowered  }
0x9b: {  	s7 =	simm.s32 $0x1BFF;
	s21 =	sshll.u32 s6, $0x1;
	s4 =	sadd.s32 s4, s20  }
0x9c: {  	s22 =	simm.s32 $0x0;
	s5 =	sshll.u32 s5, $0x1;
	s6 =	sadd.s32 s21, s4  }
0x9d: {  	[timem:s22], [sflag:s7] =	dma.local [hbm:s6], s5  }
0x9e: {  	_ =	swait.ge [sflag:s7], s5  }
0x9f: {  	s5 =	ssub.s32 $0x0, s5;
	[sflag:s7] =	ssyncset.done $0x0  }
0xa0: {  	[sflag:s7] =	ssyncadd.s32 s5;
	_ =	sdelay $0x1  }
0xa1: {  	s23 =	simm.s32 $0x1B8B  }
0xa2: {  	_ =	swait.ge [sflag:s23], $0x1  }
0xa3: {  	[sflag:s23] =	ssyncset.done $0x0  }
0xa4: {  	[sflag:s23] =	ssyncadd.s32 $0xFFFFFFFF  }
0xa5: {  	s5 =	sld [smem:$0x0]  }
0xa6: {  	s6 =	sand.u32 $0xFFFFFFFE, s1  }
0xa7: {  	p0 =	sne.s32 s1, s6  }
0xa8: {  	s6 =	sshll.u32 @p0 s6, $0xE  }
0xa9: {  	s6 =	sadd.s32 @p0 $0x11B8D, s6;
	s7 =	sshll.u32 @p0 s5, $0x11  }
0xaa: {  	s6 =	sor.u32 @p0 s7, s6  }
0xab: {  	[sflag:s6] =	ssyncadd.remote.s32 @p0 $0x1;
	_ =	sdelay $0x1  }
0xac: {  	s6 =	simm.s32 @p0 $0x1B8D  }
0xad: {  	_ =	swait.eq @p0 [sflag:s6], $0x1  }
0xae: {  	[sflag:s6] =	ssyncadd.s32 @p0 $0xFFFFFFFF  }
0xaf: {  	s7 =	sshll.u32 @!p0 s1, $0xE  }
0xb0: {  	s7 =	sor.u32 @!p0 $0x4000, s7;
	s6 =	simm.s32 @!p0 $0x1B8D  }
0xb1: {  	s5 =	sshll.u32 @!p0 s5, $0x11;
	s7 =	sadd.s32 @!p0 $0x11B8D, s7;
	_ =	swait.eq @!p0 [sflag:s6], $0x1  }
0xb2: {  	s5 =	sor.u32 @!p0 s5, s7;
	[sflag:s6] =	ssyncadd.s32 @!p0 $0xFFFFFFFF  }
0xb3: {  	s25 =	simm.s32 $0x1B8E;
	s24 =	sld [smem:$0x3FFE];
	[sflag:s5] =	ssyncadd.remote.s32 @!p0 $0x1  }
0xb4: {  	s26 =	simm.s32 $execute0_lowered;
	[smem:$0x3FD2] =	sst s25  }
0xb5: {  	s6 =	sshll.u32 s26, $0x1;
	_ =	strace $0x80000055;
	[dreg:$0x1] =	wrdreg $0xFFFFFFFF  }
0xb6: {  	s28 =	simm.s32 $_size_execute0_lowered;
	s4 =	sadd.s32 s4, s6;
	[dreg:$0x0] =	wrdreg $0x0  }
0xb7: {  	s6 =	sshll.u32 s28, $0x1;
	[dreg:$0x2] =	wrdreg s4  }
0xb8: {  	[dreg:$0x3] =	wrdreg s6  }
0xb9: {  	[dreg:$0x4] =	wrdreg $0xC0  }
0xba: {  	_ =	task [dreg:s22], $0x5FFFF  }
0xbb: {  	[dreg:$0x1] =	wrdreg $0xFFFFFFFF  }
0xbc: {  	[dreg:$0x0] =	wrdreg $0x60  }
0xbd: {  	[dreg:$0x2] =	wrdreg s18  }
0xbe: {  	[dreg:$0x3] =	wrdreg s24  }
0xbf: {  	[dreg:$0x4] =	wrdreg $0xA  }
0xc0: {  	_ =	task.clear_ibuf [dreg:s22], $0x5FFFF;
	_ =	strace $0x90000055  }
0xc1: {  	s29 =	simm.s32 $0xA;
	_ =	strace $0x80000057  }
0xc2: {  	_ =	swait.ge [sflag:s29], $0x1  }
0xc3: {  	[sflag:s29] =	ssyncadd.s32 $0xFFFFFFFF  }
0xc4: {  	_ =	strace $0x90000057  }
0xc5: {  	_ =	sfence  }
0xc6: {  	s30 =	sld [smem:$0x0];
	_ =	sdelay $0x2  }
0xc7: {  	s31 =	sshll.u32 s1, $0xD;
	s1 =	sshrl.u32 s1, $0x2  }
0xc8: {  	s4 =	sand.u32 $0x4000, s31;
	s1 =	sadd.s32 s1, s30  }
0xc9: {  	s0 =	sor.u32 s4, s0;
	s1 =	sshll.u32 s1, $0x11  }
0xca: {  	s0 =	sor.u32 s1, s0  }
0xcb: {  	s0 =	sadd.s32 $0x8F2B, s0  }
0xcc: {  	[sflag:s0] =	ssyncadd.remote.s32 $0x1  }
0xcd: {  	_ =	sfence.sel $0xFFFF  }
0xce: {  	[dreg:$0x0] =	wrdreg $0xFFFFFFFF;
	(pc) =	sbr.abs _section_cstart, $3  }
0xcf: {  	[dreg:$0x1] =	wrdreg $0xFFFFFFFF  }
0xd0: {  	_ =	task.clear_ibuf [dreg:s22], $0x2FFFF;
	_ =	strace $0x9FFFFFFF  }
0xd1: {  	(tm) =	ssettm $0x7FFFFFFF  }
tec
execute0_lowered:
.L_overlay_start_1:
0x0: {  	(tag) =	ssettag $0x1  }
0x1: {  	s2 =	rddreg [dreg:$0x0];
	s1 =	srdreg.scid  }
0x2: {  	s0 =	stileid.u32;
	s4 =	rddreg [dreg:$0x1]  }
0x3: {  	s3 =	simm.s32 $0x0;
	s10 =	simm.s32 $0x100;
	s11 =	simm.s32 $0xC8  }
0x4: {  	s12 =	simm.s32 $0x200;
	s13 =	simm.s32 $0x6600;
	s6 =	smul.u32 $0x2710, s0  }
0x5: {  	s14 =	simm.s32 $0x1;
	s5 =	sand.u32 $0x1, s1;
	s8 =	smul.u32 $0x27100, s0  }
0x6: {  	s15 =	simm.s32 $0x2;
	s1 =	rddreg [dreg:$0x2];
	s7 =	smul.u32 $0x1388, s5  }
0x7: {  	s16 =	simm.s32 $0x0;
	[smem:$0x7FF] =	sst s3;
	s9 =	smul.u32 $0x13880, s5  }
0x8: {  	_ =	strace $0x80000056;
	s5 =	ssub.s32 $0x2, s5;
	s29 =	sadd.s32 s8, s4  }
0x9: {  	s30 =	sshrl.u32 s5, $0x1;
	s6 =	sadd.s32 s7, s6;
	s7 =	sadd.s32 s9, s29  }
0xa: {  	s5 =	ssub.s32 s5, s30;
	s9 =	simm.s32 $0x3;
	s6 =	sshrl.u32 s6, $0x3  }
0xb: {  	s5 =	smax.u32 s5, $0x1;
	s31 =	sadd.s32 s6, s4;
	s4 =	sadd.s32 $0x4FE200, s7  }
0xc: {  	s6 =	sadd.s32 $0x76F200, s7;
	s7 =	sadd.s32 $0x3400, s31;
	s8 =	sadd.s32 $0xD200, s31  }
.LBB2_1:
0xd: {  	s17 =	sadd.s32 $0x0, s8  }
0xe: {  	[tilespmem:s3], [sflag:$0x3] =	stream.linear.gather [hbm4b:s17+s3], $0xC8, $0x38;
	[tilespmem:$0xCA00] =	vst v63  }
0xf: {  	_ =	swait.ge [sflag:s9], $0xC8  }
0x10: {  	[sflag:s9] =	ssyncset.done $0x0  }
0x11: {  	s31 =	sadd.s32 $0x0, s7;
	[sflag:s9] =	ssyncadd.s32 $0xFFFFFF38  }
0x12: {  	[tilespmem:s10], [sflag:$0x3] =	stream.linear.gather [hbm4b:s31+s3], $0xC8, $0x38;
	[tilespmem:$0xCA00] =	vst v63  }
0x13: {  	_ =	swait.ge [sflag:s9], $0xC8  }
0x14: {  	[sflag:s9] =	ssyncset.done $0x0  }
0x15: {  	[sflag:s9] =	ssyncadd.s32 $0xFFFFFF38  }
0x16: {  	[tilespmem:s12], [sflag:$0x1] =	stream.indirect.gather [hbm4b:s2+s11], $0x80, s3, s11, $0xb8;
	[tilespmem:$0xCA00] =	vst v63  }
0x17: {  	_ = 	snop  }
0x18: {  	[tilespmem:s13], [sflag:$0x2] =	stream.indirect.gather [hbm4b:s2+s11], $0x80, s10, s11, $0xb8;
	[tilespmem:$0xCA00] =	vst v63  }
0x19: {  	_ =	swait.ge [sflag:s14], $0x6400  }
0x1a: {  	[sflag:s14] =	ssyncset.done $0x0  }
0x1b: {  	[sflag:s14] =	ssyncadd.s32 $0xFFFF9C00  }
0x1c: {  	[hbm4b:s4+s3] =	stream.linear.scatter [tilespmem:s12], [sflag:$0x3], $0x6400, $0x38;
	[tilespmem:$0xCA00] =	vst v63  }
0x1d: {  	_ =	swait.ge [sflag:s9], $0x6400  }
0x1e: {  	[sflag:s9] =	ssyncset.done $0x0  }
0x1f: {  	[sflag:s9] =	ssyncadd.s32 $0xFFFF9C00  }
0x20: {  	_ =	swait.ge [sflag:s15], $0x6400  }
0x21: {  	[sflag:s15] =	ssyncset.done $0x0  }
0x22: {  	[sflag:s15] =	ssyncadd.s32 $0xFFFF9C00  }
0x23: {  	[hbm4b:s6+s3] =	stream.linear.scatter [tilespmem:s13], [sflag:$0x3], $0x6400, $0x38;
	[tilespmem:$0xCA00] =	vst v63  }
0x24: {  	s19 =	simm.s32 $0x19;
	s20 =	simm.s32 $0x32;
	_ =	swait.ge [sflag:s9], $0x6400  }
0x25: {  	s18 =	sadd.s32 $0xC80, s4;
	s17 =	sadd.s32 $0xC80, s6;
	[sflag:s9] =	ssyncset.done $0x0  }
.LBB2_2:
0x26: {  	s21 =	sadd.s32 s19, s8  }
0x27: {  	[sflag:s9] =	ssyncadd.s32 $0xFFFF9C00;
	s22 =	smov.u32 s20;
	s23 =	sadd.s32 $0x19, s20  }
0x28: {  	[tilespmem:s3], [sflag:$0x3] =	stream.linear.gather [hbm4b:s21+s3], $0xC8, $0x38;
	[tilespmem:$0xCA00] =	vst v63  }
0x29: {  	p0 =	sne.s32 s20, $0x258;
	_ =	swait.ge [sflag:s9], $0xC8  }
0x2a: {  	[sflag:s9] =	ssyncset.done $0x0  }
0x2b: {  	s20 =	sadd.s32 s19, s7;
	s19 =	smov.u32 s22;
	[sflag:s9] =	ssyncadd.s32 $0xFFFFFF38  }
0x2c: {  	[tilespmem:s10], [sflag:$0x3] =	stream.linear.gather [hbm4b:s20+s3], $0xC8, $0x38;
	[tilespmem:$0xCA00] =	vst v63  }
0x2d: {  	_ =	swait.ge [sflag:s9], $0xC8  }
0x2e: {  	[sflag:s9] =	ssyncset.done $0x0  }
0x2f: {  	[sflag:s9] =	ssyncadd.s32 $0xFFFFFF38  }
0x30: {  	[tilespmem:s12], [sflag:$0x1] =	stream.indirect.gather [hbm4b:s2+s11], $0x80, s3, s11, $0xb8;
	[tilespmem:$0xCA00] =	vst v63  }
0x31: {  	_ = 	snop  }
0x32: {  	[tilespmem:s13], [sflag:$0x2] =	stream.indirect.gather [hbm4b:s2+s11], $0x80, s10, s11, $0xb8;
	[tilespmem:$0xCA00] =	vst v63  }
0x33: {  	_ =	swait.ge [sflag:s14], $0x6400  }
0x34: {  	[sflag:s14] =	ssyncset.done $0x0  }
0x35: {  	[sflag:s14] =	ssyncadd.s32 $0xFFFF9C00  }
0x36: {  	[hbm4b:s18+s3] =	stream.linear.scatter [tilespmem:s12], [sflag:$0x3], $0x6400, $0x38;
	[tilespmem:$0xCA00] =	vst v63  }
0x37: {  	_ =	swait.ge [sflag:s9], $0x6400  }
0x38: {  	[sflag:s9] =	ssyncset.done $0x0  }
0x39: {  	[sflag:s9] =	ssyncadd.s32 $0xFFFF9C00  }
0x3a: {  	_ =	swait.ge [sflag:s15], $0x6400  }
.Ltmp0:
0x3b: {  	[sflag:s15] =	ssyncset.done $0x0;
	(pc) =	sbr.rel @p0 .LBB2_2-.Ltmp0, $4  }
0x3c: {  	[sflag:s15] =	ssyncadd.s32 $0xFFFF9C00  }
0x3d: {  	[hbm4b:s17+s3] =	stream.linear.scatter [tilespmem:s13], [sflag:$0x3], $0x6400, $0x38;
	[tilespmem:$0xCA00] =	vst v63  }
0x3e: {  	s20 =	smov.u32 s23;
	_ =	swait.ge [sflag:s9], $0x6400  }
0x3f: {  	s18 =	sadd.s32 $0xC80, s18;
	s17 =	sadd.s32 $0xC80, s17;
	[sflag:s9] =	ssyncset.done $0x0  }
0x40: {  	s20 =	sadd.s32 s19, s8;
	[sflag:s9] =	ssyncadd.s32 $0xFFFF9C00  }
0x41: {  	[tilespmem:s3], [sflag:$0x3] =	stream.linear.gather [hbm4b:s20+s3], $0xC8, $0x38;
	[tilespmem:$0xCA00] =	vst v63  }
0x42: {  	_ =	swait.ge [sflag:s9], $0xC8  }
0x43: {  	[sflag:s9] =	ssyncset.done $0x0  }
0x44: {  	s31 =	sadd.s32 s19, s7;
	[sflag:s9] =	ssyncadd.s32 $0xFFFFFF38  }
0x45: {  	[tilespmem:s10], [sflag:$0x3] =	stream.linear.gather [hbm4b:s31+s3], $0xC8, $0x38;
	[tilespmem:$0xCA00] =	vst v63  }
0x46: {  	_ =	swait.ge [sflag:s9], $0xC8  }
0x47: {  	[sflag:s9] =	ssyncset.done $0x0  }
0x48: {  	[sflag:s9] =	ssyncadd.s32 $0xFFFFFF38  }
0x49: {  	[tilespmem:s12], [sflag:$0x1] =	stream.indirect.gather [hbm4b:s2+s11], $0x80, s3, s11, $0xb8;
	[tilespmem:$0xCA00] =	vst v63  }
0x4a: {  	_ = 	snop  }
0x4b: {  	[tilespmem:s13], [sflag:$0x2] =	stream.indirect.gather [hbm4b:s2+s11], $0x80, s10, s11, $0xb8;
	[tilespmem:$0xCA00] =	vst v63  }
0x4c: {  	_ =	swait.ge [sflag:s14], $0x6400  }
0x4d: {  	[sflag:s14] =	ssyncset.done $0x0  }
0x4e: {  	[sflag:s14] =	ssyncadd.s32 $0xFFFF9C00  }
0x4f: {  	[hbm4b:s18+s3] =	stream.linear.scatter [tilespmem:s12], [sflag:$0x3], $0x6400, $0x38;
	[tilespmem:$0xCA00] =	vst v63  }
0x50: {  	_ =	swait.ge [sflag:s9], $0x6400  }
0x51: {  	[sflag:s9] =	ssyncset.done $0x0  }
0x52: {  	[sflag:s9] =	ssyncadd.s32 $0xFFFF9C00  }
0x53: {  	s16 =	sadd.s32 $0x1, s16;
	_ =	swait.ge [sflag:s15], $0x6400  }
0x54: {  	p0 =	sne.s32 s16, s5;
	[sflag:s15] =	ssyncset.done $0x0  }
.Ltmp1:
0x55: {  	[sflag:s15] =	ssyncadd.s32 $0xFFFF9C00;
	(pc) =	sbr.rel @p0 .LBB2_1-.Ltmp1, $4  }
0x56: {  	[hbm4b:s17+s3] =	stream.linear.scatter [tilespmem:s13], [sflag:$0x3], $0x6400, $0x38;
	[tilespmem:$0xCA00] =	vst v63  }
0x57: {  	_ =	swait.ge [sflag:s9], $0x6400  }
0x58: {  	[sflag:s9] =	ssyncset.done $0x0  }
0x59: {  	[sflag:s9] =	ssyncadd.s32 $0xFFFF9C00  }
0x5a: {  	_ =	sfence.sel $0x180000  }
0x5b: {  	[bflag:$0x0] =	sbarrier.arrive $0xFFFF  }
0x5c: {  	p0 =	sne.s32 s0, $0x0;
	_ =	strace $0x90000056  }
0x5d: {  	s0 =	sadd.s32 @!p0 $0x100000, s1;
	[bflag:$0x2] =	sbarrier.arrive $0xFFFF  }
0x5e: {  	[sflag:s0] =	ssyncadd.tile.s32 @!p0 $0x1;
	_ =	shalt  }
.Lfunc_end2:
_tile_overlayer_lowered:
.L_overlay_start_2:
0x5f: {  	(tag) =	ssettag $0x2  }
0x60: {  	s0 =	rddreg [dreg:$0x0];
	s2 =	stileid.u32  }
0x61: {  	s1 =	rddreg [dreg:$0x1];
	p0 =	sne.s32 s2, $0x0  }
0x62: {  	s3 =	rddreg [dreg:$0x2];
	[bflag:$0x3] =	sbarrier.arrive $0xFFFF;
	s2 =	simm.s32 @!p0 $0x1C03  }
0x63: {  	[timem:s3], [sflag:s2] =	dma.local @!p0 [hbm:s0], s1  }
0x64: {  	s0 =	simm.s32 @!p0 $0x3  }
0x65: {  	_ =	swait.ge @!p0 [sflag:s0], s1  }
0x66: {  	s1 =	ssub.s32 @!p0 $0x0, s1;
	[sflag:s0] =	ssyncset.done @!p0 $0x0  }
0x67: {  	[sflag:s0] =	ssyncadd.s32 @!p0 s1  }
0x68: {  	[bflag:$0x3] =	sbarrier.arrive $0xFFFF  }
0x69: {  	_ =	shalt  }

</sc_bundles>
